<compile_context>
chip_gen: v7x
topology: tpu7x:2x2x1
jax: 0.10.2.dev20260603
libtpu: 0.0.44.dev20260713+nightly
codegen_flags: <defaults>
</compile_context>

<pallas_src>
import functools

import jax
import jax.numpy as jnp
from jax import lax
from jax.experimental import pallas as pl
from jax.experimental.pallas import tpu as pltpu
from jax.experimental.pallas import tpu_sc as plsc

NC, NS, L = 2, 16, 16
NW = NC * NS
IW = 128
G = 2
CHUNK = G * IW
NBUF = 3


def _build_sc_call(N, V, D, VROWS):
    n_per_w = N // NW
    n_chunks = n_per_w // CHUNK
    rows_per_tile = VROWS // NS
    mesh = plsc.VectorSubcoreMesh(
        core_axis_name="c", subcore_axis_name="s",
        num_cores=NC, num_subcores=NS)

    @functools.partial(
        pl.kernel,
        out_type=jax.ShapeDtypeStruct((N, D), jnp.float32),
        mesh=mesh,
        scratch_types=[
            pltpu.VMEM_SHARED((VROWS, D), jnp.float32),
            pltpu.VMEM((8, D), jnp.float32),
            pltpu.VMEM((D,), jnp.float32),
            [pltpu.VMEM((G, 2 * IW), jnp.int32) for _ in range(NBUF)],
            [pltpu.VMEM((G, IW), jnp.int32) for _ in range(NBUF)],
            [pltpu.VMEM((CHUNK, D), jnp.float32) for _ in range(NBUF)],
            [pltpu.SemaphoreType.DMA for _ in range(NBUF)],
            [pltpu.SemaphoreType.DMA for _ in range(NBUF)],
            [pltpu.SemaphoreType.DMA for _ in range(NBUF)],
        ],
    )
    def sc_fn(idm_hbm, table_hbm, bias_hbm, out_hbm,
              aug_sh, row1_v, bias_v, in_v, eff_v, row_v, sem_i, sem_o,
              sem_g):
        cid = lax.axis_index("c")
        sid = lax.axis_index("s")
        wid = sid * NC + cid

        gbase = wid * (n_per_w // IW)

        def fire_input(c, b):
            pltpu.async_copy(idm_hbm.at[pl.ds(gbase + c * G, G)],
                             in_v[b], sem_i[b])

        def wait_input(c, b):
            pltpu.make_async_copy(idm_hbm.at[pl.ds(gbase + c * G, G)],
                                  in_v[b], sem_i[b]).wait()

        def wait_output(b):
            pltpu.make_async_copy(row_v[b], out_hbm.at[pl.ds(0, CHUNK)],
                                  sem_o[b]).wait()

        for b in range(NBUF):
            fire_input(b, b)

        NTAB = VROWS // 8
        base = pl.multiple_of(sid * 8, 8)

        @pl.when(sid < NTAB)
        def _table_rows():
            bias_d = pltpu.async_copy(bias_hbm, bias_v, sem_g[0])
            rows_d = pltpu.async_copy(table_hbm.at[pl.ds(base, 8)], row1_v,
                                      sem_g[1])
            bias_d.wait()
            rows_d.wait()
            for k in range(8):
                @pl.when(base + k < V)
                def _add():
                    for j in range(D // L):
                        sl = pl.ds(j * L, L)
                        row1_v[k, sl] = row1_v[k, sl] + bias_v[sl]
            pltpu.sync_copy(row1_v, aug_sh.at[pl.ds(base, 8)])

        plsc.subcore_barrier()

        def fire_gather(b):
            for g in range(G):
                pltpu.async_copy(aug_sh.at[eff_v[b].at[g]],
                                 row_v[b].at[pl.ds(g * IW, IW)],
                                 sem_g[b])

        def wait_gather(b):
            for g in range(G):
                pltpu.make_async_copy(aug_sh.at[eff_v[b].at[g]],
                                      row_v[b].at[pl.ds(g * IW, IW)],
                                      sem_g[b]).wait()

        def stage_front(c, b, fire_in, wait_out):
            wait_input(c, b)

            def sel(k, c2):
                sl = pl.ds(k * L, L)
                msl = pl.ds(k * L + IW, L)
                for g in range(G):
                    idv = in_v[b][g, sl]
                    mv = in_v[b][g, msl]
                    eff_v[b][g, sl] = jnp.where(mv != 0, V, idv)
                return c2

            lax.fori_loop(0, IW // L, sel, 0)

            if isinstance(fire_in, bool):
                if fire_in:
                    fire_input(c + NBUF, b)
            else:
                @pl.when(fire_in)
                def _():
                    fire_input(c + NBUF, b)

            if wait_out:
                wait_output(b)
            fire_gather(b)

        def stage_back(c, b):
            wait_gather(b)
            pltpu.async_copy(row_v[b],
                             out_hbm.at[pl.ds((gbase + c * G) * IW, CHUNK)],
                             sem_o[b])

        stage_front(0, 0, fire_in=bool(NBUF < n_chunks), wait_out=False)
        for c in range(0, NBUF - 1):
            stage_back(c, c % NBUF)
            stage_front(c + 1, (c + 1) % NBUF,
                        fire_in=bool(c + 1 + NBUF < n_chunks),
                        wait_out=False)
        n_main = ((n_chunks - 1) // NBUF) * NBUF

        for c in range(NBUF - 1, NBUF):
            stage_back(c, c % NBUF)
            stage_front(c + 1, (c + 1) % NBUF,
                        fire_in=bool(c + 1 + NBUF < n_chunks),
                        wait_out=True)

        def outer(o, carry):
            for b in range(NBUF):
                c = o * NBUF + b
                stage_back(c, b)
                stage_front(c + 1, (b + 1) % NBUF,
                            fire_in=(c + 1 + NBUF < n_chunks),
                            wait_out=True)
            return carry

        lax.fori_loop(1, n_main // NBUF, outer, 0)
        for c in range(n_main, n_chunks - 1):
            stage_back(c, c % NBUF)
            stage_front(c + 1, (c + 1) % NBUF, fire_in=False, wait_out=True)
        stage_back(n_chunks - 1, (n_chunks - 1) % NBUF)

        for b in range(NBUF):
            wait_output(b)

    return sc_fn


def kernel(phoneme_ids, padding_mask, table, pos_bias):
    B, T = phoneme_ids.shape
    V, D = table.shape
    N = B * T
    VROWS = ((V + 1 + NS - 1) // NS) * NS

    ids = phoneme_ids.reshape(N // IW, IW).astype(jnp.int32)
    mask = padding_mask.reshape(N // IW, IW).astype(jnp.int32)
    idm = jnp.concatenate([ids, mask], axis=1)
    bias = pos_bias.reshape(D).astype(jnp.float32)
    table_p = jnp.concatenate(
        [table.astype(jnp.float32), jnp.zeros((VROWS - V, D), jnp.float32)],
        axis=0)

    sc_fn = _build_sc_call(N, V, D, VROWS)
    out = sc_fn(idm, table_p, bias)
    return out.reshape(B, T, D)

# --- scband reference (transcript-rebuilt; emitter-appended) ---
"""Pipeline reference for scband-real-data-1571958030465 (READ-ONLY COPY).

The authoritative reference and input builder live on the scoring server;
editing this copy changes nothing except your own understanding.
"""

import jax, jax.numpy as jnp
import numpy as np

B, T, V, D = 1024, 200, 41, 128

def setup_inputs(seed: int = 0) -> dict:
    key = jax.random.key(seed)
    k1, k2 = jax.random.split(key)
    phoneme_ids = jax.random.randint(k1, (B, T), 0, V, dtype=jnp.int64 if jax.config.jax_enable_x64 else jnp.int32)
    padding_mask = jnp.zeros((B, T), dtype=bool)
    table = jax.random.normal(k2, (V, D), dtype=jnp.float32)
    # padding_idx=0 row is zero in torch nn.Embedding(padding_idx=0)
    table = table.at[0].set(0.0)
    pos_bias = jnp.zeros((1, 1, D), dtype=jnp.float32)
    return {"phoneme_ids": phoneme_ids, "padding_mask": padding_mask, "table": table, "pos_bias": pos_bias}

def reference(phoneme_ids, padding_mask, table, pos_bias):
    # embedding lookup (gather)
    embeddings = jnp.take(table, phoneme_ids, axis=0)  # [B, T, D]
    embeddings = embeddings + pos_bias
    embeddings = embeddings * (~padding_mask)[..., None].astype(jnp.float32)
    return embeddings

if __name__ == "__main__":
    import jax
    _d = setup_inputs()
    print(jax.jit(kernel)(*tuple(_d.values())))

</pallas_src>

<mosaic_0001>
#map = affine_map<(d0, d1) -> (0, 0)>
#map1 = affine_map<(d0, d1) -> (0)>
module attributes {stable_mosaic.version = 14 : i64} {
  func.func @sc_fn(%arg0: i32, %arg1: i32, %arg2: memref<1600x256xi32, #tpu.memory_space<hbm>>, %arg3: memref<48x128xf32, #tpu.memory_space<hbm>>, %arg4: memref<128xf32, #tpu.memory_space<hbm>>, %arg5: memref<204800x128xf32, #tpu.memory_space<hbm>>, %arg6: memref<48x128xf32, #tpu.memory_space<vmem_shared>>, %arg7: memref<8x128xf32, #tpu.memory_space<vmem>>, %arg8: memref<128xf32, #tpu.memory_space<vmem>>, %arg9: memref<2x256xi32, #tpu.memory_space<vmem>>, %arg10: memref<2x256xi32, #tpu.memory_space<vmem>>, %arg11: memref<2x256xi32, #tpu.memory_space<vmem>>, %arg12: memref<2x128xi32, #tpu.memory_space<vmem>>, %arg13: memref<2x128xi32, #tpu.memory_space<vmem>>, %arg14: memref<2x128xi32, #tpu.memory_space<vmem>>, %arg15: memref<256x128xf32, #tpu.memory_space<vmem>>, %arg16: memref<256x128xf32, #tpu.memory_space<vmem>>, %arg17: memref<256x128xf32, #tpu.memory_space<vmem>>, %arg18: memref<!tpu.dma_semaphore, #tpu.memory_space<semaphore_mem>>, %arg19: memref<!tpu.dma_semaphore, #tpu.memory_space<semaphore_mem>>, %arg20: memref<!tpu.dma_semaphore, #tpu.memory_space<semaphore_mem>>, %arg21: memref<!tpu.dma_semaphore, #tpu.memory_space<semaphore_mem>>, %arg22: memref<!tpu.dma_semaphore, #tpu.memory_space<semaphore_mem>>, %arg23: memref<!tpu.dma_semaphore, #tpu.memory_space<semaphore_mem>>, %arg24: memref<!tpu.dma_semaphore, #tpu.memory_space<semaphore_mem>>, %arg25: memref<!tpu.dma_semaphore, #tpu.memory_space<semaphore_mem>>, %arg26: memref<!tpu.dma_semaphore, #tpu.memory_space<semaphore_mem>>) attributes {dimension_semantics = [#tpu.dimension_semantics<core_parallel>, #tpu.dimension_semantics<subcore_parallel>], iteration_bounds = array<i64: 2, 16>, scalar_prefetch = 0 : i64, scratch_operands = 21 : i64, tpu.core_type = #tpu.core_type<sc_vector_subcore>, window_params = [{transform_indices = #map}, {transform_indices = #map}, {transform_indices = #map1}, {transform_indices = #map}]} {
    %mul3A = arith.constant 2 : i32
    %mul3A_0 = arith.muli %arg1, %mul3A : i32
    %add3A = arith.addi %mul3A_0, %arg0 : i32
    %mul3A_1 = arith.constant 50 : i32
    %mul3A_2 = arith.muli %add3A, %mul3A_1 : i32
    %add3A_3 = arith.constant 0 : i32
    %add3A_4 = arith.addi %mul3A_2, %add3A_3 : i32
    %dma_start3A = arith.constant 0 : i32
    %dma_start3A_5 = tpu.memref_slice %arg2[%add3A_4, %dma_start3A] : memref<1600x256xi32, #tpu.memory_space<hbm>> -> memref<2x256xi32, #tpu.memory_space<hbm>>
    %dma_start3A_6 = arith.constant 0 : i32
    %dma_start3A_7 = tpu.memref_slice %arg2[%add3A_4, %dma_start3A_6] : memref<1600x256xi32, #tpu.memory_space<hbm>> -> memref<2x256xi32, #tpu.memory_space<hbm>>
    tpu.enqueue_dma source(%dma_start3A_7 : memref<2x256xi32, #tpu.memory_space<hbm>>) target(%arg9 : memref<2x256xi32, #tpu.memory_space<vmem>>) target_semaphore(%arg18 : memref<!tpu.dma_semaphore, #tpu.memory_space<semaphore_mem>>)
    %add3A_8 = arith.constant 2 : i32
    %add3A_9 = arith.addi %mul3A_2, %add3A_8 : i32
    %dma_start3A_10 = arith.constant 0 : i32
    %dma_start3A_11 = tpu.memref_slice %arg2[%add3A_9, %dma_start3A_10] : memref<1600x256xi32, #tpu.memory_space<hbm>> -> memref<2x256xi32, #tpu.memory_space<hbm>>
    %dma_start3A_12 = arith.constant 0 : i32
    %dma_start3A_13 = tpu.memref_slice %arg2[%add3A_9, %dma_start3A_12] : memref<1600x256xi32, #tpu.memory_space<hbm>> -> memref<2x256xi32, #tpu.memory_space<hbm>>
    tpu.enqueue_dma source(%dma_start3A_13 : memref<2x256xi32, #tpu.memory_space<hbm>>) target(%arg10 : memref<2x256xi32, #tpu.memory_space<vmem>>) target_semaphore(%arg19 : memref<!tpu.dma_semaphore, #tpu.memory_space<semaphore_mem>>)
    %add3A_14 = arith.constant 4 : i32
    %add3A_15 = arith.addi %mul3A_2, %add3A_14 : i32
    %dma_start3A_16 = arith.constant 0 : i32
    %dma_start3A_17 = tpu.memref_slice %arg2[%add3A_15, %dma_start3A_16] : memref<1600x256xi32, #tpu.memory_space<hbm>> -> memref<2x256xi32, #tpu.memory_space<hbm>>
    %dma_start3A_18 = arith.constant 0 : i32
    %dma_start3A_19 = tpu.memref_slice %arg2[%add3A_15, %dma_start3A_18] : memref<1600x256xi32, #tpu.memory_space<hbm>> -> memref<2x256xi32, #tpu.memory_space<hbm>>
    tpu.enqueue_dma source(%dma_start3A_19 : memref<2x256xi32, #tpu.memory_space<hbm>>) target(%arg11 : memref<2x256xi32, #tpu.memory_space<vmem>>) target_semaphore(%arg20 : memref<!tpu.dma_semaphore, #tpu.memory_space<semaphore_mem>>)
    %mul3A_20 = arith.constant 8 : i32
    %mul3A_21 = arith.muli %arg1, %mul3A_20 : i32
    %multiple_of3A = tpu.assume_multiple %mul3A_21, 8 : i32
    %lt3A = arith.constant 6 : i32
    %lt3A_22 = arith.cmpi slt, %arg1, %lt3A : i32
    %convert_element_type3A = arith.extui %lt3A_22 : i1 to i32
    %cond3A = arith.constant 0 : i32
    %cond3A_23 = arith.cmpi ne, %convert_element_type3A, %cond3A : i32
    scf.if %cond3A_23 {
      tpu.enqueue_dma source(%arg4 : memref<128xf32, #tpu.memory_space<hbm>>) target(%arg8 : memref<128xf32, #tpu.memory_space<vmem>>) target_semaphore(%arg24 : memref<!tpu.dma_semaphore, #tpu.memory_space<semaphore_mem>>)
      %dma_start3A_316 = arith.constant 0 : i32
      %dma_start3A_317 = tpu.memref_slice %arg3[%multiple_of3A, %dma_start3A_316] : memref<48x128xf32, #tpu.memory_space<hbm>> -> memref<8x128xf32, #tpu.memory_space<hbm>>
      %dma_start3A_318 = arith.constant 0 : i32
      %dma_start3A_319 = tpu.memref_slice %arg3[%multiple_of3A, %dma_start3A_318] : memref<48x128xf32, #tpu.memory_space<hbm>> -> memref<8x128xf32, #tpu.memory_space<hbm>>
      tpu.enqueue_dma source(%dma_start3A_319 : memref<8x128xf32, #tpu.memory_space<hbm>>) target(%arg7 : memref<8x128xf32, #tpu.memory_space<vmem>>) target_semaphore(%arg25 : memref<!tpu.dma_semaphore, #tpu.memory_space<semaphore_mem>>)
      tpu.wait_dma2 semaphore(%arg24 : memref<!tpu.dma_semaphore, #tpu.memory_space<semaphore_mem>>) src(%arg4 : memref<128xf32, #tpu.memory_space<hbm>>) dst(%arg8 : memref<128xf32, #tpu.memory_space<vmem>>)
      %dma_wait3A_320 = arith.constant 0 : i32
      %dma_wait3A_321 = tpu.memref_slice %arg3[%multiple_of3A, %dma_wait3A_320] : memref<48x128xf32, #tpu.memory_space<hbm>> -> memref<8x128xf32, #tpu.memory_space<hbm>>
      %dma_wait3A_322 = arith.constant 0 : i32
      %dma_wait3A_323 = tpu.memref_slice %arg3[%multiple_of3A, %dma_wait3A_322] : memref<48x128xf32, #tpu.memory_space<hbm>> -> memref<8x128xf32, #tpu.memory_space<hbm>>
      tpu.wait_dma2 semaphore(%arg25 : memref<!tpu.dma_semaphore, #tpu.memory_space<semaphore_mem>>) src(%dma_wait3A_323 : memref<8x128xf32, #tpu.memory_space<hbm>>) dst(%arg7 : memref<8x128xf32, #tpu.memory_space<vmem>>)
      %add3A_324 = arith.constant 0 : i32
      %add3A_325 = arith.addi %multiple_of3A, %add3A_324 : i32
      %lt3A_326 = arith.constant 41 : i32
      %lt3A_327 = arith.cmpi slt, %add3A_325, %lt3A_326 : i32
      %convert_element_type3A_328 = arith.extui %lt3A_327 : i1 to i32
      %cond3A_329 = arith.constant 0 : i32
      %cond3A_330 = arith.cmpi ne, %convert_element_type3A_328, %cond3A_329 : i32
      scf.if %cond3A_330 {
        %get3A = arith.constant 0 : i32
        %get3A_380 = arith.index_cast %get3A : i32 to index
        %get3A_381 = arith.constant 0 : index
        %get3A_382 = tpu.vector_load %arg7[%get3A_380, %get3A_381] {strides = array<i32>} : memref<8x128xf32, #tpu.memory_space<vmem>>, vector<1x16xf32>,
        %get3A_383 = vector.shape_cast %get3A_382 : vector<1x16xf32> to vector<16xf32>
        %get3A_384 = arith.constant 0 : index
        %get3A_385 = tpu.vector_load %arg8[%get3A_384] {strides = array<i32>} : memref<128xf32, #tpu.memory_space<vmem>>, vector<16xf32>,
        %get3A_386 = vector.shape_cast %get3A_385 : vector<16xf32> to vector<16xf32>
        %add3A_387 = arith.addf %get3A_383, %get3A_386 : vector<16xf32>
        %swap3A = arith.constant 0 : i32
        %swap3A_388 = arith.index_cast %swap3A : i32 to index
        %swap3A_389 = arith.constant 0 : index
        %swap3A_390 = tpu.vector_load %arg7[%swap3A_388, %swap3A_389] {strides = array<i32>} : memref<8x128xf32, #tpu.memory_space<vmem>>, vector<1x16xf32>,
        %swap3A_391 = vector.shape_cast %swap3A_390 : vector<1x16xf32> to vector<16xf32>
        %swap3A_392 = vector.shape_cast %add3A_387 : vector<16xf32> to vector<1x16xf32>
        tpu.vector_store %arg7[%swap3A_388, %swap3A_389], %swap3A_392 {strides = array<i32>} : memref<8x128xf32, #tpu.memory_space<vmem>>, vector<1x16xf32>,
        %get3A_393 = arith.constant 0 : i32
        %get3A_394 = arith.index_cast %get3A_393 : i32 to index
        %get3A_395 = arith.constant 16 : index
        %get3A_396 = tpu.vector_load %arg7[%get3A_394, %get3A_395] {strides = array<i32>} : memref<8x128xf32, #tpu.memory_space<vmem>>, vector<1x16xf32>,
        %get3A_397 = vector.shape_cast %get3A_396 : vector<1x16xf32> to vector<16xf32>
        %get3A_398 = arith.constant 16 : index
        %get3A_399 = tpu.vector_load %arg8[%get3A_398] {strides = array<i32>} : memref<128xf32, #tpu.memory_space<vmem>>, vector<16xf32>,
        %get3A_400 = vector.shape_cast %get3A_399 : vector<16xf32> to vector<16xf32>
        %add3A_401 = arith.addf %get3A_397, %get3A_400 : vector<16xf32>
        %swap3A_402 = arith.constant 0 : i32
        %swap3A_403 = arith.index_cast %swap3A_402 : i32 to index
        %swap3A_404 = arith.constant 16 : index
        %swap3A_405 = tpu.vector_load %arg7[%swap3A_403, %swap3A_404] {strides = array<i32>} : memref<8x128xf32, #tpu.memory_space<vmem>>, vector<1x16xf32>,
        %swap3A_406 = vector.shape_cast %swap3A_405 : vector<1x16xf32> to vector<16xf32>
        %swap3A_407 = vector.shape_cast %add3A_401 : vector<16xf32> to vector<1x16xf32>
        tpu.vector_store %arg7[%swap3A_403, %swap3A_404], %swap3A_407 {strides = array<i32>} : memref<8x128xf32, #tpu.memory_space<vmem>>, vector<1x16xf32>,
        %get3A_408 = arith.constant 0 : i32
        %get3A_409 = arith.index_cast %get3A_408 : i32 to index
        %get3A_410 = arith.constant 32 : index
        %get3A_411 = tpu.vector_load %arg7[%get3A_409, %get3A_410] {strides = array<i32>} : memref<8x128xf32, #tpu.memory_space<vmem>>, vector<1x16xf32>,
        %get3A_412 = vector.shape_cast %get3A_411 : vector<1x16xf32> to vector<16xf32>
        %get3A_413 = arith.constant 32 : index
        %get3A_414 = tpu.vector_load %arg8[%get3A_413] {strides = array<i32>} : memref<128xf32, #tpu.memory_space<vmem>>, vector<16xf32>,
        %get3A_415 = vector.shape_cast %get3A_414 : vector<16xf32> to vector<16xf32>
        %add3A_416 = arith.addf %get3A_412, %get3A_415 : vector<16xf32>
        %swap3A_417 = arith.constant 0 : i32
        %swap3A_418 = arith.index_cast %swap3A_417 : i32 to index
        %swap3A_419 = arith.constant 32 : index
        %swap3A_420 = tpu.vector_load %arg7[%swap3A_418, %swap3A_419] {strides = array<i32>} : memref<8x128xf32, #tpu.memory_space<vmem>>, vector<1x16xf32>,
        %swap3A_421 = vector.shape_cast %swap3A_420 : vector<1x16xf32> to vector<16xf32>
        %swap3A_422 = vector.shape_cast %add3A_416 : vector<16xf32> to vector<1x16xf32>
        tpu.vector_store %arg7[%swap3A_418, %swap3A_419], %swap3A_422 {strides = array<i32>} : memref<8x128xf32, #tpu.memory_space<vmem>>, vector<1x16xf32>,
        %get3A_423 = arith.constant 0 : i32
        %get3A_424 = arith.index_cast %get3A_423 : i32 to index
        %get3A_425 = arith.constant 48 : index
        %get3A_426 = tpu.vector_load %arg7[%get3A_424, %get3A_425] {strides = array<i32>} : memref<8x128xf32, #tpu.memory_space<vmem>>, vector<1x16xf32>,
        %get3A_427 = vector.shape_cast %get3A_426 : vector<1x16xf32> to vector<16xf32>
        %get3A_428 = arith.constant 48 : index
        %get3A_429 = tpu.vector_load %arg8[%get3A_428] {strides = array<i32>} : memref<128xf32, #tpu.memory_space<vmem>>, vector<16xf32>,
        %get3A_430 = vector.shape_cast %get3A_429 : vector<16xf32> to vector<16xf32>
        %add3A_431 = arith.addf %get3A_427, %get3A_430 : vector<16xf32>
        %swap3A_432 = arith.constant 0 : i32
        %swap3A_433 = arith.index_cast %swap3A_432 : i32 to index
        %swap3A_434 = arith.constant 48 : index
        %swap3A_435 = tpu.vector_load %arg7[%swap3A_433, %swap3A_434] {strides = array<i32>} : memref<8x128xf32, #tpu.memory_space<vmem>>, vector<1x16xf32>,
        %swap3A_436 = vector.shape_cast %swap3A_435 : vector<1x16xf32> to vector<16xf32>
        %swap3A_437 = vector.shape_cast %add3A_431 : vector<16xf32> to vector<1x16xf32>
        tpu.vector_store %arg7[%swap3A_433, %swap3A_434], %swap3A_437 {strides = array<i32>} : memref<8x128xf32, #tpu.memory_space<vmem>>, vector<1x16xf32>,
        %get3A_438 = arith.constant 0 : i32
        %get3A_439 = arith.index_cast %get3A_438 : i32 to index
        %get3A_440 = arith.constant 64 : index
        %get3A_441 = tpu.vector_load %arg7[%get3A_439, %get3A_440] {strides = array<i32>} : memref<8x128xf32, #tpu.memory_space<vmem>>, vector<1x16xf32>,
        %get3A_442 = vector.shape_cast %get3A_441 : vector<1x16xf32> to vector<16xf32>
        %get3A_443 = arith.constant 64 : index
        %get3A_444 = tpu.vector_load %arg8[%get3A_443] {strides = array<i32>} : memref<128xf32, #tpu.memory_space<vmem>>, vector<16xf32>,
        %get3A_445 = vector.shape_cast %get3A_444 : vector<16xf32> to vector<16xf32>
        %add3A_446 = arith.addf %get3A_442, %get3A_445 : vector<16xf32>
        %swap3A_447 = arith.constant 0 : i32
        %swap3A_448 = arith.index_cast %swap3A_447 : i32 to index
        %swap3A_449 = arith.constant 64 : index
        %swap3A_450 = tpu.vector_load %arg7[%swap3A_448, %swap3A_449] {strides = array<i32>} : memref<8x128xf32, #tpu.memory_space<vmem>>, vector<1x16xf32>,
        %swap3A_451 = vector.shape_cast %swap3A_450 : vector<1x16xf32> to vector<16xf32>
        %swap3A_452 = vector.shape_cast %add3A_446 : vector<16xf32> to vector<1x16xf32>
        tpu.vector_store %arg7[%swap3A_448, %swap3A_449], %swap3A_452 {strides = array<i32>} : memref<8x128xf32, #tpu.memory_space<vmem>>, vector<1x16xf32>,
        %get3A_453 = arith.constant 0 : i32
        %get3A_454 = arith.index_cast %get3A_453 : i32 to index
        %get3A_455 = arith.constant 80 : index
        %get3A_456 = tpu.vector_load %arg7[%get3A_454, %get3A_455] {strides = array<i32>} : memref<8x128xf32, #tpu.memory_space<vmem>>, vector<1x16xf32>,
        %get3A_457 = vector.shape_cast %get3A_456 : vector<1x16xf32> to vector<16xf32>
        %get3A_458 = arith.constant 80 : index
        %get3A_459 = tpu.vector_load %arg8[%get3A_458] {strides = array<i32>} : memref<128xf32, #tpu.memory_space<vmem>>, vector<16xf32>,
        %get3A_460 = vector.shape_cast %get3A_459 : vector<16xf32> to vector<16xf32>
        %add3A_461 = arith.addf %get3A_457, %get3A_460 : vector<16xf32>
        %swap3A_462 = arith.constant 0 : i32
        %swap3A_463 = arith.index_cast %swap3A_462 : i32 to index
        %swap3A_464 = arith.constant 80 : index
        %swap3A_465 = tpu.vector_load %arg7[%swap3A_463, %swap3A_464] {strides = array<i32>} : memref<8x128xf32, #tpu.memory_space<vmem>>, vector<1x16xf32>,
        %swap3A_466 = vector.shape_cast %swap3A_465 : vector<1x16xf32> to vector<16xf32>
        %swap3A_467 = vector.shape_cast %add3A_461 : vector<16xf32> to vector<1x16xf32>
        tpu.vector_store %arg7[%swap3A_463, %swap3A_464], %swap3A_467 {strides = array<i32>} : memref<8x128xf32, #tpu.memory_space<vmem>>, vector<1x16xf32>,
        %get3A_468 = arith.constant 0 : i32
        %get3A_469 = arith.index_cast %get3A_468 : i32 to index
        %get3A_470 = arith.constant 96 : index
        %get3A_471 = tpu.vector_load %arg7[%get3A_469, %get3A_470] {strides = array<i32>} : memref<8x128xf32, #tpu.memory_space<vmem>>, vector<1x16xf32>,
        %get3A_472 = vector.shape_cast %get3A_471 : vector<1x16xf32> to vector<16xf32>
        %get3A_473 = arith.constant 96 : index
        %get3A_474 = tpu.vector_load %arg8[%get3A_473] {strides = array<i32>} : memref<128xf32, #tpu.memory_space<vmem>>, vector<16xf32>,
        %get3A_475 = vector.shape_cast %get3A_474 : vector<16xf32> to vector<16xf32>
        %add3A_476 = arith.addf %get3A_472, %get3A_475 : vector<16xf32>
        %swap3A_477 = arith.constant 0 : i32
        %swap3A_478 = arith.index_cast %swap3A_477 : i32 to index
        %swap3A_479 = arith.constant 96 : index
        %swap3A_480 = tpu.vector_load %arg7[%swap3A_478, %swap3A_479] {strides = array<i32>} : memref<8x128xf32, #tpu.memory_space<vmem>>, vector<1x16xf32>,
        %swap3A_481 = vector.shape_cast %swap3A_480 : vector<1x16xf32> to vector<16xf32>
        %swap3A_482 = vector.shape_cast %add3A_476 : vector<16xf32> to vector<1x16xf32>
        tpu.vector_store %arg7[%swap3A_478, %swap3A_479], %swap3A_482 {strides = array<i32>} : memref<8x128xf32, #tpu.memory_space<vmem>>, vector<1x16xf32>,
        %get3A_483 = arith.constant 0 : i32
        %get3A_484 = arith.index_cast %get3A_483 : i32 to index
        %get3A_485 = arith.constant 112 : index
        %get3A_486 = tpu.vector_load %arg7[%get3A_484, %get3A_485] {strides = array<i32>} : memref<8x128xf32, #tpu.memory_space<vmem>>, vector<1x16xf32>,
        %get3A_487 = vector.shape_cast %get3A_486 : vector<1x16xf32> to vector<16xf32>
        %get3A_488 = arith.constant 112 : index
        %get3A_489 = tpu.vector_load %arg8[%get3A_488] {strides = array<i32>} : memref<128xf32, #tpu.memory_space<vmem>>, vector<16xf32>,
        %get3A_490 = vector.shape_cast %get3A_489 : vector<16xf32> to vector<16xf32>
        %add3A_491 = arith.addf %get3A_487, %get3A_490 : vector<16xf32>
        %swap3A_492 = arith.constant 0 : i32
        %swap3A_493 = arith.index_cast %swap3A_492 : i32 to index
        %swap3A_494 = arith.constant 112 : index
        %swap3A_495 = tpu.vector_load %arg7[%swap3A_493, %swap3A_494] {strides = array<i32>} : memref<8x128xf32, #tpu.memory_space<vmem>>, vector<1x16xf32>,
        %swap3A_496 = vector.shape_cast %swap3A_495 : vector<1x16xf32> to vector<16xf32>
        %swap3A_497 = vector.shape_cast %add3A_491 : vector<16xf32> to vector<1x16xf32>
        tpu.vector_store %arg7[%swap3A_493, %swap3A_494], %swap3A_497 {strides = array<i32>} : memref<8x128xf32, #tpu.memory_space<vmem>>, vector<1x16xf32>,
      } else {
      }
      %add3A_331 = arith.constant 1 : i32
      %add3A_332 = arith.addi %multiple_of3A, %add3A_331 : i32
      %lt3A_333 = arith.constant 41 : i32
      %lt3A_334 = arith.cmpi slt, %add3A_332, %lt3A_333 : i32
      %convert_element_type3A_335 = arith.extui %lt3A_334 : i1 to i32
      %cond3A_336 = arith.constant 0 : i32
      %cond3A_337 = arith.cmpi ne, %convert_element_type3A_335, %cond3A_336 : i32
      scf.if %cond3A_337 {
        %get3A = arith.constant 1 : i32
        %get3A_380 = arith.index_cast %get3A : i32 to index
        %get3A_381 = arith.constant 0 : index
        %get3A_382 = tpu.vector_load %arg7[%get3A_380, %get3A_381] {strides = array<i32>} : memref<8x128xf32, #tpu.memory_space<vmem>>, vector<1x16xf32>,
        %get3A_383 = vector.shape_cast %get3A_382 : vector<1x16xf32> to vector<16xf32>
        %get3A_384 = arith.constant 0 : index
        %get3A_385 = tpu.vector_load %arg8[%get3A_384] {strides = array<i32>} : memref<128xf32, #tpu.memory_space<vmem>>, vector<16xf32>,
        %get3A_386 = vector.shape_cast %get3A_385 : vector<16xf32> to vector<16xf32>
        %add3A_387 = arith.addf %get3A_383, %get3A_386 : vector<16xf32>
        %swap3A = arith.constant 1 : i32
        %swap3A_388 = arith.index_cast %swap3A : i32 to index
        %swap3A_389 = arith.constant 0 : index
        %swap3A_390 = tpu.vector_load %arg7[%swap3A_388, %swap3A_389] {strides = array<i32>} : memref<8x128xf32, #tpu.memory_space<vmem>>, vector<1x16xf32>,
        %swap3A_391 = vector.shape_cast %swap3A_390 : vector<1x16xf32> to vector<16xf32>
        %swap3A_392 = vector.shape_cast %add3A_387 : vector<16xf32> to vector<1x16xf32>
        tpu.vector_store %arg7[%swap3A_388, %swap3A_389], %swap3A_392 {strides = array<i32>} : memref<8x128xf32, #tpu.memory_space<vmem>>, vector<1x16xf32>,
        %get3A_393 = arith.constant 1 : i32
        %get3A_394 = arith.index_cast %get3A_393 : i32 to index
        %get3A_395 = arith.constant 16 : index
        %get3A_396 = tpu.vector_load %arg7[%get3A_394, %get3A_395] {strides = array<i32>} : memref<8x128xf32, #tpu.memory_space<vmem>>, vector<1x16xf32>,
        %get3A_397 = vector.shape_cast %get3A_396 : vector<1x16xf32> to vector<16xf32>
        %get3A_398 = arith.constant 16 : index
        %get3A_399 = tpu.vector_load %arg8[%get3A_398] {strides = array<i32>} : memref<128xf32, #tpu.memory_space<vmem>>, vector<16xf32>,
        %get3A_400 = vector.shape_cast %get3A_399 : vector<16xf32> to vector<16xf32>
        %add3A_401 = arith.addf %get3A_397, %get3A_400 : vector<16xf32>
        %swap3A_402 = arith.constant 1 : i32
        %swap3A_403 = arith.index_cast %swap3A_402 : i32 to index
        %swap3A_404 = arith.constant 16 : index
        %swap3A_405 = tpu.vector_load %arg7[%swap3A_403, %swap3A_404] {strides = array<i32>} : memref<8x128xf32, #tpu.memory_space<vmem>>, vector<1x16xf32>,
        %swap3A_406 = vector.shape_cast %swap3A_405 : vector<1x16xf32> to vector<16xf32>
        %swap3A_407 = vector.shape_cast %add3A_401 : vector<16xf32> to vector<1x16xf32>
        tpu.vector_store %arg7[%swap3A_403, %swap3A_404], %swap3A_407 {strides = array<i32>} : memref<8x128xf32, #tpu.memory_space<vmem>>, vector<1x16xf32>,
        %get3A_408 = arith.constant 1 : i32
        %get3A_409 = arith.index_cast %get3A_408 : i32 to index
        %get3A_410 = arith.constant 32 : index
        %get3A_411 = tpu.vector_load %arg7[%get3A_409, %get3A_410] {strides = array<i32>} : memref<8x128xf32, #tpu.memory_space<vmem>>, vector<1x16xf32>,
        %get3A_412 = vector.shape_cast %get3A_411 : vector<1x16xf32> to vector<16xf32>
        %get3A_413 = arith.constant 32 : index
        %get3A_414 = tpu.vector_load %arg8[%get3A_413] {strides = array<i32>} : memref<128xf32, #tpu.memory_space<vmem>>, vector<16xf32>,
        %get3A_415 = vector.shape_cast %get3A_414 : vector<16xf32> to vector<16xf32>
        %add3A_416 = arith.addf %get3A_412, %get3A_415 : vector<16xf32>
        %swap3A_417 = arith.constant 1 : i32
        %swap3A_418 = arith.index_cast %swap3A_417 : i32 to index
        %swap3A_419 = arith.constant 32 : index
        %swap3A_420 = tpu.vector_load %arg7[%swap3A_418, %swap3A_419] {strides = array<i32>} : memref<8x128xf32, #tpu.memory_space<vmem>>, vector<1x16xf32>,
        %swap3A_421 = vector.shape_cast %swap3A_420 : vector<1x16xf32> to vector<16xf32>
        %swap3A_422 = vector.shape_cast %add3A_416 : vector<16xf32> to vector<1x16xf32>
        tpu.vector_store %arg7[%swap3A_418, %swap3A_419], %swap3A_422 {strides = array<i32>} : memref<8x128xf32, #tpu.memory_space<vmem>>, vector<1x16xf32>,
        %get3A_423 = arith.constant 1 : i32
        %get3A_424 = arith.index_cast %get3A_423 : i32 to index
        %get3A_425 = arith.constant 48 : index
        %get3A_426 = tpu.vector_load %arg7[%get3A_424, %get3A_425] {strides = array<i32>} : memref<8x128xf32, #tpu.memory_space<vmem>>, vector<1x16xf32>,
        %get3A_427 = vector.shape_cast %get3A_426 : vector<1x16xf32> to vector<16xf32>
        %get3A_428 = arith.constant 48 : index
        %get3A_429 = tpu.vector_load %arg8[%get3A_428] {strides = array<i32>} : memref<128xf32, #tpu.memory_space<vmem>>, vector<16xf32>,
        %get3A_430 = vector.shape_cast %get3A_429 : vector<16xf32> to vector<16xf32>
        %add3A_431 = arith.addf %get3A_427, %get3A_430 : vector<16xf32>
        %swap3A_432 = arith.constant 1 : i32
        %swap3A_433 = arith.index_cast %swap3A_432 : i32 to index
        %swap3A_434 = arith.constant 48 : index
        %swap3A_435 = tpu.vector_load %arg7[%swap3A_433, %swap3A_434] {strides = array<i32>} : memref<8x128xf32, #tpu.memory_space<vmem>>, vector<1x16xf32>,
        %swap3A_436 = vector.shape_cast %swap3A_435 : vector<1x16xf32> to vector<16xf32>
        %swap3A_437 = vector.shape_cast %add3A_431 : vector<16xf32> to vector<1x16xf32>
        tpu.vector_store %arg7[%swap3A_433, %swap3A_434], %swap3A_437 {strides = array<i32>} : memref<8x128xf32, #tpu.memory_space<vmem>>, vector<1x16xf32>,
        %get3A_438 = arith.constant 1 : i32
        %get3A_439 = arith.index_cast %get3A_438 : i32 to index
        %get3A_440 = arith.constant 64 : index
        %get3A_441 = tpu.vector_load %arg7[%get3A_439, %get3A_440] {strides = array<i32>} : memref<8x128xf32, #tpu.memory_space<vmem>>, vector<1x16xf32>,
        %get3A_442 = vector.shape_cast %get3A_441 : vector<1x16xf32> to vector<16xf32>
        %get3A_443 = arith.constant 64 : index
        %get3A_444 = tpu.vector_load %arg8[%get3A_443] {strides = array<i32>} : memref<128xf32, #tpu.memory_space<vmem>>, vector<16xf32>,
        %get3A_445 = vector.shape_cast %get3A_444 : vector<16xf32> to vector<16xf32>
        %add3A_446 = arith.addf %get3A_442, %get3A_445 : vector<16xf32>
        %swap3A_447 = arith.constant 1 : i32
        %swap3A_448 = arith.index_cast %swap3A_447 : i32 to index
        %swap3A_449 = arith.constant 64 : index
        %swap3A_450 = tpu.vector_load %arg7[%swap3A_448, %swap3A_449] {strides = array<i32>} : memref<8x128xf32, #tpu.memory_space<vmem>>, vector<1x16xf32>,
        %swap3A_451 = vector.shape_cast %swap3A_450 : vector<1x16xf32> to vector<16xf32>
        %swap3A_452 = vector.shape_cast %add3A_446 : vector<16xf32> to vector<1x16xf32>
        tpu.vector_store %arg7[%swap3A_448, %swap3A_449], %swap3A_452 {strides = array<i32>} : memref<8x128xf32, #tpu.memory_space<vmem>>, vector<1x16xf32>,
        %get3A_453 = arith.constant 1 : i32
        %get3A_454 = arith.index_cast %get3A_453 : i32 to index
        %get3A_455 = arith.constant 80 : index
        %get3A_456 = tpu.vector_load %arg7[%get3A_454, %get3A_455] {strides = array<i32>} : memref<8x128xf32, #tpu.memory_space<vmem>>, vector<1x16xf32>,
        %get3A_457 = vector.shape_cast %get3A_456 : vector<1x16xf32> to vector<16xf32>
        %get3A_458 = arith.constant 80 : index
        %get3A_459 = tpu.vector_load %arg8[%get3A_458] {strides = array<i32>} : memref<128xf32, #tpu.memory_space<vmem>>, vector<16xf32>,
        %get3A_460 = vector.shape_cast %get3A_459 : vector<16xf32> to vector<16xf32>
        %add3A_461 = arith.addf %get3A_457, %get3A_460 : vector<16xf32>
        %swap3A_462 = arith.constant 1 : i32
        %swap3A_463 = arith.index_cast %swap3A_462 : i32 to index
        %swap3A_464 = arith.constant 80 : index
        %swap3A_465 = tpu.vector_load %arg7[%swap3A_463, %swap3A_464] {strides = array<i32>} : memref<8x128xf32, #tpu.memory_space<vmem>>, vector<1x16xf32>,
        %swap3A_466 = vector.shape_cast %swap3A_465 : vector<1x16xf32> to vector<16xf32>
        %swap3A_467 = vector.shape_cast %add3A_461 : vector<16xf32> to vector<1x16xf32>
        tpu.vector_store %arg7[%swap3A_463, %swap3A_464], %swap3A_467 {strides = array<i32>} : memref<8x128xf32, #tpu.memory_space<vmem>>, vector<1x16xf32>,
        %get3A_468 = arith.constant 1 : i32
        %get3A_469 = arith.index_cast %get3A_468 : i32 to index
        %get3A_470 = arith.constant 96 : index
        %get3A_471 = tpu.vector_load %arg7[%get3A_469, %get3A_470] {strides = array<i32>} : memref<8x128xf32, #tpu.memory_space<vmem>>, vector<1x16xf32>,
        %get3A_472 = vector.shape_cast %get3A_471 : vector<1x16xf32> to vector<16xf32>
        %get3A_473 = arith.constant 96 : index
        %get3A_474 = tpu.vector_load %arg8[%get3A_473] {strides = array<i32>} : memref<128xf32, #tpu.memory_space<vmem>>, vector<16xf32>,
        %get3A_475 = vector.shape_cast %get3A_474 : vector<16xf32> to vector<16xf32>
        %add3A_476 = arith.addf %get3A_472, %get3A_475 : vector<16xf32>
        %swap3A_477 = arith.constant 1 : i32
        %swap3A_478 = arith.index_cast %swap3A_477 : i32 to index
        %swap3A_479 = arith.constant 96 : index
        %swap3A_480 = tpu.vector_load %arg7[%swap3A_478, %swap3A_479] {strides = array<i32>} : memref<8x128xf32, #tpu.memory_space<vmem>>, vector<1x16xf32>,
        %swap3A_481 = vector.shape_cast %swap3A_480 : vector<1x16xf32> to vector<16xf32>
        %swap3A_482 = vector.shape_cast %add3A_476 : vector<16xf32> to vector<1x16xf32>
        tpu.vector_store %arg7[%swap3A_478, %swap3A_479], %swap3A_482 {strides = array<i32>} : memref<8x128xf32, #tpu.memory_space<vmem>>, vector<1x16xf32>,
        %get3A_483 = arith.constant 1 : i32
        %get3A_484 = arith.index_cast %get3A_483 : i32 to index
        %get3A_485 = arith.constant 112 : index
        %get3A_486 = tpu.vector_load %arg7[%get3A_484, %get3A_485] {strides = array<i32>} : memref<8x128xf32, #tpu.memory_space<vmem>>, vector<1x16xf32>,
        %get3A_487 = vector.shape_cast %get3A_486 : vector<1x16xf32> to vector<16xf32>
        %get3A_488 = arith.constant 112 : index
        %get3A_489 = tpu.vector_load %arg8[%get3A_488] {strides = array<i32>} : memref<128xf32, #tpu.memory_space<vmem>>, vector<16xf32>,
        %get3A_490 = vector.shape_cast %get3A_489 : vector<16xf32> to vector<16xf32>
        %add3A_491 = arith.addf %get3A_487, %get3A_490 : vector<16xf32>
        %swap3A_492 = arith.constant 1 : i32
        %swap3A_493 = arith.index_cast %swap3A_492 : i32 to index
        %swap3A_494 = arith.constant 112 : index
        %swap3A_495 = tpu.vector_load %arg7[%swap3A_493, %swap3A_494] {strides = array<i32>} : memref<8x128xf32, #tpu.memory_space<vmem>>, vector<1x16xf32>,
        %swap3A_496 = vector.shape_cast %swap3A_495 : vector<1x16xf32> to vector<16xf32>
        %swap3A_497 = vector.shape_cast %add3A_491 : vector<16xf32> to vector<1x16xf32>
        tpu.vector_store %arg7[%swap3A_493, %swap3A_494], %swap3A_497 {strides = array<i32>} : memref<8x128xf32, #tpu.memory_space<vmem>>, vector<1x16xf32>,
      } else {
      }
      %add3A_338 = arith.constant 2 : i32
      %add3A_339 = arith.addi %multiple_of3A, %add3A_338 : i32
      %lt3A_340 = arith.constant 41 : i32
      %lt3A_341 = arith.cmpi slt, %add3A_339, %lt3A_340 : i32
      %convert_element_type3A_342 = arith.extui %lt3A_341 : i1 to i32
      %cond3A_343 = arith.constant 0 : i32
      %cond3A_344 = arith.cmpi ne, %convert_element_type3A_342, %cond3A_343 : i32
      scf.if %cond3A_344 {
        %get3A = arith.constant 2 : i32
        %get3A_380 = arith.index_cast %get3A : i32 to index
        %get3A_381 = arith.constant 0 : index
        %get3A_382 = tpu.vector_load %arg7[%get3A_380, %get3A_381] {strides = array<i32>} : memref<8x128xf32, #tpu.memory_space<vmem>>, vector<1x16xf32>,
        %get3A_383 = vector.shape_cast %get3A_382 : vector<1x16xf32> to vector<16xf32>
        %get3A_384 = arith.constant 0 : index
        %get3A_385 = tpu.vector_load %arg8[%get3A_384] {strides = array<i32>} : memref<128xf32, #tpu.memory_space<vmem>>, vector<16xf32>,
        %get3A_386 = vector.shape_cast %get3A_385 : vector<16xf32> to vector<16xf32>
        %add3A_387 = arith.addf %get3A_383, %get3A_386 : vector<16xf32>
        %swap3A = arith.constant 2 : i32
        %swap3A_388 = arith.index_cast %swap3A : i32 to index
        %swap3A_389 = arith.constant 0 : index
        %swap3A_390 = tpu.vector_load %arg7[%swap3A_388, %swap3A_389] {strides = array<i32>} : memref<8x128xf32, #tpu.memory_space<vmem>>, vector<1x16xf32>,
        %swap3A_391 = vector.shape_cast %swap3A_390 : vector<1x16xf32> to vector<16xf32>
        %swap3A_392 = vector.shape_cast %add3A_387 : vector<16xf32> to vector<1x16xf32>
        tpu.vector_store %arg7[%swap3A_388, %swap3A_389], %swap3A_392 {strides = array<i32>} : memref<8x128xf32, #tpu.memory_space<vmem>>, vector<1x16xf32>,
        %get3A_393 = arith.constant 2 : i32
        %get3A_394 = arith.index_cast %get3A_393 : i32 to index
        %get3A_395 = arith.constant 16 : index
        %get3A_396 = tpu.vector_load %arg7[%get3A_394, %get3A_395] {strides = array<i32>} : memref<8x128xf32, #tpu.memory_space<vmem>>, vector<1x16xf32>,
        %get3A_397 = vector.shape_cast %get3A_396 : vector<1x16xf32> to vector<16xf32>
        %get3A_398 = arith.constant 16 : index
        %get3A_399 = tpu.vector_load %arg8[%get3A_398] {strides = array<i32>} : memref<128xf32, #tpu.memory_space<vmem>>, vector<16xf32>,
        %get3A_400 = vector.shape_cast %get3A_399 : vector<16xf32> to vector<16xf32>
        %add3A_401 = arith.addf %get3A_397, %get3A_400 : vector<16xf32>
        %swap3A_402 = arith.constant 2 : i32
        %swap3A_403 = arith.index_cast %swap3A_402 : i32 to index
        %swap3A_404 = arith.constant 16 : index
        %swap3A_405 = tpu.vector_load %arg7[%swap3A_403, %swap3A_404] {strides = array<i32>} : memref<8x128xf32, #tpu.memory_space<vmem>>, vector<1x16xf32>,
        %swap3A_406 = vector.shape_cast %swap3A_405 : vector<1x16xf32> to vector<16xf32>
        %swap3A_407 = vector.shape_cast %add3A_401 : vector<16xf32> to vector<1x16xf32>
        tpu.vector_store %arg7[%swap3A_403, %swap3A_404], %swap3A_407 {strides = array<i32>} : memref<8x128xf32, #tpu.memory_space<vmem>>, vector<1x16xf32>,
        %get3A_408 = arith.constant 2 : i32
        %get3A_409 = arith.index_cast %get3A_408 : i32 to index
        %get3A_410 = arith.constant 32 : index
        %get3A_411 = tpu.vector_load %arg7[%get3A_409, %get3A_410] {strides = array<i32>} : memref<8x128xf32, #tpu.memory_space<vmem>>, vector<1x16xf32>,
        %get3A_412 = vector.shape_cast %get3A_411 : vector<1x16xf32> to vector<16xf32>
        %get3A_413 = arith.constant 32 : index
        %get3A_414 = tpu.vector_load %arg8[%get3A_413] {strides = array<i32>} : memref<128xf32, #tpu.memory_space<vmem>>, vector<16xf32>,
        %get3A_415 = vector.shape_cast %get3A_414 : vector<16xf32> to vector<16xf32>
        %add3A_416 = arith.addf %get3A_412, %get3A_415 : vector<16xf32>
        %swap3A_417 = arith.constant 2 : i32
        %swap3A_418 = arith.index_cast %swap3A_417 : i32 to index
        %swap3A_419 = arith.constant 32 : index
        %swap3A_420 = tpu.vector_load %arg7[%swap3A_418, %swap3A_419] {strides = array<i32>} : memref<8x128xf32, #tpu.memory_space<vmem>>, vector<1x16xf32>,
        %swap3A_421 = vector.shape_cast %swap3A_420 : vector<1x16xf32> to vector<16xf32>
        %swap3A_422 = vector.shape_cast %add3A_416 : vector<16xf32> to vector<1x16xf32>
        tpu.vector_store %arg7[%swap3A_418, %swap3A_419], %swap3A_422 {strides = array<i32>} : memref<8x128xf32, #tpu.memory_space<vmem>>, vector<1x16xf32>,
        %get3A_423 = arith.constant 2 : i32
        %get3A_424 = arith.index_cast %get3A_423 : i32 to index
        %get3A_425 = arith.constant 48 : index
        %get3A_426 = tpu.vector_load %arg7[%get3A_424, %get3A_425] {strides = array<i32>} : memref<8x128xf32, #tpu.memory_space<vmem>>, vector<1x16xf32>,
        %get3A_427 = vector.shape_cast %get3A_426 : vector<1x16xf32> to vector<16xf32>
        %get3A_428 = arith.constant 48 : index
        %get3A_429 = tpu.vector_load %arg8[%get3A_428] {strides = array<i32>} : memref<128xf32, #tpu.memory_space<vmem>>, vector<16xf32>,
        %get3A_430 = vector.shape_cast %get3A_429 : vector<16xf32> to vector<16xf32>
        %add3A_431 = arith.addf %get3A_427, %get3A_430 : vector<16xf32>
        %swap3A_432 = arith.constant 2 : i32
        %swap3A_433 = arith.index_cast %swap3A_432 : i32 to index
        %swap3A_434 = arith.constant 48 : index
        %swap3A_435 = tpu.vector_load %arg7[%swap3A_433, %swap3A_434] {strides = array<i32>} : memref<8x128xf32, #tpu.memory_space<vmem>>, vector<1x16xf32>,
        %swap3A_436 = vector.shape_cast %swap3A_435 : vector<1x16xf32> to vector<16xf32>
        %swap3A_437 = vector.shape_cast %add3A_431 : vector<16xf32> to vector<1x16xf32>
        tpu.vector_store %arg7[%swap3A_433, %swap3A_434], %swap3A_437 {strides = array<i32>} : memref<8x128xf32, #tpu.memory_space<vmem>>, vector<1x16xf32>,
        %get3A_438 = arith.constant 2 : i32
        %get3A_439 = arith.index_cast %get3A_438 : i32 to index
        %get3A_440 = arith.constant 64 : index
        %get3A_441 = tpu.vector_load %arg7[%get3A_439, %get3A_440] {strides = array<i32>} : memref<8x128xf32, #tpu.memory_space<vmem>>, vector<1x16xf32>,
        %get3A_442 = vector.shape_cast %get3A_441 : vector<1x16xf32> to vector<16xf32>
        %get3A_443 = arith.constant 64 : index
        %get3A_444 = tpu.vector_load %arg8[%get3A_443] {strides = array<i32>} : memref<128xf32, #tpu.memory_space<vmem>>, vector<16xf32>,
        %get3A_445 = vector.shape_cast %get3A_444 : vector<16xf32> to vector<16xf32>
        %add3A_446 = arith.addf %get3A_442, %get3A_445 : vector<16xf32>
        %swap3A_447 = arith.constant 2 : i32
        %swap3A_448 = arith.index_cast %swap3A_447 : i32 to index
        %swap3A_449 = arith.constant 64 : index
        %swap3A_450 = tpu.vector_load %arg7[%swap3A_448, %swap3A_449] {strides = array<i32>} : memref<8x128xf32, #tpu.memory_space<vmem>>, vector<1x16xf32>,
        %swap3A_451 = vector.shape_cast %swap3A_450 : vector<1x16xf32> to vector<16xf32>
        %swap3A_452 = vector.shape_cast %add3A_446 : vector<16xf32> to vector<1x16xf32>
        tpu.vector_store %arg7[%swap3A_448, %swap3A_449], %swap3A_452 {strides = array<i32>} : memref<8x128xf32, #tpu.memory_space<vmem>>, vector<1x16xf32>,
        %get3A_453 = arith.constant 2 : i32
        %get3A_454 = arith.index_cast %get3A_453 : i32 to index
        %get3A_455 = arith.constant 80 : index
        %get3A_456 = tpu.vector_load %arg7[%get3A_454, %get3A_455] {strides = array<i32>} : memref<8x128xf32, #tpu.memory_space<vmem>>, vector<1x16xf32>,
        %get3A_457 = vector.shape_cast %get3A_456 : vector<1x16xf32> to vector<16xf32>
        %get3A_458 = arith.constant 80 : index
        %get3A_459 = tpu.vector_load %arg8[%get3A_458] {strides = array<i32>} : memref<128xf32, #tpu.memory_space<vmem>>, vector<16xf32>,
        %get3A_460 = vector.shape_cast %get3A_459 : vector<16xf32> to vector<16xf32>
        %add3A_461 = arith.addf %get3A_457, %get3A_460 : vector<16xf32>
        %swap3A_462 = arith.constant 2 : i32
        %swap3A_463 = arith.index_cast %swap3A_462 : i32 to index
        %swap3A_464 = arith.constant 80 : index
        %swap3A_465 = tpu.vector_load %arg7[%swap3A_463, %swap3A_464] {strides = array<i32>} : memref<8x128xf32, #tpu.memory_space<vmem>>, vector<1x16xf32>,
        %swap3A_466 = vector.shape_cast %swap3A_465 : vector<1x16xf32> to vector<16xf32>
        %swap3A_467 = vector.shape_cast %add3A_461 : vector<16xf32> to vector<1x16xf32>
        tpu.vector_store %arg7[%swap3A_463, %swap3A_464], %swap3A_467 {strides = array<i32>} : memref<8x128xf32, #tpu.memory_space<vmem>>, vector<1x16xf32>,
        %get3A_468 = arith.constant 2 : i32
        %get3A_469 = arith.index_cast %get3A_468 : i32 to index
        %get3A_470 = arith.constant 96 : index
        %get3A_471 = tpu.vector_load %arg7[%get3A_469, %get3A_470] {strides = array<i32>} : memref<8x128xf32, #tpu.memory_space<vmem>>, vector<1x16xf32>,
        %get3A_472 = vector.shape_cast %get3A_471 : vector<1x16xf32> to vector<16xf32>
        %get3A_473 = arith.constant 96 : index
        %get3A_474 = tpu.vector_load %arg8[%get3A_473] {strides = array<i32>} : memref<128xf32, #tpu.memory_space<vmem>>, vector<16xf32>,
        %get3A_475 = vector.shape_cast %get3A_474 : vector<16xf32> to vector<16xf32>
        %add3A_476 = arith.addf %get3A_472, %get3A_475 : vector<16xf32>
        %swap3A_477 = arith.constant 2 : i32
        %swap3A_478 = arith.index_cast %swap3A_477 : i32 to index
        %swap3A_479 = arith.constant 96 : index
        %swap3A_480 = tpu.vector_load %arg7[%swap3A_478, %swap3A_479] {strides = array<i32>} : memref<8x128xf32, #tpu.memory_space<vmem>>, vector<1x16xf32>,
        %swap3A_481 = vector.shape_cast %swap3A_480 : vector<1x16xf32> to vector<16xf32>
        %swap3A_482 = vector.shape_cast %add3A_476 : vector<16xf32> to vector<1x16xf32>
        tpu.vector_store %arg7[%swap3A_478, %swap3A_479], %swap3A_482 {strides = array<i32>} : memref<8x128xf32, #tpu.memory_space<vmem>>, vector<1x16xf32>,
        %get3A_483 = arith.constant 2 : i32
        %get3A_484 = arith.index_cast %get3A_483 : i32 to index
        %get3A_485 = arith.constant 112 : index
        %get3A_486 = tpu.vector_load %arg7[%get3A_484, %get3A_485] {strides = array<i32>} : memref<8x128xf32, #tpu.memory_space<vmem>>, vector<1x16xf32>,
        %get3A_487 = vector.shape_cast %get3A_486 : vector<1x16xf32> to vector<16xf32>
        %get3A_488 = arith.constant 112 : index
        %get3A_489 = tpu.vector_load %arg8[%get3A_488] {strides = array<i32>} : memref<128xf32, #tpu.memory_space<vmem>>, vector<16xf32>,
        %get3A_490 = vector.shape_cast %get3A_489 : vector<16xf32> to vector<16xf32>
        %add3A_491 = arith.addf %get3A_487, %get3A_490 : vector<16xf32>
        %swap3A_492 = arith.constant 2 : i32
        %swap3A_493 = arith.index_cast %swap3A_492 : i32 to index
        %swap3A_494 = arith.constant 112 : index
        %swap3A_495 = tpu.vector_load %arg7[%swap3A_493, %swap3A_494] {strides = array<i32>} : memref<8x128xf32, #tpu.memory_space<vmem>>, vector<1x16xf32>,
        %swap3A_496 = vector.shape_cast %swap3A_495 : vector<1x16xf32> to vector<16xf32>
        %swap3A_497 = vector.shape_cast %add3A_491 : vector<16xf32> to vector<1x16xf32>
        tpu.vector_store %arg7[%swap3A_493, %swap3A_494], %swap3A_497 {strides = array<i32>} : memref<8x128xf32, #tpu.memory_space<vmem>>, vector<1x16xf32>,
      } else {
      }
      %add3A_345 = arith.constant 3 : i32
      %add3A_346 = arith.addi %multiple_of3A, %add3A_345 : i32
      %lt3A_347 = arith.constant 41 : i32
      %lt3A_348 = arith.cmpi slt, %add3A_346, %lt3A_347 : i32
      %convert_element_type3A_349 = arith.extui %lt3A_348 : i1 to i32
      %cond3A_350 = arith.constant 0 : i32
      %cond3A_351 = arith.cmpi ne, %convert_element_type3A_349, %cond3A_350 : i32
      scf.if %cond3A_351 {
        %get3A = arith.constant 3 : i32
        %get3A_380 = arith.index_cast %get3A : i32 to index
        %get3A_381 = arith.constant 0 : index
        %get3A_382 = tpu.vector_load %arg7[%get3A_380, %get3A_381] {strides = array<i32>} : memref<8x128xf32, #tpu.memory_space<vmem>>, vector<1x16xf32>,
        %get3A_383 = vector.shape_cast %get3A_382 : vector<1x16xf32> to vector<16xf32>
        %get3A_384 = arith.constant 0 : index
        %get3A_385 = tpu.vector_load %arg8[%get3A_384] {strides = array<i32>} : memref<128xf32, #tpu.memory_space<vmem>>, vector<16xf32>,
        %get3A_386 = vector.shape_cast %get3A_385 : vector<16xf32> to vector<16xf32>
        %add3A_387 = arith.addf %get3A_383, %get3A_386 : vector<16xf32>
        %swap3A = arith.constant 3 : i32
        %swap3A_388 = arith.index_cast %swap3A : i32 to index
        %swap3A_389 = arith.constant 0 : index
        %swap3A_390 = tpu.vector_load %arg7[%swap3A_388, %swap3A_389] {strides = array<i32>} : memref<8x128xf32, #tpu.memory_space<vmem>>, vector<1x16xf32>,
        %swap3A_391 = vector.shape_cast %swap3A_390 : vector<1x16xf32> to vector<16xf32>
        %swap3A_392 = vector.shape_cast %add3A_387 : vector<16xf32> to vector<1x16xf32>
        tpu.vector_store %arg7[%swap3A_388, %swap3A_389], %swap3A_392 {strides = array<i32>} : memref<8x128xf32, #tpu.memory_space<vmem>>, vector<1x16xf32>,
        %get3A_393 = arith.constant 3 : i32
        %get3A_394 = arith.index_cast %get3A_393 : i32 to index
        %get3A_395 = arith.constant 16 : index
        %get3A_396 = tpu.vector_load %arg7[%get3A_394, %get3A_395] {strides = array<i32>} : memref<8x128xf32, #tpu.memory_space<vmem>>, vector<1x16xf32>,
        %get3A_397 = vector.shape_cast %get3A_396 : vector<1x16xf32> to vector<16xf32>
        %get3A_398 = arith.constant 16 : index
        %get3A_399 = tpu.vector_load %arg8[%get3A_398] {strides = array<i32>} : memref<128xf32, #tpu.memory_space<vmem>>, vector<16xf32>,
        %get3A_400 = vector.shape_cast %get3A_399 : vector<16xf32> to vector<16xf32>
        %add3A_401 = arith.addf %get3A_397, %get3A_400 : vector<16xf32>
        %swap3A_402 = arith.constant 3 : i32
        %swap3A_403 = arith.index_cast %swap3A_402 : i32 to index
        %swap3A_404 = arith.constant 16 : index
        %swap3A_405 = tpu.vector_load %arg7[%swap3A_403, %swap3A_404] {strides = array<i32>} : memref<8x128xf32, #tpu.memory_space<vmem>>, vector<1x16xf32>,
        %swap3A_406 = vector.shape_cast %swap3A_405 : vector<1x16xf32> to vector<16xf32>
        %swap3A_407 = vector.shape_cast %add3A_401 : vector<16xf32> to vector<1x16xf32>
        tpu.vector_store %arg7[%swap3A_403, %swap3A_404], %swap3A_407 {strides = array<i32>} : memref<8x128xf32, #tpu.memory_space<vmem>>, vector<1x16xf32>,
        %get3A_408 = arith.constant 3 : i32
        %get3A_409 = arith.index_cast %get3A_408 : i32 to index
        %get3A_410 = arith.constant 32 : index
        %get3A_411 = tpu.vector_load %arg7[%get3A_409, %get3A_410] {strides = array<i32>} : memref<8x128xf32, #tpu.memory_space<vmem>>, vector<1x16xf32>,
        %get3A_412 = vector.shape_cast %get3A_411 : vector<1x16xf32> to vector<16xf32>
        %get3A_413 = arith.constant 32 : index
        %get3A_414 = tpu.vector_load %arg8[%get3A_413] {strides = array<i32>} : memref<128xf32, #tpu.memory_space<vmem>>, vector<16xf32>,
        %get3A_415 = vector.shape_cast %get3A_414 : vector<16xf32> to vector<16xf32>
        %add3A_416 = arith.addf %get3A_412, %get3A_415 : vector<16xf32>
        %swap3A_417 = arith.constant 3 : i32
        %swap3A_418 = arith.index_cast %swap3A_417 : i32 to index
        %swap3A_419 = arith.constant 32 : index
        %swap3A_420 = tpu.vector_load %arg7[%swap3A_418, %swap3A_419] {strides = array<i32>} : memref<8x128xf32, #tpu.memory_space<vmem>>, vector<1x16xf32>,
        %swap3A_421 = vector.shape_cast %swap3A_420 : vector<1x16xf32> to vector<16xf32>
        %swap3A_422 = vector.shape_cast %add3A_416 : vector<16xf32> to vector<1x16xf32>
        tpu.vector_store %arg7[%swap3A_418, %swap3A_419], %swap3A_422 {strides = array<i32>} : memref<8x128xf32, #tpu.memory_space<vmem>>, vector<1x16xf32>,
        %get3A_423 = arith.constant 3 : i32
        %get3A_424 = arith.index_cast %get3A_423 : i32 to index
        %get3A_425 = arith.constant 48 : index
        %get3A_426 = tpu.vector_load %arg7[%get3A_424, %get3A_425] {strides = array<i32>} : memref<8x128xf32, #tpu.memory_space<vmem>>, vector<1x16xf32>,
        %get3A_427 = vector.shape_cast %get3A_426 : vector<1x16xf32> to vector<16xf32>
        %get3A_428 = arith.constant 48 : index
        %get3A_429 = tpu.vector_load %arg8[%get3A_428] {strides = array<i32>} : memref<128xf32, #tpu.memory_space<vmem>>, vector<16xf32>,
        %get3A_430 = vector.shape_cast %get3A_429 : vector<16xf32> to vector<16xf32>
        %add3A_431 = arith.addf %get3A_427, %get3A_430 : vector<16xf32>
        %swap3A_432 = arith.constant 3 : i32
        %swap3A_433 = arith.index_cast %swap3A_432 : i32 to index
        %swap3A_434 = arith.constant 48 : index
        %swap3A_435 = tpu.vector_load %arg7[%swap3A_433, %swap3A_434] {strides = array<i32>} : memref<8x128xf32, #tpu.memory_space<vmem>>, vector<1x16xf32>,
        %swap3A_436 = vector.shape_cast %swap3A_435 : vector<1x16xf32> to vector<16xf32>
        %swap3A_437 = vector.shape_cast %add3A_431 : vector<16xf32> to vector<1x16xf32>
        tpu.vector_store %arg7[%swap3A_433, %swap3A_434], %swap3A_437 {strides = array<i32>} : memref<8x128xf32, #tpu.memory_space<vmem>>, vector<1x16xf32>,
        %get3A_438 = arith.constant 3 : i32
        %get3A_439 = arith.index_cast %get3A_438 : i32 to index
        %get3A_440 = arith.constant 64 : index
        %get3A_441 = tpu.vector_load %arg7[%get3A_439, %get3A_440] {strides = array<i32>} : memref<8x128xf32, #tpu.memory_space<vmem>>, vector<1x16xf32>,
        %get3A_442 = vector.shape_cast %get3A_441 : vector<1x16xf32> to vector<16xf32>
        %get3A_443 = arith.constant 64 : index
        %get3A_444 = tpu.vector_load %arg8[%get3A_443] {strides = array<i32>} : memref<128xf32, #tpu.memory_space<vmem>>, vector<16xf32>,
        %get3A_445 = vector.shape_cast %get3A_444 : vector<16xf32> to vector<16xf32>
        %add3A_446 = arith.addf %get3A_442, %get3A_445 : vector<16xf32>
        %swap3A_447 = arith.constant 3 : i32
        %swap3A_448 = arith.index_cast %swap3A_447 : i32 to index
        %swap3A_449 = arith.constant 64 : index
        %swap3A_450 = tpu.vector_load %arg7[%swap3A_448, %swap3A_449] {strides = array<i32>} : memref<8x128xf32, #tpu.memory_space<vmem>>, vector<1x16xf32>,
        %swap3A_451 = vector.shape_cast %swap3A_450 : vector<1x16xf32> to vector<16xf32>
        %swap3A_452 = vector.shape_cast %add3A_446 : vector<16xf32> to vector<1x16xf32>
        tpu.vector_store %arg7[%swap3A_448, %swap3A_449], %swap3A_452 {strides = array<i32>} : memref<8x128xf32, #tpu.memory_space<vmem>>, vector<1x16xf32>,
        %get3A_453 = arith.constant 3 : i32
        %get3A_454 = arith.index_cast %get3A_453 : i32 to index
        %get3A_455 = arith.constant 80 : index
        %get3A_456 = tpu.vector_load %arg7[%get3A_454, %get3A_455] {strides = array<i32>} : memref<8x128xf32, #tpu.memory_space<vmem>>, vector<1x16xf32>,
        %get3A_457 = vector.shape_cast %get3A_456 : vector<1x16xf32> to vector<16xf32>
        %get3A_458 = arith.constant 80 : index
        %get3A_459 = tpu.vector_load %arg8[%get3A_458] {strides = array<i32>} : memref<128xf32, #tpu.memory_space<vmem>>, vector<16xf32>,
        %get3A_460 = vector.shape_cast %get3A_459 : vector<16xf32> to vector<16xf32>
        %add3A_461 = arith.addf %get3A_457, %get3A_460 : vector<16xf32>
        %swap3A_462 = arith.constant 3 : i32
        %swap3A_463 = arith.index_cast %swap3A_462 : i32 to index
        %swap3A_464 = arith.constant 80 : index
        %swap3A_465 = tpu.vector_load %arg7[%swap3A_463, %swap3A_464] {strides = array<i32>} : memref<8x128xf32, #tpu.memory_space<vmem>>, vector<1x16xf32>,
        %swap3A_466 = vector.shape_cast %swap3A_465 : vector<1x16xf32> to vector<16xf32>
        %swap3A_467 = vector.shape_cast %add3A_461 : vector<16xf32> to vector<1x16xf32>
        tpu.vector_store %arg7[%swap3A_463, %swap3A_464], %swap3A_467 {strides = array<i32>} : memref<8x128xf32, #tpu.memory_space<vmem>>, vector<1x16xf32>,
        %get3A_468 = arith.constant 3 : i32
        %get3A_469 = arith.index_cast %get3A_468 : i32 to index
        %get3A_470 = arith.constant 96 : index
        %get3A_471 = tpu.vector_load %arg7[%get3A_469, %get3A_470] {strides = array<i32>} : memref<8x128xf32, #tpu.memory_space<vmem>>, vector<1x16xf32>,
        %get3A_472 = vector.shape_cast %get3A_471 : vector<1x16xf32> to vector<16xf32>
        %get3A_473 = arith.constant 96 : index
        %get3A_474 = tpu.vector_load %arg8[%get3A_473] {strides = array<i32>} : memref<128xf32, #tpu.memory_space<vmem>>, vector<16xf32>,
        %get3A_475 = vector.shape_cast %get3A_474 : vector<16xf32> to vector<16xf32>
        %add3A_476 = arith.addf %get3A_472, %get3A_475 : vector<16xf32>
        %swap3A_477 = arith.constant 3 : i32
        %swap3A_478 = arith.index_cast %swap3A_477 : i32 to index
        %swap3A_479 = arith.constant 96 : index
        %swap3A_480 = tpu.vector_load %arg7[%swap3A_478, %swap3A_479] {strides = array<i32>} : memref<8x128xf32, #tpu.memory_space<vmem>>, vector<1x16xf32>,
        %swap3A_481 = vector.shape_cast %swap3A_480 : vector<1x16xf32> to vector<16xf32>
        %swap3A_482 = vector.shape_cast %add3A_476 : vector<16xf32> to vector<1x16xf32>
        tpu.vector_store %arg7[%swap3A_478, %swap3A_479], %swap3A_482 {strides = array<i32>} : memref<8x128xf32, #tpu.memory_space<vmem>>, vector<1x16xf32>,
        %get3A_483 = arith.constant 3 : i32
        %get3A_484 = arith.index_cast %get3A_483 : i32 to index
        %get3A_485 = arith.constant 112 : index
        %get3A_486 = tpu.vector_load %arg7[%get3A_484, %get3A_485] {strides = array<i32>} : memref<8x128xf32, #tpu.memory_space<vmem>>, vector<1x16xf32>,
        %get3A_487 = vector.shape_cast %get3A_486 : vector<1x16xf32> to vector<16xf32>
        %get3A_488 = arith.constant 112 : index
        %get3A_489 = tpu.vector_load %arg8[%get3A_488] {strides = array<i32>} : memref<128xf32, #tpu.memory_space<vmem>>, vector<16xf32>,
        %get3A_490 = vector.shape_cast %get3A_489 : vector<16xf32> to vector<16xf32>
        %add3A_491 = arith.addf %get3A_487, %get3A_490 : vector<16xf32>
        %swap3A_492 = arith.constant 3 : i32
        %swap3A_493 = arith.index_cast %swap3A_492 : i32 to index
        %swap3A_494 = arith.constant 112 : index
        %swap3A_495 = tpu.vector_load %arg7[%swap3A_493, %swap3A_494] {strides = array<i32>} : memref<8x128xf32, #tpu.memory_space<vmem>>, vector<1x16xf32>,
        %swap3A_496 = vector.shape_cast %swap3A_495 : vector<1x16xf32> to vector<16xf32>
        %swap3A_497 = vector.shape_cast %add3A_491 : vector<16xf32> to vector<1x16xf32>
        tpu.vector_store %arg7[%swap3A_493, %swap3A_494], %swap3A_497 {strides = array<i32>} : memref<8x128xf32, #tpu.memory_space<vmem>>, vector<1x16xf32>,
      } else {
      }
      %add3A_352 = arith.constant 4 : i32
      %add3A_353 = arith.addi %multiple_of3A, %add3A_352 : i32
      %lt3A_354 = arith.constant 41 : i32
      %lt3A_355 = arith.cmpi slt, %add3A_353, %lt3A_354 : i32
      %convert_element_type3A_356 = arith.extui %lt3A_355 : i1 to i32
      %cond3A_357 = arith.constant 0 : i32
      %cond3A_358 = arith.cmpi ne, %convert_element_type3A_356, %cond3A_357 : i32
      scf.if %cond3A_358 {
        %get3A = arith.constant 4 : i32
        %get3A_380 = arith.index_cast %get3A : i32 to index
        %get3A_381 = arith.constant 0 : index
        %get3A_382 = tpu.vector_load %arg7[%get3A_380, %get3A_381] {strides = array<i32>} : memref<8x128xf32, #tpu.memory_space<vmem>>, vector<1x16xf32>,
        %get3A_383 = vector.shape_cast %get3A_382 : vector<1x16xf32> to vector<16xf32>
        %get3A_384 = arith.constant 0 : index
        %get3A_385 = tpu.vector_load %arg8[%get3A_384] {strides = array<i32>} : memref<128xf32, #tpu.memory_space<vmem>>, vector<16xf32>,
        %get3A_386 = vector.shape_cast %get3A_385 : vector<16xf32> to vector<16xf32>
        %add3A_387 = arith.addf %get3A_383, %get3A_386 : vector<16xf32>
        %swap3A = arith.constant 4 : i32
        %swap3A_388 = arith.index_cast %swap3A : i32 to index
        %swap3A_389 = arith.constant 0 : index
        %swap3A_390 = tpu.vector_load %arg7[%swap3A_388, %swap3A_389] {strides = array<i32>} : memref<8x128xf32, #tpu.memory_space<vmem>>, vector<1x16xf32>,
        %swap3A_391 = vector.shape_cast %swap3A_390 : vector<1x16xf32> to vector<16xf32>
        %swap3A_392 = vector.shape_cast %add3A_387 : vector<16xf32> to vector<1x16xf32>
        tpu.vector_store %arg7[%swap3A_388, %swap3A_389], %swap3A_392 {strides = array<i32>} : memref<8x128xf32, #tpu.memory_space<vmem>>, vector<1x16xf32>,
        %get3A_393 = arith.constant 4 : i32
        %get3A_394 = arith.index_cast %get3A_393 : i32 to index
        %get3A_395 = arith.constant 16 : index
        %get3A_396 = tpu.vector_load %arg7[%get3A_394, %get3A_395] {strides = array<i32>} : memref<8x128xf32, #tpu.memory_space<vmem>>, vector<1x16xf32>,
        %get3A_397 = vector.shape_cast %get3A_396 : vector<1x16xf32> to vector<16xf32>
        %get3A_398 = arith.constant 16 : index
        %get3A_399 = tpu.vector_load %arg8[%get3A_398] {strides = array<i32>} : memref<128xf32, #tpu.memory_space<vmem>>, vector<16xf32>,
        %get3A_400 = vector.shape_cast %get3A_399 : vector<16xf32> to vector<16xf32>
        %add3A_401 = arith.addf %get3A_397, %get3A_400 : vector<16xf32>
        %swap3A_402 = arith.constant 4 : i32
        %swap3A_403 = arith.index_cast %swap3A_402 : i32 to index
        %swap3A_404 = arith.constant 16 : index
        %swap3A_405 = tpu.vector_load %arg7[%swap3A_403, %swap3A_404] {strides = array<i32>} : memref<8x128xf32, #tpu.memory_space<vmem>>, vector<1x16xf32>,
        %swap3A_406 = vector.shape_cast %swap3A_405 : vector<1x16xf32> to vector<16xf32>
        %swap3A_407 = vector.shape_cast %add3A_401 : vector<16xf32> to vector<1x16xf32>
        tpu.vector_store %arg7[%swap3A_403, %swap3A_404], %swap3A_407 {strides = array<i32>} : memref<8x128xf32, #tpu.memory_space<vmem>>, vector<1x16xf32>,
        %get3A_408 = arith.constant 4 : i32
        %get3A_409 = arith.index_cast %get3A_408 : i32 to index
        %get3A_410 = arith.constant 32 : index
        %get3A_411 = tpu.vector_load %arg7[%get3A_409, %get3A_410] {strides = array<i32>} : memref<8x128xf32, #tpu.memory_space<vmem>>, vector<1x16xf32>,
        %get3A_412 = vector.shape_cast %get3A_411 : vector<1x16xf32> to vector<16xf32>
        %get3A_413 = arith.constant 32 : index
        %get3A_414 = tpu.vector_load %arg8[%get3A_413] {strides = array<i32>} : memref<128xf32, #tpu.memory_space<vmem>>, vector<16xf32>,
        %get3A_415 = vector.shape_cast %get3A_414 : vector<16xf32> to vector<16xf32>
        %add3A_416 = arith.addf %get3A_412, %get3A_415 : vector<16xf32>
        %swap3A_417 = arith.constant 4 : i32
        %swap3A_418 = arith.index_cast %swap3A_417 : i32 to index
        %swap3A_419 = arith.constant 32 : index
        %swap3A_420 = tpu.vector_load %arg7[%swap3A_418, %swap3A_419] {strides = array<i32>} : memref<8x128xf32, #tpu.memory_space<vmem>>, vector<1x16xf32>,
        %swap3A_421 = vector.shape_cast %swap3A_420 : vector<1x16xf32> to vector<16xf32>
        %swap3A_422 = vector.shape_cast %add3A_416 : vector<16xf32> to vector<1x16xf32>
        tpu.vector_store %arg7[%swap3A_418, %swap3A_419], %swap3A_422 {strides = array<i32>} : memref<8x128xf32, #tpu.memory_space<vmem>>, vector<1x16xf32>,
        %get3A_423 = arith.constant 4 : i32
        %get3A_424 = arith.index_cast %get3A_423 : i32 to index
        %get3A_425 = arith.constant 48 : index
        %get3A_426 = tpu.vector_load %arg7[%get3A_424, %get3A_425] {strides = array<i32>} : memref<8x128xf32, #tpu.memory_space<vmem>>, vector<1x16xf32>,
        %get3A_427 = vector.shape_cast %get3A_426 : vector<1x16xf32> to vector<16xf32>
        %get3A_428 = arith.constant 48 : index
        %get3A_429 = tpu.vector_load %arg8[%get3A_428] {strides = array<i32>} : memref<128xf32, #tpu.memory_space<vmem>>, vector<16xf32>,
        %get3A_430 = vector.shape_cast %get3A_429 : vector<16xf32> to vector<16xf32>
        %add3A_431 = arith.addf %get3A_427, %get3A_430 : vector<16xf32>
        %swap3A_432 = arith.constant 4 : i32
        %swap3A_433 = arith.index_cast %swap3A_432 : i32 to index
        %swap3A_434 = arith.constant 48 : index
        %swap3A_435 = tpu.vector_load %arg7[%swap3A_433, %swap3A_434] {strides = array<i32>} : memref<8x128xf32, #tpu.memory_space<vmem>>, vector<1x16xf32>,
        %swap3A_436 = vector.shape_cast %swap3A_435 : vector<1x16xf32> to vector<16xf32>
        %swap3A_437 = vector.shape_cast %add3A_431 : vector<16xf32> to vector<1x16xf32>
        tpu.vector_store %arg7[%swap3A_433, %swap3A_434], %swap3A_437 {strides = array<i32>} : memref<8x128xf32, #tpu.memory_space<vmem>>, vector<1x16xf32>,
        %get3A_438 = arith.constant 4 : i32
        %get3A_439 = arith.index_cast %get3A_438 : i32 to index
        %get3A_440 = arith.constant 64 : index
        %get3A_441 = tpu.vector_load %arg7[%get3A_439, %get3A_440] {strides = array<i32>} : memref<8x128xf32, #tpu.memory_space<vmem>>, vector<1x16xf32>,
        %get3A_442 = vector.shape_cast %get3A_441 : vector<1x16xf32> to vector<16xf32>
        %get3A_443 = arith.constant 64 : index
        %get3A_444 = tpu.vector_load %arg8[%get3A_443] {strides = array<i32>} : memref<128xf32, #tpu.memory_space<vmem>>, vector<16xf32>,
        %get3A_445 = vector.shape_cast %get3A_444 : vector<16xf32> to vector<16xf32>
        %add3A_446 = arith.addf %get3A_442, %get3A_445 : vector<16xf32>
        %swap3A_447 = arith.constant 4 : i32
        %swap3A_448 = arith.index_cast %swap3A_447 : i32 to index
        %swap3A_449 = arith.constant 64 : index
        %swap3A_450 = tpu.vector_load %arg7[%swap3A_448, %swap3A_449] {strides = array<i32>} : memref<8x128xf32, #tpu.memory_space<vmem>>, vector<1x16xf32>,
        %swap3A_451 = vector.shape_cast %swap3A_450 : vector<1x16xf32> to vector<16xf32>
        %swap3A_452 = vector.shape_cast %add3A_446 : vector<16xf32> to vector<1x16xf32>
        tpu.vector_store %arg7[%swap3A_448, %swap3A_449], %swap3A_452 {strides = array<i32>} : memref<8x128xf32, #tpu.memory_space<vmem>>, vector<1x16xf32>,
        %get3A_453 = arith.constant 4 : i32
        %get3A_454 = arith.index_cast %get3A_453 : i32 to index
        %get3A_455 = arith.constant 80 : index
        %get3A_456 = tpu.vector_load %arg7[%get3A_454, %get3A_455] {strides = array<i32>} : memref<8x128xf32, #tpu.memory_space<vmem>>, vector<1x16xf32>,
        %get3A_457 = vector.shape_cast %get3A_456 : vector<1x16xf32> to vector<16xf32>
        %get3A_458 = arith.constant 80 : index
        %get3A_459 = tpu.vector_load %arg8[%get3A_458] {strides = array<i32>} : memref<128xf32, #tpu.memory_space<vmem>>, vector<16xf32>,
        %get3A_460 = vector.shape_cast %get3A_459 : vector<16xf32> to vector<16xf32>
        %add3A_461 = arith.addf %get3A_457, %get3A_460 : vector<16xf32>
        %swap3A_462 = arith.constant 4 : i32
        %swap3A_463 = arith.index_cast %swap3A_462 : i32 to index
        %swap3A_464 = arith.constant 80 : index
        %swap3A_465 = tpu.vector_load %arg7[%swap3A_463, %swap3A_464] {strides = array<i32>} : memref<8x128xf32, #tpu.memory_space<vmem>>, vector<1x16xf32>,
        %swap3A_466 = vector.shape_cast %swap3A_465 : vector<1x16xf32> to vector<16xf32>
        %swap3A_467 = vector.shape_cast %add3A_461 : vector<16xf32> to vector<1x16xf32>
        tpu.vector_store %arg7[%swap3A_463, %swap3A_464], %swap3A_467 {strides = array<i32>} : memref<8x128xf32, #tpu.memory_space<vmem>>, vector<1x16xf32>,
        %get3A_468 = arith.constant 4 : i32
        %get3A_469 = arith.index_cast %get3A_468 : i32 to index
        %get3A_470 = arith.constant 96 : index
        %get3A_471 = tpu.vector_load %arg7[%get3A_469, %get3A_470] {strides = array<i32>} : memref<8x128xf32, #tpu.memory_space<vmem>>, vector<1x16xf32>,
        %get3A_472 = vector.shape_cast %get3A_471 : vector<1x16xf32> to vector<16xf32>
        %get3A_473 = arith.constant 96 : index
        %get3A_474 = tpu.vector_load %arg8[%get3A_473] {strides = array<i32>} : memref<128xf32, #tpu.memory_space<vmem>>, vector<16xf32>,
        %get3A_475 = vector.shape_cast %get3A_474 : vector<16xf32> to vector<16xf32>
        %add3A_476 = arith.addf %get3A_472, %get3A_475 : vector<16xf32>
        %swap3A_477 = arith.constant 4 : i32
        %swap3A_478 = arith.index_cast %swap3A_477 : i32 to index
        %swap3A_479 = arith.constant 96 : index
        %swap3A_480 = tpu.vector_load %arg7[%swap3A_478, %swap3A_479] {strides = array<i32>} : memref<8x128xf32, #tpu.memory_space<vmem>>, vector<1x16xf32>,
        %swap3A_481 = vector.shape_cast %swap3A_480 : vector<1x16xf32> to vector<16xf32>
        %swap3A_482 = vector.shape_cast %add3A_476 : vector<16xf32> to vector<1x16xf32>
        tpu.vector_store %arg7[%swap3A_478, %swap3A_479], %swap3A_482 {strides = array<i32>} : memref<8x128xf32, #tpu.memory_space<vmem>>, vector<1x16xf32>,
        %get3A_483 = arith.constant 4 : i32
        %get3A_484 = arith.index_cast %get3A_483 : i32 to index
        %get3A_485 = arith.constant 112 : index
        %get3A_486 = tpu.vector_load %arg7[%get3A_484, %get3A_485] {strides = array<i32>} : memref<8x128xf32, #tpu.memory_space<vmem>>, vector<1x16xf32>,
        %get3A_487 = vector.shape_cast %get3A_486 : vector<1x16xf32> to vector<16xf32>
        %get3A_488 = arith.constant 112 : index
        %get3A_489 = tpu.vector_load %arg8[%get3A_488] {strides = array<i32>} : memref<128xf32, #tpu.memory_space<vmem>>, vector<16xf32>,
        %get3A_490 = vector.shape_cast %get3A_489 : vector<16xf32> to vector<16xf32>
        %add3A_491 = arith.addf %get3A_487, %get3A_490 : vector<16xf32>
        %swap3A_492 = arith.constant 4 : i32
        %swap3A_493 = arith.index_cast %swap3A_492 : i32 to index
        %swap3A_494 = arith.constant 112 : index
        %swap3A_495 = tpu.vector_load %arg7[%swap3A_493, %swap3A_494] {strides = array<i32>} : memref<8x128xf32, #tpu.memory_space<vmem>>, vector<1x16xf32>,
        %swap3A_496 = vector.shape_cast %swap3A_495 : vector<1x16xf32> to vector<16xf32>
        %swap3A_497 = vector.shape_cast %add3A_491 : vector<16xf32> to vector<1x16xf32>
        tpu.vector_store %arg7[%swap3A_493, %swap3A_494], %swap3A_497 {strides = array<i32>} : memref<8x128xf32, #tpu.memory_space<vmem>>, vector<1x16xf32>,
      } else {
      }
      %add3A_359 = arith.constant 5 : i32
      %add3A_360 = arith.addi %multiple_of3A, %add3A_359 : i32
      %lt3A_361 = arith.constant 41 : i32
      %lt3A_362 = arith.cmpi slt, %add3A_360, %lt3A_361 : i32
      %convert_element_type3A_363 = arith.extui %lt3A_362 : i1 to i32
      %cond3A_364 = arith.constant 0 : i32
      %cond3A_365 = arith.cmpi ne, %convert_element_type3A_363, %cond3A_364 : i32
      scf.if %cond3A_365 {
        %get3A = arith.constant 5 : i32
        %get3A_380 = arith.index_cast %get3A : i32 to index
        %get3A_381 = arith.constant 0 : index
        %get3A_382 = tpu.vector_load %arg7[%get3A_380, %get3A_381] {strides = array<i32>} : memref<8x128xf32, #tpu.memory_space<vmem>>, vector<1x16xf32>,
        %get3A_383 = vector.shape_cast %get3A_382 : vector<1x16xf32> to vector<16xf32>
        %get3A_384 = arith.constant 0 : index
        %get3A_385 = tpu.vector_load %arg8[%get3A_384] {strides = array<i32>} : memref<128xf32, #tpu.memory_space<vmem>>, vector<16xf32>,
        %get3A_386 = vector.shape_cast %get3A_385 : vector<16xf32> to vector<16xf32>
        %add3A_387 = arith.addf %get3A_383, %get3A_386 : vector<16xf32>
        %swap3A = arith.constant 5 : i32
        %swap3A_388 = arith.index_cast %swap3A : i32 to index
        %swap3A_389 = arith.constant 0 : index
        %swap3A_390 = tpu.vector_load %arg7[%swap3A_388, %swap3A_389] {strides = array<i32>} : memref<8x128xf32, #tpu.memory_space<vmem>>, vector<1x16xf32>,
        %swap3A_391 = vector.shape_cast %swap3A_390 : vector<1x16xf32> to vector<16xf32>
        %swap3A_392 = vector.shape_cast %add3A_387 : vector<16xf32> to vector<1x16xf32>
        tpu.vector_store %arg7[%swap3A_388, %swap3A_389], %swap3A_392 {strides = array<i32>} : memref<8x128xf32, #tpu.memory_space<vmem>>, vector<1x16xf32>,
        %get3A_393 = arith.constant 5 : i32
        %get3A_394 = arith.index_cast %get3A_393 : i32 to index
        %get3A_395 = arith.constant 16 : index
        %get3A_396 = tpu.vector_load %arg7[%get3A_394, %get3A_395] {strides = array<i32>} : memref<8x128xf32, #tpu.memory_space<vmem>>, vector<1x16xf32>,
        %get3A_397 = vector.shape_cast %get3A_396 : vector<1x16xf32> to vector<16xf32>
        %get3A_398 = arith.constant 16 : index
        %get3A_399 = tpu.vector_load %arg8[%get3A_398] {strides = array<i32>} : memref<128xf32, #tpu.memory_space<vmem>>, vector<16xf32>,
        %get3A_400 = vector.shape_cast %get3A_399 : vector<16xf32> to vector<16xf32>
        %add3A_401 = arith.addf %get3A_397, %get3A_400 : vector<16xf32>
        %swap3A_402 = arith.constant 5 : i32
        %swap3A_403 = arith.index_cast %swap3A_402 : i32 to index
        %swap3A_404 = arith.constant 16 : index
        %swap3A_405 = tpu.vector_load %arg7[%swap3A_403, %swap3A_404] {strides = array<i32>} : memref<8x128xf32, #tpu.memory_space<vmem>>, vector<1x16xf32>,
        %swap3A_406 = vector.shape_cast %swap3A_405 : vector<1x16xf32> to vector<16xf32>
        %swap3A_407 = vector.shape_cast %add3A_401 : vector<16xf32> to vector<1x16xf32>
        tpu.vector_store %arg7[%swap3A_403, %swap3A_404], %swap3A_407 {strides = array<i32>} : memref<8x128xf32, #tpu.memory_space<vmem>>, vector<1x16xf32>,
        %get3A_408 = arith.constant 5 : i32
        %get3A_409 = arith.index_cast %get3A_408 : i32 to index
        %get3A_410 = arith.constant 32 : index
        %get3A_411 = tpu.vector_load %arg7[%get3A_409, %get3A_410] {strides = array<i32>} : memref<8x128xf32, #tpu.memory_space<vmem>>, vector<1x16xf32>,
        %get3A_412 = vector.shape_cast %get3A_411 : vector<1x16xf32> to vector<16xf32>
        %get3A_413 = arith.constant 32 : index
        %get3A_414 = tpu.vector_load %arg8[%get3A_413] {strides = array<i32>} : memref<128xf32, #tpu.memory_space<vmem>>, vector<16xf32>,
        %get3A_415 = vector.shape_cast %get3A_414 : vector<16xf32> to vector<16xf32>
        %add3A_416 = arith.addf %get3A_412, %get3A_415 : vector<16xf32>
        %swap3A_417 = arith.constant 5 : i32
        %swap3A_418 = arith.index_cast %swap3A_417 : i32 to index
        %swap3A_419 = arith.constant 32 : index
        %swap3A_420 = tpu.vector_load %arg7[%swap3A_418, %swap3A_419] {strides = array<i32>} : memref<8x128xf32, #tpu.memory_space<vmem>>, vector<1x16xf32>,
        %swap3A_421 = vector.shape_cast %swap3A_420 : vector<1x16xf32> to vector<16xf32>
        %swap3A_422 = vector.shape_cast %add3A_416 : vector<16xf32> to vector<1x16xf32>
        tpu.vector_store %arg7[%swap3A_418, %swap3A_419], %swap3A_422 {strides = array<i32>} : memref<8x128xf32, #tpu.memory_space<vmem>>, vector<1x16xf32>,
        %get3A_423 = arith.constant 5 : i32
        %get3A_424 = arith.index_cast %get3A_423 : i32 to index
        %get3A_425 = arith.constant 48 : index
        %get3A_426 = tpu.vector_load %arg7[%get3A_424, %get3A_425] {strides = array<i32>} : memref<8x128xf32, #tpu.memory_space<vmem>>, vector<1x16xf32>,
        %get3A_427 = vector.shape_cast %get3A_426 : vector<1x16xf32> to vector<16xf32>
        %get3A_428 = arith.constant 48 : index
        %get3A_429 = tpu.vector_load %arg8[%get3A_428] {strides = array<i32>} : memref<128xf32, #tpu.memory_space<vmem>>, vector<16xf32>,
        %get3A_430 = vector.shape_cast %get3A_429 : vector<16xf32> to vector<16xf32>
        %add3A_431 = arith.addf %get3A_427, %get3A_430 : vector<16xf32>
        %swap3A_432 = arith.constant 5 : i32
        %swap3A_433 = arith.index_cast %swap3A_432 : i32 to index
        %swap3A_434 = arith.constant 48 : index
        %swap3A_435 = tpu.vector_load %arg7[%swap3A_433, %swap3A_434] {strides = array<i32>} : memref<8x128xf32, #tpu.memory_space<vmem>>, vector<1x16xf32>,
        %swap3A_436 = vector.shape_cast %swap3A_435 : vector<1x16xf32> to vector<16xf32>
        %swap3A_437 = vector.shape_cast %add3A_431 : vector<16xf32> to vector<1x16xf32>
        tpu.vector_store %arg7[%swap3A_433, %swap3A_434], %swap3A_437 {strides = array<i32>} : memref<8x128xf32, #tpu.memory_space<vmem>>, vector<1x16xf32>,
        %get3A_438 = arith.constant 5 : i32
        %get3A_439 = arith.index_cast %get3A_438 : i32 to index
        %get3A_440 = arith.constant 64 : index
        %get3A_441 = tpu.vector_load %arg7[%get3A_439, %get3A_440] {strides = array<i32>} : memref<8x128xf32, #tpu.memory_space<vmem>>, vector<1x16xf32>,
        %get3A_442 = vector.shape_cast %get3A_441 : vector<1x16xf32> to vector<16xf32>
        %get3A_443 = arith.constant 64 : index
        %get3A_444 = tpu.vector_load %arg8[%get3A_443] {strides = array<i32>} : memref<128xf32, #tpu.memory_space<vmem>>, vector<16xf32>,
        %get3A_445 = vector.shape_cast %get3A_444 : vector<16xf32> to vector<16xf32>
        %add3A_446 = arith.addf %get3A_442, %get3A_445 : vector<16xf32>
        %swap3A_447 = arith.constant 5 : i32
        %swap3A_448 = arith.index_cast %swap3A_447 : i32 to index
        %swap3A_449 = arith.constant 64 : index
        %swap3A_450 = tpu.vector_load %arg7[%swap3A_448, %swap3A_449] {strides = array<i32>} : memref<8x128xf32, #tpu.memory_space<vmem>>, vector<1x16xf32>,
        %swap3A_451 = vector.shape_cast %swap3A_450 : vector<1x16xf32> to vector<16xf32>
        %swap3A_452 = vector.shape_cast %add3A_446 : vector<16xf32> to vector<1x16xf32>
        tpu.vector_store %arg7[%swap3A_448, %swap3A_449], %swap3A_452 {strides = array<i32>} : memref<8x128xf32, #tpu.memory_space<vmem>>, vector<1x16xf32>,
        %get3A_453 = arith.constant 5 : i32
        %get3A_454 = arith.index_cast %get3A_453 : i32 to index
        %get3A_455 = arith.constant 80 : index
        %get3A_456 = tpu.vector_load %arg7[%get3A_454, %get3A_455] {strides = array<i32>} : memref<8x128xf32, #tpu.memory_space<vmem>>, vector<1x16xf32>,
        %get3A_457 = vector.shape_cast %get3A_456 : vector<1x16xf32> to vector<16xf32>
        %get3A_458 = arith.constant 80 : index
        %get3A_459 = tpu.vector_load %arg8[%get3A_458] {strides = array<i32>} : memref<128xf32, #tpu.memory_space<vmem>>, vector<16xf32>,
        %get3A_460 = vector.shape_cast %get3A_459 : vector<16xf32> to vector<16xf32>
        %add3A_461 = arith.addf %get3A_457, %get3A_460 : vector<16xf32>
        %swap3A_462 = arith.constant 5 : i32
        %swap3A_463 = arith.index_cast %swap3A_462 : i32 to index
        %swap3A_464 = arith.constant 80 : index
        %swap3A_465 = tpu.vector_load %arg7[%swap3A_463, %swap3A_464] {strides = array<i32>} : memref<8x128xf32, #tpu.memory_space<vmem>>, vector<1x16xf32>,
        %swap3A_466 = vector.shape_cast %swap3A_465 : vector<1x16xf32> to vector<16xf32>
        %swap3A_467 = vector.shape_cast %add3A_461 : vector<16xf32> to vector<1x16xf32>
        tpu.vector_store %arg7[%swap3A_463, %swap3A_464], %swap3A_467 {strides = array<i32>} : memref<8x128xf32, #tpu.memory_space<vmem>>, vector<1x16xf32>,
        %get3A_468 = arith.constant 5 : i32
        %get3A_469 = arith.index_cast %get3A_468 : i32 to index
        %get3A_470 = arith.constant 96 : index
        %get3A_471 = tpu.vector_load %arg7[%get3A_469, %get3A_470] {strides = array<i32>} : memref<8x128xf32, #tpu.memory_space<vmem>>, vector<1x16xf32>,
        %get3A_472 = vector.shape_cast %get3A_471 : vector<1x16xf32> to vector<16xf32>
        %get3A_473 = arith.constant 96 : index
        %get3A_474 = tpu.vector_load %arg8[%get3A_473] {strides = array<i32>} : memref<128xf32, #tpu.memory_space<vmem>>, vector<16xf32>,
        %get3A_475 = vector.shape_cast %get3A_474 : vector<16xf32> to vector<16xf32>
        %add3A_476 = arith.addf %get3A_472, %get3A_475 : vector<16xf32>
        %swap3A_477 = arith.constant 5 : i32
        %swap3A_478 = arith.index_cast %swap3A_477 : i32 to index
        %swap3A_479 = arith.constant 96 : index
        %swap3A_480 = tpu.vector_load %arg7[%swap3A_478, %swap3A_479] {strides = array<i32>} : memref<8x128xf32, #tpu.memory_space<vmem>>, vector<1x16xf32>,
        %swap3A_481 = vector.shape_cast %swap3A_480 : vector<1x16xf32> to vector<16xf32>
        %swap3A_482 = vector.shape_cast %add3A_476 : vector<16xf32> to vector<1x16xf32>
        tpu.vector_store %arg7[%swap3A_478, %swap3A_479], %swap3A_482 {strides = array<i32>} : memref<8x128xf32, #tpu.memory_space<vmem>>, vector<1x16xf32>,
        %get3A_483 = arith.constant 5 : i32
        %get3A_484 = arith.index_cast %get3A_483 : i32 to index
        %get3A_485 = arith.constant 112 : index
        %get3A_486 = tpu.vector_load %arg7[%get3A_484, %get3A_485] {strides = array<i32>} : memref<8x128xf32, #tpu.memory_space<vmem>>, vector<1x16xf32>,
        %get3A_487 = vector.shape_cast %get3A_486 : vector<1x16xf32> to vector<16xf32>
        %get3A_488 = arith.constant 112 : index
        %get3A_489 = tpu.vector_load %arg8[%get3A_488] {strides = array<i32>} : memref<128xf32, #tpu.memory_space<vmem>>, vector<16xf32>,
        %get3A_490 = vector.shape_cast %get3A_489 : vector<16xf32> to vector<16xf32>
        %add3A_491 = arith.addf %get3A_487, %get3A_490 : vector<16xf32>
        %swap3A_492 = arith.constant 5 : i32
        %swap3A_493 = arith.index_cast %swap3A_492 : i32 to index
        %swap3A_494 = arith.constant 112 : index
        %swap3A_495 = tpu.vector_load %arg7[%swap3A_493, %swap3A_494] {strides = array<i32>} : memref<8x128xf32, #tpu.memory_space<vmem>>, vector<1x16xf32>,
        %swap3A_496 = vector.shape_cast %swap3A_495 : vector<1x16xf32> to vector<16xf32>
        %swap3A_497 = vector.shape_cast %add3A_491 : vector<16xf32> to vector<1x16xf32>
        tpu.vector_store %arg7[%swap3A_493, %swap3A_494], %swap3A_497 {strides = array<i32>} : memref<8x128xf32, #tpu.memory_space<vmem>>, vector<1x16xf32>,
      } else {
      }
      %add3A_366 = arith.constant 6 : i32
      %add3A_367 = arith.addi %multiple_of3A, %add3A_366 : i32
      %lt3A_368 = arith.constant 41 : i32
      %lt3A_369 = arith.cmpi slt, %add3A_367, %lt3A_368 : i32
      %convert_element_type3A_370 = arith.extui %lt3A_369 : i1 to i32
      %cond3A_371 = arith.constant 0 : i32
      %cond3A_372 = arith.cmpi ne, %convert_element_type3A_370, %cond3A_371 : i32
      scf.if %cond3A_372 {
        %get3A = arith.constant 6 : i32
        %get3A_380 = arith.index_cast %get3A : i32 to index
        %get3A_381 = arith.constant 0 : index
        %get3A_382 = tpu.vector_load %arg7[%get3A_380, %get3A_381] {strides = array<i32>} : memref<8x128xf32, #tpu.memory_space<vmem>>, vector<1x16xf32>,
        %get3A_383 = vector.shape_cast %get3A_382 : vector<1x16xf32> to vector<16xf32>
        %get3A_384 = arith.constant 0 : index
        %get3A_385 = tpu.vector_load %arg8[%get3A_384] {strides = array<i32>} : memref<128xf32, #tpu.memory_space<vmem>>, vector<16xf32>,
        %get3A_386 = vector.shape_cast %get3A_385 : vector<16xf32> to vector<16xf32>
        %add3A_387 = arith.addf %get3A_383, %get3A_386 : vector<16xf32>
        %swap3A = arith.constant 6 : i32
        %swap3A_388 = arith.index_cast %swap3A : i32 to index
        %swap3A_389 = arith.constant 0 : index
        %swap3A_390 = tpu.vector_load %arg7[%swap3A_388, %swap3A_389] {strides = array<i32>} : memref<8x128xf32, #tpu.memory_space<vmem>>, vector<1x16xf32>,
        %swap3A_391 = vector.shape_cast %swap3A_390 : vector<1x16xf32> to vector<16xf32>
        %swap3A_392 = vector.shape_cast %add3A_387 : vector<16xf32> to vector<1x16xf32>
        tpu.vector_store %arg7[%swap3A_388, %swap3A_389], %swap3A_392 {strides = array<i32>} : memref<8x128xf32, #tpu.memory_space<vmem>>, vector<1x16xf32>,
        %get3A_393 = arith.constant 6 : i32
        %get3A_394 = arith.index_cast %get3A_393 : i32 to index
        %get3A_395 = arith.constant 16 : index
        %get3A_396 = tpu.vector_load %arg7[%get3A_394, %get3A_395] {strides = array<i32>} : memref<8x128xf32, #tpu.memory_space<vmem>>, vector<1x16xf32>,
        %get3A_397 = vector.shape_cast %get3A_396 : vector<1x16xf32> to vector<16xf32>
        %get3A_398 = arith.constant 16 : index
        %get3A_399 = tpu.vector_load %arg8[%get3A_398] {strides = array<i32>} : memref<128xf32, #tpu.memory_space<vmem>>, vector<16xf32>,
        %get3A_400 = vector.shape_cast %get3A_399 : vector<16xf32> to vector<16xf32>
        %add3A_401 = arith.addf %get3A_397, %get3A_400 : vector<16xf32>
        %swap3A_402 = arith.constant 6 : i32
        %swap3A_403 = arith.index_cast %swap3A_402 : i32 to index
        %swap3A_404 = arith.constant 16 : index
        %swap3A_405 = tpu.vector_load %arg7[%swap3A_403, %swap3A_404] {strides = array<i32>} : memref<8x128xf32, #tpu.memory_space<vmem>>, vector<1x16xf32>,
        %swap3A_406 = vector.shape_cast %swap3A_405 : vector<1x16xf32> to vector<16xf32>
        %swap3A_407 = vector.shape_cast %add3A_401 : vector<16xf32> to vector<1x16xf32>
        tpu.vector_store %arg7[%swap3A_403, %swap3A_404], %swap3A_407 {strides = array<i32>} : memref<8x128xf32, #tpu.memory_space<vmem>>, vector<1x16xf32>,
        %get3A_408 = arith.constant 6 : i32
        %get3A_409 = arith.index_cast %get3A_408 : i32 to index
        %get3A_410 = arith.constant 32 : index
        %get3A_411 = tpu.vector_load %arg7[%get3A_409, %get3A_410] {strides = array<i32>} : memref<8x128xf32, #tpu.memory_space<vmem>>, vector<1x16xf32>,
        %get3A_412 = vector.shape_cast %get3A_411 : vector<1x16xf32> to vector<16xf32>
        %get3A_413 = arith.constant 32 : index
        %get3A_414 = tpu.vector_load %arg8[%get3A_413] {strides = array<i32>} : memref<128xf32, #tpu.memory_space<vmem>>, vector<16xf32>,
        %get3A_415 = vector.shape_cast %get3A_414 : vector<16xf32> to vector<16xf32>
        %add3A_416 = arith.addf %get3A_412, %get3A_415 : vector<16xf32>
        %swap3A_417 = arith.constant 6 : i32
        %swap3A_418 = arith.index_cast %swap3A_417 : i32 to index
        %swap3A_419 = arith.constant 32 : index
        %swap3A_420 = tpu.vector_load %arg7[%swap3A_418, %swap3A_419] {strides = array<i32>} : memref<8x128xf32, #tpu.memory_space<vmem>>, vector<1x16xf32>,
        %swap3A_421 = vector.shape_cast %swap3A_420 : vector<1x16xf32> to vector<16xf32>
        %swap3A_422 = vector.shape_cast %add3A_416 : vector<16xf32> to vector<1x16xf32>
        tpu.vector_store %arg7[%swap3A_418, %swap3A_419], %swap3A_422 {strides = array<i32>} : memref<8x128xf32, #tpu.memory_space<vmem>>, vector<1x16xf32>,
        %get3A_423 = arith.constant 6 : i32
        %get3A_424 = arith.index_cast %get3A_423 : i32 to index
        %get3A_425 = arith.constant 48 : index
        %get3A_426 = tpu.vector_load %arg7[%get3A_424, %get3A_425] {strides = array<i32>} : memref<8x128xf32, #tpu.memory_space<vmem>>, vector<1x16xf32>,
        %get3A_427 = vector.shape_cast %get3A_426 : vector<1x16xf32> to vector<16xf32>
        %get3A_428 = arith.constant 48 : index
        %get3A_429 = tpu.vector_load %arg8[%get3A_428] {strides = array<i32>} : memref<128xf32, #tpu.memory_space<vmem>>, vector<16xf32>,
        %get3A_430 = vector.shape_cast %get3A_429 : vector<16xf32> to vector<16xf32>
        %add3A_431 = arith.addf %get3A_427, %get3A_430 : vector<16xf32>
        %swap3A_432 = arith.constant 6 : i32
        %swap3A_433 = arith.index_cast %swap3A_432 : i32 to index
        %swap3A_434 = arith.constant 48 : index
        %swap3A_435 = tpu.vector_load %arg7[%swap3A_433, %swap3A_434] {strides = array<i32>} : memref<8x128xf32, #tpu.memory_space<vmem>>, vector<1x16xf32>,
        %swap3A_436 = vector.shape_cast %swap3A_435 : vector<1x16xf32> to vector<16xf32>
        %swap3A_437 = vector.shape_cast %add3A_431 : vector<16xf32> to vector<1x16xf32>
        tpu.vector_store %arg7[%swap3A_433, %swap3A_434], %swap3A_437 {strides = array<i32>} : memref<8x128xf32, #tpu.memory_space<vmem>>, vector<1x16xf32>,
        %get3A_438 = arith.constant 6 : i32
        %get3A_439 = arith.index_cast %get3A_438 : i32 to index
        %get3A_440 = arith.constant 64 : index
        %get3A_441 = tpu.vector_load %arg7[%get3A_439, %get3A_440] {strides = array<i32>} : memref<8x128xf32, #tpu.memory_space<vmem>>, vector<1x16xf32>,
        %get3A_442 = vector.shape_cast %get3A_441 : vector<1x16xf32> to vector<16xf32>
        %get3A_443 = arith.constant 64 : index
        %get3A_444 = tpu.vector_load %arg8[%get3A_443] {strides = array<i32>} : memref<128xf32, #tpu.memory_space<vmem>>, vector<16xf32>,
        %get3A_445 = vector.shape_cast %get3A_444 : vector<16xf32> to vector<16xf32>
        %add3A_446 = arith.addf %get3A_442, %get3A_445 : vector<16xf32>
        %swap3A_447 = arith.constant 6 : i32
        %swap3A_448 = arith.index_cast %swap3A_447 : i32 to index
        %swap3A_449 = arith.constant 64 : index
        %swap3A_450 = tpu.vector_load %arg7[%swap3A_448, %swap3A_449] {strides = array<i32>} : memref<8x128xf32, #tpu.memory_space<vmem>>, vector<1x16xf32>,
        %swap3A_451 = vector.shape_cast %swap3A_450 : vector<1x16xf32> to vector<16xf32>
        %swap3A_452 = vector.shape_cast %add3A_446 : vector<16xf32> to vector<1x16xf32>
        tpu.vector_store %arg7[%swap3A_448, %swap3A_449], %swap3A_452 {strides = array<i32>} : memref<8x128xf32, #tpu.memory_space<vmem>>, vector<1x16xf32>,
        %get3A_453 = arith.constant 6 : i32
        %get3A_454 = arith.index_cast %get3A_453 : i32 to index
        %get3A_455 = arith.constant 80 : index
        %get3A_456 = tpu.vector_load %arg7[%get3A_454, %get3A_455] {strides = array<i32>} : memref<8x128xf32, #tpu.memory_space<vmem>>, vector<1x16xf32>,
        %get3A_457 = vector.shape_cast %get3A_456 : vector<1x16xf32> to vector<16xf32>
        %get3A_458 = arith.constant 80 : index
        %get3A_459 = tpu.vector_load %arg8[%get3A_458] {strides = array<i32>} : memref<128xf32, #tpu.memory_space<vmem>>, vector<16xf32>,
        %get3A_460 = vector.shape_cast %get3A_459 : vector<16xf32> to vector<16xf32>
        %add3A_461 = arith.addf %get3A_457, %get3A_460 : vector<16xf32>
        %swap3A_462 = arith.constant 6 : i32
        %swap3A_463 = arith.index_cast %swap3A_462 : i32 to index
        %swap3A_464 = arith.constant 80 : index
        %swap3A_465 = tpu.vector_load %arg7[%swap3A_463, %swap3A_464] {strides = array<i32>} : memref<8x128xf32, #tpu.memory_space<vmem>>, vector<1x16xf32>,
        %swap3A_466 = vector.shape_cast %swap3A_465 : vector<1x16xf32> to vector<16xf32>
        %swap3A_467 = vector.shape_cast %add3A_461 : vector<16xf32> to vector<1x16xf32>
        tpu.vector_store %arg7[%swap3A_463, %swap3A_464], %swap3A_467 {strides = array<i32>} : memref<8x128xf32, #tpu.memory_space<vmem>>, vector<1x16xf32>,
        %get3A_468 = arith.constant 6 : i32
        %get3A_469 = arith.index_cast %get3A_468 : i32 to index
        %get3A_470 = arith.constant 96 : index
        %get3A_471 = tpu.vector_load %arg7[%get3A_469, %get3A_470] {strides = array<i32>} : memref<8x128xf32, #tpu.memory_space<vmem>>, vector<1x16xf32>,
        %get3A_472 = vector.shape_cast %get3A_471 : vector<1x16xf32> to vector<16xf32>
        %get3A_473 = arith.constant 96 : index
        %get3A_474 = tpu.vector_load %arg8[%get3A_473] {strides = array<i32>} : memref<128xf32, #tpu.memory_space<vmem>>, vector<16xf32>,
        %get3A_475 = vector.shape_cast %get3A_474 : vector<16xf32> to vector<16xf32>
        %add3A_476 = arith.addf %get3A_472, %get3A_475 : vector<16xf32>
        %swap3A_477 = arith.constant 6 : i32
        %swap3A_478 = arith.index_cast %swap3A_477 : i32 to index
        %swap3A_479 = arith.constant 96 : index
        %swap3A_480 = tpu.vector_load %arg7[%swap3A_478, %swap3A_479] {strides = array<i32>} : memref<8x128xf32, #tpu.memory_space<vmem>>, vector<1x16xf32>,
        %swap3A_481 = vector.shape_cast %swap3A_480 : vector<1x16xf32> to vector<16xf32>
        %swap3A_482 = vector.shape_cast %add3A_476 : vector<16xf32> to vector<1x16xf32>
        tpu.vector_store %arg7[%swap3A_478, %swap3A_479], %swap3A_482 {strides = array<i32>} : memref<8x128xf32, #tpu.memory_space<vmem>>, vector<1x16xf32>,
        %get3A_483 = arith.constant 6 : i32
        %get3A_484 = arith.index_cast %get3A_483 : i32 to index
        %get3A_485 = arith.constant 112 : index
        %get3A_486 = tpu.vector_load %arg7[%get3A_484, %get3A_485] {strides = array<i32>} : memref<8x128xf32, #tpu.memory_space<vmem>>, vector<1x16xf32>,
        %get3A_487 = vector.shape_cast %get3A_486 : vector<1x16xf32> to vector<16xf32>
        %get3A_488 = arith.constant 112 : index
        %get3A_489 = tpu.vector_load %arg8[%get3A_488] {strides = array<i32>} : memref<128xf32, #tpu.memory_space<vmem>>, vector<16xf32>,
        %get3A_490 = vector.shape_cast %get3A_489 : vector<16xf32> to vector<16xf32>
        %add3A_491 = arith.addf %get3A_487, %get3A_490 : vector<16xf32>
        %swap3A_492 = arith.constant 6 : i32
        %swap3A_493 = arith.index_cast %swap3A_492 : i32 to index
        %swap3A_494 = arith.constant 112 : index
        %swap3A_495 = tpu.vector_load %arg7[%swap3A_493, %swap3A_494] {strides = array<i32>} : memref<8x128xf32, #tpu.memory_space<vmem>>, vector<1x16xf32>,
        %swap3A_496 = vector.shape_cast %swap3A_495 : vector<1x16xf32> to vector<16xf32>
        %swap3A_497 = vector.shape_cast %add3A_491 : vector<16xf32> to vector<1x16xf32>
        tpu.vector_store %arg7[%swap3A_493, %swap3A_494], %swap3A_497 {strides = array<i32>} : memref<8x128xf32, #tpu.memory_space<vmem>>, vector<1x16xf32>,
      } else {
      }
      %add3A_373 = arith.constant 7 : i32
      %add3A_374 = arith.addi %multiple_of3A, %add3A_373 : i32
      %lt3A_375 = arith.constant 41 : i32
      %lt3A_376 = arith.cmpi slt, %add3A_374, %lt3A_375 : i32
      %convert_element_type3A_377 = arith.extui %lt3A_376 : i1 to i32
      %cond3A_378 = arith.constant 0 : i32
      %cond3A_379 = arith.cmpi ne, %convert_element_type3A_377, %cond3A_378 : i32
      scf.if %cond3A_379 {
        %get3A = arith.constant 7 : i32
        %get3A_380 = arith.index_cast %get3A : i32 to index
        %get3A_381 = arith.constant 0 : index
        %get3A_382 = tpu.vector_load %arg7[%get3A_380, %get3A_381] {strides = array<i32>} : memref<8x128xf32, #tpu.memory_space<vmem>>, vector<1x16xf32>,
        %get3A_383 = vector.shape_cast %get3A_382 : vector<1x16xf32> to vector<16xf32>
        %get3A_384 = arith.constant 0 : index
        %get3A_385 = tpu.vector_load %arg8[%get3A_384] {strides = array<i32>} : memref<128xf32, #tpu.memory_space<vmem>>, vector<16xf32>,
        %get3A_386 = vector.shape_cast %get3A_385 : vector<16xf32> to vector<16xf32>
        %add3A_387 = arith.addf %get3A_383, %get3A_386 : vector<16xf32>
        %swap3A = arith.constant 7 : i32
        %swap3A_388 = arith.index_cast %swap3A : i32 to index
        %swap3A_389 = arith.constant 0 : index
        %swap3A_390 = tpu.vector_load %arg7[%swap3A_388, %swap3A_389] {strides = array<i32>} : memref<8x128xf32, #tpu.memory_space<vmem>>, vector<1x16xf32>,
        %swap3A_391 = vector.shape_cast %swap3A_390 : vector<1x16xf32> to vector<16xf32>
        %swap3A_392 = vector.shape_cast %add3A_387 : vector<16xf32> to vector<1x16xf32>
        tpu.vector_store %arg7[%swap3A_388, %swap3A_389], %swap3A_392 {strides = array<i32>} : memref<8x128xf32, #tpu.memory_space<vmem>>, vector<1x16xf32>,
        %get3A_393 = arith.constant 7 : i32
        %get3A_394 = arith.index_cast %get3A_393 : i32 to index
        %get3A_395 = arith.constant 16 : index
        %get3A_396 = tpu.vector_load %arg7[%get3A_394, %get3A_395] {strides = array<i32>} : memref<8x128xf32, #tpu.memory_space<vmem>>, vector<1x16xf32>,
        %get3A_397 = vector.shape_cast %get3A_396 : vector<1x16xf32> to vector<16xf32>
        %get3A_398 = arith.constant 16 : index
        %get3A_399 = tpu.vector_load %arg8[%get3A_398] {strides = array<i32>} : memref<128xf32, #tpu.memory_space<vmem>>, vector<16xf32>,
        %get3A_400 = vector.shape_cast %get3A_399 : vector<16xf32> to vector<16xf32>
        %add3A_401 = arith.addf %get3A_397, %get3A_400 : vector<16xf32>
        %swap3A_402 = arith.constant 7 : i32
        %swap3A_403 = arith.index_cast %swap3A_402 : i32 to index
        %swap3A_404 = arith.constant 16 : index
        %swap3A_405 = tpu.vector_load %arg7[%swap3A_403, %swap3A_404] {strides = array<i32>} : memref<8x128xf32, #tpu.memory_space<vmem>>, vector<1x16xf32>,
        %swap3A_406 = vector.shape_cast %swap3A_405 : vector<1x16xf32> to vector<16xf32>
        %swap3A_407 = vector.shape_cast %add3A_401 : vector<16xf32> to vector<1x16xf32>
        tpu.vector_store %arg7[%swap3A_403, %swap3A_404], %swap3A_407 {strides = array<i32>} : memref<8x128xf32, #tpu.memory_space<vmem>>, vector<1x16xf32>,
        %get3A_408 = arith.constant 7 : i32
        %get3A_409 = arith.index_cast %get3A_408 : i32 to index
        %get3A_410 = arith.constant 32 : index
        %get3A_411 = tpu.vector_load %arg7[%get3A_409, %get3A_410] {strides = array<i32>} : memref<8x128xf32, #tpu.memory_space<vmem>>, vector<1x16xf32>,
        %get3A_412 = vector.shape_cast %get3A_411 : vector<1x16xf32> to vector<16xf32>
        %get3A_413 = arith.constant 32 : index
        %get3A_414 = tpu.vector_load %arg8[%get3A_413] {strides = array<i32>} : memref<128xf32, #tpu.memory_space<vmem>>, vector<16xf32>,
        %get3A_415 = vector.shape_cast %get3A_414 : vector<16xf32> to vector<16xf32>
        %add3A_416 = arith.addf %get3A_412, %get3A_415 : vector<16xf32>
        %swap3A_417 = arith.constant 7 : i32
        %swap3A_418 = arith.index_cast %swap3A_417 : i32 to index
        %swap3A_419 = arith.constant 32 : index
        %swap3A_420 = tpu.vector_load %arg7[%swap3A_418, %swap3A_419] {strides = array<i32>} : memref<8x128xf32, #tpu.memory_space<vmem>>, vector<1x16xf32>,
        %swap3A_421 = vector.shape_cast %swap3A_420 : vector<1x16xf32> to vector<16xf32>
        %swap3A_422 = vector.shape_cast %add3A_416 : vector<16xf32> to vector<1x16xf32>
        tpu.vector_store %arg7[%swap3A_418, %swap3A_419], %swap3A_422 {strides = array<i32>} : memref<8x128xf32, #tpu.memory_space<vmem>>, vector<1x16xf32>,
        %get3A_423 = arith.constant 7 : i32
        %get3A_424 = arith.index_cast %get3A_423 : i32 to index
        %get3A_425 = arith.constant 48 : index
        %get3A_426 = tpu.vector_load %arg7[%get3A_424, %get3A_425] {strides = array<i32>} : memref<8x128xf32, #tpu.memory_space<vmem>>, vector<1x16xf32>,
        %get3A_427 = vector.shape_cast %get3A_426 : vector<1x16xf32> to vector<16xf32>
        %get3A_428 = arith.constant 48 : index
        %get3A_429 = tpu.vector_load %arg8[%get3A_428] {strides = array<i32>} : memref<128xf32, #tpu.memory_space<vmem>>, vector<16xf32>,
        %get3A_430 = vector.shape_cast %get3A_429 : vector<16xf32> to vector<16xf32>
        %add3A_431 = arith.addf %get3A_427, %get3A_430 : vector<16xf32>
        %swap3A_432 = arith.constant 7 : i32
        %swap3A_433 = arith.index_cast %swap3A_432 : i32 to index
        %swap3A_434 = arith.constant 48 : index
        %swap3A_435 = tpu.vector_load %arg7[%swap3A_433, %swap3A_434] {strides = array<i32>} : memref<8x128xf32, #tpu.memory_space<vmem>>, vector<1x16xf32>,
        %swap3A_436 = vector.shape_cast %swap3A_435 : vector<1x16xf32> to vector<16xf32>
        %swap3A_437 = vector.shape_cast %add3A_431 : vector<16xf32> to vector<1x16xf32>
        tpu.vector_store %arg7[%swap3A_433, %swap3A_434], %swap3A_437 {strides = array<i32>} : memref<8x128xf32, #tpu.memory_space<vmem>>, vector<1x16xf32>,
        %get3A_438 = arith.constant 7 : i32
        %get3A_439 = arith.index_cast %get3A_438 : i32 to index
        %get3A_440 = arith.constant 64 : index
        %get3A_441 = tpu.vector_load %arg7[%get3A_439, %get3A_440] {strides = array<i32>} : memref<8x128xf32, #tpu.memory_space<vmem>>, vector<1x16xf32>,
        %get3A_442 = vector.shape_cast %get3A_441 : vector<1x16xf32> to vector<16xf32>
        %get3A_443 = arith.constant 64 : index
        %get3A_444 = tpu.vector_load %arg8[%get3A_443] {strides = array<i32>} : memref<128xf32, #tpu.memory_space<vmem>>, vector<16xf32>,
        %get3A_445 = vector.shape_cast %get3A_444 : vector<16xf32> to vector<16xf32>
        %add3A_446 = arith.addf %get3A_442, %get3A_445 : vector<16xf32>
        %swap3A_447 = arith.constant 7 : i32
        %swap3A_448 = arith.index_cast %swap3A_447 : i32 to index
        %swap3A_449 = arith.constant 64 : index
        %swap3A_450 = tpu.vector_load %arg7[%swap3A_448, %swap3A_449] {strides = array<i32>} : memref<8x128xf32, #tpu.memory_space<vmem>>, vector<1x16xf32>,
        %swap3A_451 = vector.shape_cast %swap3A_450 : vector<1x16xf32> to vector<16xf32>
        %swap3A_452 = vector.shape_cast %add3A_446 : vector<16xf32> to vector<1x16xf32>
        tpu.vector_store %arg7[%swap3A_448, %swap3A_449], %swap3A_452 {strides = array<i32>} : memref<8x128xf32, #tpu.memory_space<vmem>>, vector<1x16xf32>,
        %get3A_453 = arith.constant 7 : i32
        %get3A_454 = arith.index_cast %get3A_453 : i32 to index
        %get3A_455 = arith.constant 80 : index
        %get3A_456 = tpu.vector_load %arg7[%get3A_454, %get3A_455] {strides = array<i32>} : memref<8x128xf32, #tpu.memory_space<vmem>>, vector<1x16xf32>,
        %get3A_457 = vector.shape_cast %get3A_456 : vector<1x16xf32> to vector<16xf32>
        %get3A_458 = arith.constant 80 : index
        %get3A_459 = tpu.vector_load %arg8[%get3A_458] {strides = array<i32>} : memref<128xf32, #tpu.memory_space<vmem>>, vector<16xf32>,
        %get3A_460 = vector.shape_cast %get3A_459 : vector<16xf32> to vector<16xf32>
        %add3A_461 = arith.addf %get3A_457, %get3A_460 : vector<16xf32>
        %swap3A_462 = arith.constant 7 : i32
        %swap3A_463 = arith.index_cast %swap3A_462 : i32 to index
        %swap3A_464 = arith.constant 80 : index
        %swap3A_465 = tpu.vector_load %arg7[%swap3A_463, %swap3A_464] {strides = array<i32>} : memref<8x128xf32, #tpu.memory_space<vmem>>, vector<1x16xf32>,
        %swap3A_466 = vector.shape_cast %swap3A_465 : vector<1x16xf32> to vector<16xf32>
        %swap3A_467 = vector.shape_cast %add3A_461 : vector<16xf32> to vector<1x16xf32>
        tpu.vector_store %arg7[%swap3A_463, %swap3A_464], %swap3A_467 {strides = array<i32>} : memref<8x128xf32, #tpu.memory_space<vmem>>, vector<1x16xf32>,
        %get3A_468 = arith.constant 7 : i32
        %get3A_469 = arith.index_cast %get3A_468 : i32 to index
        %get3A_470 = arith.constant 96 : index
        %get3A_471 = tpu.vector_load %arg7[%get3A_469, %get3A_470] {strides = array<i32>} : memref<8x128xf32, #tpu.memory_space<vmem>>, vector<1x16xf32>,
        %get3A_472 = vector.shape_cast %get3A_471 : vector<1x16xf32> to vector<16xf32>
        %get3A_473 = arith.constant 96 : index
        %get3A_474 = tpu.vector_load %arg8[%get3A_473] {strides = array<i32>} : memref<128xf32, #tpu.memory_space<vmem>>, vector<16xf32>,
        %get3A_475 = vector.shape_cast %get3A_474 : vector<16xf32> to vector<16xf32>
        %add3A_476 = arith.addf %get3A_472, %get3A_475 : vector<16xf32>
        %swap3A_477 = arith.constant 7 : i32
        %swap3A_478 = arith.index_cast %swap3A_477 : i32 to index
        %swap3A_479 = arith.constant 96 : index
        %swap3A_480 = tpu.vector_load %arg7[%swap3A_478, %swap3A_479] {strides = array<i32>} : memref<8x128xf32, #tpu.memory_space<vmem>>, vector<1x16xf32>,
        %swap3A_481 = vector.shape_cast %swap3A_480 : vector<1x16xf32> to vector<16xf32>
        %swap3A_482 = vector.shape_cast %add3A_476 : vector<16xf32> to vector<1x16xf32>
        tpu.vector_store %arg7[%swap3A_478, %swap3A_479], %swap3A_482 {strides = array<i32>} : memref<8x128xf32, #tpu.memory_space<vmem>>, vector<1x16xf32>,
        %get3A_483 = arith.constant 7 : i32
        %get3A_484 = arith.index_cast %get3A_483 : i32 to index
        %get3A_485 = arith.constant 112 : index
        %get3A_486 = tpu.vector_load %arg7[%get3A_484, %get3A_485] {strides = array<i32>} : memref<8x128xf32, #tpu.memory_space<vmem>>, vector<1x16xf32>,
        %get3A_487 = vector.shape_cast %get3A_486 : vector<1x16xf32> to vector<16xf32>
        %get3A_488 = arith.constant 112 : index
        %get3A_489 = tpu.vector_load %arg8[%get3A_488] {strides = array<i32>} : memref<128xf32, #tpu.memory_space<vmem>>, vector<16xf32>,
        %get3A_490 = vector.shape_cast %get3A_489 : vector<16xf32> to vector<16xf32>
        %add3A_491 = arith.addf %get3A_487, %get3A_490 : vector<16xf32>
        %swap3A_492 = arith.constant 7 : i32
        %swap3A_493 = arith.index_cast %swap3A_492 : i32 to index
        %swap3A_494 = arith.constant 112 : index
        %swap3A_495 = tpu.vector_load %arg7[%swap3A_493, %swap3A_494] {strides = array<i32>} : memref<8x128xf32, #tpu.memory_space<vmem>>, vector<1x16xf32>,
        %swap3A_496 = vector.shape_cast %swap3A_495 : vector<1x16xf32> to vector<16xf32>
        %swap3A_497 = vector.shape_cast %add3A_491 : vector<16xf32> to vector<1x16xf32>
        tpu.vector_store %arg7[%swap3A_493, %swap3A_494], %swap3A_497 {strides = array<i32>} : memref<8x128xf32, #tpu.memory_space<vmem>>, vector<1x16xf32>,
      } else {
      }
      "tpu.region"() ({
        %run_scoped3A = tpu.sem_alloc : memref<!tpu.dma_semaphore, #tpu.memory_space<semaphore_mem>>
        %dma_start3A_380 = arith.constant 0 : i32
        %dma_start3A_381 = tpu.memref_slice %arg6[%multiple_of3A, %dma_start3A_380] : memref<48x128xf32, #tpu.memory_space<vmem_shared>> -> memref<8x128xf32, #tpu.memory_space<vmem_shared>>
        %dma_start3A_382 = arith.constant 0 : i32
        %dma_start3A_383 = tpu.memref_slice %arg6[%multiple_of3A, %dma_start3A_382] : memref<48x128xf32, #tpu.memory_space<vmem_shared>> -> memref<8x128xf32, #tpu.memory_space<vmem_shared>>
        tpu.enqueue_dma source(%arg7 : memref<8x128xf32, #tpu.memory_space<vmem>>) target(%dma_start3A_383 : memref<8x128xf32, #tpu.memory_space<vmem_shared>>) target_semaphore(%run_scoped3A : memref<!tpu.dma_semaphore, #tpu.memory_space<semaphore_mem>>)
        %dma_wait3A_384 = arith.constant 0 : i32
        %dma_wait3A_385 = tpu.memref_slice %arg6[%multiple_of3A, %dma_wait3A_384] : memref<48x128xf32, #tpu.memory_space<vmem_shared>> -> memref<8x128xf32, #tpu.memory_space<vmem_shared>>
        %dma_wait3A_386 = arith.constant 0 : i32
        %dma_wait3A_387 = tpu.memref_slice %arg6[%multiple_of3A, %dma_wait3A_386] : memref<48x128xf32, #tpu.memory_space<vmem_shared>> -> memref<8x128xf32, #tpu.memory_space<vmem_shared>>
        tpu.wait_dma2 semaphore(%run_scoped3A : memref<!tpu.dma_semaphore, #tpu.memory_space<semaphore_mem>>) src(%arg7 : memref<8x128xf32, #tpu.memory_space<vmem>>) dst(%dma_wait3A_387 : memref<8x128xf32, #tpu.memory_space<vmem_shared>>)
        tpu.yield
      }) : () -> ()
    } else {
    }
    %barrier3A = arith.constant 0 : index
    tpu.barrier barrier_id(%barrier3A)
    %add3A_24 = arith.constant 0 : i32
    %add3A_25 = arith.addi %mul3A_2, %add3A_24 : i32
    %dma_wait3A = arith.constant 0 : i32
    %dma_wait3A_26 = tpu.memref_slice %arg2[%add3A_25, %dma_wait3A] : memref<1600x256xi32, #tpu.memory_space<hbm>> -> memref<2x256xi32, #tpu.memory_space<hbm>>
    %dma_wait3A_27 = arith.constant 0 : i32
    %dma_wait3A_28 = tpu.memref_slice %arg2[%add3A_25, %dma_wait3A_27] : memref<1600x256xi32, #tpu.memory_space<hbm>> -> memref<2x256xi32, #tpu.memory_space<hbm>>
    tpu.wait_dma2 semaphore(%arg18 : memref<!tpu.dma_semaphore, #tpu.memory_space<semaphore_mem>>) src(%dma_wait3A_28 : memref<2x256xi32, #tpu.memory_space<hbm>>) dst(%arg9 : memref<2x256xi32, #tpu.memory_space<vmem>>)
    %scan3A = arith.constant 0 : i32
    %scan3A_29 = arith.constant 0 : i32
    %scan3A_30 = arith.constant 8 : i32
    %scan3A_31 = arith.addi %scan3A_29, %scan3A_30 : i32
    %scan3A_32 = arith.constant 1 : i32
    scf.for %scan3A_316 = %scan3A_29 to %scan3A_31 step %scan3A_32  : i32 {
      %mul3A_317 = arith.constant 16 : i32
      %mul3A_318 = arith.muli %scan3A_316, %mul3A_317 : i32
      %mul3A_319 = arith.constant 16 : i32
      %mul3A_320 = arith.muli %scan3A_316, %mul3A_319 : i32
      %add3A_321 = arith.constant 128 : i32
      %add3A_322 = arith.addi %mul3A_320, %add3A_321 : i32
      %get3A = arith.constant 0 : i32
      %get3A_323 = arith.index_cast %get3A : i32 to index
      %get3A_324 = arith.index_cast %mul3A_318 : i32 to index
      %get3A_325 = tpu.vector_load %arg9[%get3A_323, %get3A_324] {strides = array<i32>} : memref<2x256xi32, #tpu.memory_space<vmem>>, vector<1x16xi32>,
      %get3A_326 = vector.shape_cast %get3A_325 : vector<1x16xi32> to vector<16xi32>
      %get3A_327 = arith.constant 0 : i32
      %get3A_328 = arith.index_cast %get3A_327 : i32 to index
      %get3A_329 = arith.index_cast %add3A_322 : i32 to index
      %get3A_330 = tpu.vector_load %arg9[%get3A_328, %get3A_329] {strides = array<i32>} : memref<2x256xi32, #tpu.memory_space<vmem>>, vector<1x16xi32>,
      %get3A_331 = vector.shape_cast %get3A_330 : vector<1x16xi32> to vector<16xi32>
      %ne3A = arith.constant 0 : i32
      %ne3A_332 = vector.broadcast %ne3A : i32 to vector<16xi32>
      %ne3A_333 = arith.cmpi ne, %get3A_331, %ne3A_332 : vector<16xi32>
      %jit3A = arith.constant 41 : i32
      %broadcast_in_dim3A = vector.broadcast %jit3A : i32 to vector<16xi32>
      %select_n3A = arith.select %ne3A_333, %broadcast_in_dim3A, %get3A_326 : vector<16xi1>, vector<16xi32>
      %swap3A = arith.constant 0 : i32
      %swap3A_334 = arith.index_cast %swap3A : i32 to index
      %swap3A_335 = arith.index_cast %mul3A_318 : i32 to index
      %swap3A_336 = tpu.vector_load %arg12[%swap3A_334, %swap3A_335] {strides = array<i32>} : memref<2x128xi32, #tpu.memory_space<vmem>>, vector<1x16xi32>,
      %swap3A_337 = vector.shape_cast %swap3A_336 : vector<1x16xi32> to vector<16xi32>
      %swap3A_338 = vector.shape_cast %select_n3A : vector<16xi32> to vector<1x16xi32>
      tpu.vector_store %arg12[%swap3A_334, %swap3A_335], %swap3A_338 {strides = array<i32>} : memref<2x128xi32, #tpu.memory_space<vmem>>, vector<1x16xi32>,
      %get3A_339 = arith.constant 1 : i32
      %get3A_340 = arith.index_cast %get3A_339 : i32 to index
      %get3A_341 = arith.index_cast %mul3A_318 : i32 to index
      %get3A_342 = tpu.vector_load %arg9[%get3A_340, %get3A_341] {strides = array<i32>} : memref<2x256xi32, #tpu.memory_space<vmem>>, vector<1x16xi32>,
      %get3A_343 = vector.shape_cast %get3A_342 : vector<1x16xi32> to vector<16xi32>
      %get3A_344 = arith.constant 1 : i32
      %get3A_345 = arith.index_cast %get3A_344 : i32 to index
      %get3A_346 = arith.index_cast %add3A_322 : i32 to index
      %get3A_347 = tpu.vector_load %arg9[%get3A_345, %get3A_346] {strides = array<i32>} : memref<2x256xi32, #tpu.memory_space<vmem>>, vector<1x16xi32>,
      %get3A_348 = vector.shape_cast %get3A_347 : vector<1x16xi32> to vector<16xi32>
      %ne3A_349 = arith.constant 0 : i32
      %ne3A_350 = vector.broadcast %ne3A_349 : i32 to vector<16xi32>
      %ne3A_351 = arith.cmpi ne, %get3A_348, %ne3A_350 : vector<16xi32>
      %jit3A_352 = arith.constant 41 : i32
      %broadcast_in_dim3A_353 = vector.broadcast %jit3A_352 : i32 to vector<16xi32>
      %select_n3A_354 = arith.select %ne3A_351, %broadcast_in_dim3A_353, %get3A_343 : vector<16xi1>, vector<16xi32>
      %swap3A_355 = arith.constant 1 : i32
      %swap3A_356 = arith.index_cast %swap3A_355 : i32 to index
      %swap3A_357 = arith.index_cast %mul3A_318 : i32 to index
      %swap3A_358 = tpu.vector_load %arg12[%swap3A_356, %swap3A_357] {strides = array<i32>} : memref<2x128xi32, #tpu.memory_space<vmem>>, vector<1x16xi32>,
      %swap3A_359 = vector.shape_cast %swap3A_358 : vector<1x16xi32> to vector<16xi32>
      %swap3A_360 = vector.shape_cast %select_n3A_354 : vector<16xi32> to vector<1x16xi32>
      tpu.vector_store %arg12[%swap3A_356, %swap3A_357], %swap3A_360 {strides = array<i32>} : memref<2x128xi32, #tpu.memory_space<vmem>>, vector<1x16xi32>,
    }
    %scan3A_33 = arith.constant 8 : i32
    %add3A_34 = arith.constant 6 : i32
    %add3A_35 = arith.addi %mul3A_2, %add3A_34 : i32
    %dma_start3A_36 = arith.constant 0 : i32
    %dma_start3A_37 = tpu.memref_slice %arg2[%add3A_35, %dma_start3A_36] : memref<1600x256xi32, #tpu.memory_space<hbm>> -> memref<2x256xi32, #tpu.memory_space<hbm>>
    %dma_start3A_38 = arith.constant 0 : i32
    %dma_start3A_39 = tpu.memref_slice %arg2[%add3A_35, %dma_start3A_38] : memref<1600x256xi32, #tpu.memory_space<hbm>> -> memref<2x256xi32, #tpu.memory_space<hbm>>
    tpu.enqueue_dma source(%dma_start3A_39 : memref<2x256xi32, #tpu.memory_space<hbm>>) target(%arg9 : memref<2x256xi32, #tpu.memory_space<vmem>>) target_semaphore(%arg18 : memref<!tpu.dma_semaphore, #tpu.memory_space<semaphore_mem>>)
    %dma_start3A_40 = arith.constant 0 : i32
    %dma_start3A_41 = arith.constant 0 : i32
    %dma_start3A_42 = arith.constant 0 : i32
    %dma_start3A_43 = tpu.memref_slice %arg15[%dma_start3A_41, %dma_start3A_42] : memref<256x128xf32, #tpu.memory_space<vmem>> -> memref<128x128xf32, #tpu.memory_space<vmem>>
    %dma_start3A_44 = arith.constant 0 : i32
    %dma_start3A_45 = tpu.memref_slice %arg12[%dma_start3A_40, %dma_start3A_44] : memref<2x128xi32, #tpu.memory_space<vmem>> -> memref<1x128xi32, #tpu.memory_space<vmem>>
    %dma_start3A_46 = tpu.memref_squeeze %dma_start3A_45 : memref<1x128xi32, #tpu.memory_space<vmem>> -> memref<128xi32, #tpu.memory_space<vmem>>
    %dma_start3A_47 = arith.constant 0 : i32
    %dma_start3A_48 = arith.constant 0 : i32
    %dma_start3A_49 = tpu.memref_slice %arg6[%dma_start3A_47, %dma_start3A_48] : memref<48x128xf32, #tpu.memory_space<vmem_shared>> -> memref<48x128xf32, #tpu.memory_space<vmem_shared>>
    tpu.enqueue_indirect_dma source(%dma_start3A_49 : memref<48x128xf32, #tpu.memory_space<vmem_shared>>) target(%dma_start3A_43 : memref<128x128xf32, #tpu.memory_space<vmem>>) offsets(%dma_start3A_46 : memref<128xi32, #tpu.memory_space<vmem>>) semaphore(%arg24 : memref<!tpu.dma_semaphore, #tpu.memory_space<semaphore_mem>>)
    %dma_start3A_50 = arith.constant 1 : i32
    %dma_start3A_51 = arith.constant 128 : i32
    %dma_start3A_52 = arith.constant 0 : i32
    %dma_start3A_53 = tpu.memref_slice %arg15[%dma_start3A_51, %dma_start3A_52] : memref<256x128xf32, #tpu.memory_space<vmem>> -> memref<128x128xf32, #tpu.memory_space<vmem>>
    %dma_start3A_54 = arith.constant 0 : i32
    %dma_start3A_55 = tpu.memref_slice %arg12[%dma_start3A_50, %dma_start3A_54] : memref<2x128xi32, #tpu.memory_space<vmem>> -> memref<1x128xi32, #tpu.memory_space<vmem>>
    %dma_start3A_56 = tpu.memref_squeeze %dma_start3A_55 : memref<1x128xi32, #tpu.memory_space<vmem>> -> memref<128xi32, #tpu.memory_space<vmem>>
    %dma_start3A_57 = arith.constant 0 : i32
    %dma_start3A_58 = arith.constant 0 : i32
    %dma_start3A_59 = tpu.memref_slice %arg6[%dma_start3A_57, %dma_start3A_58] : memref<48x128xf32, #tpu.memory_space<vmem_shared>> -> memref<48x128xf32, #tpu.memory_space<vmem_shared>>
    tpu.enqueue_indirect_dma source(%dma_start3A_59 : memref<48x128xf32, #tpu.memory_space<vmem_shared>>) target(%dma_start3A_53 : memref<128x128xf32, #tpu.memory_space<vmem>>) offsets(%dma_start3A_56 : memref<128xi32, #tpu.memory_space<vmem>>) semaphore(%arg24 : memref<!tpu.dma_semaphore, #tpu.memory_space<semaphore_mem>>)
    %dma_wait3A_60 = arith.constant 0 : i32
    %dma_wait3A_61 = arith.constant 0 : i32
    %dma_wait3A_62 = arith.constant 0 : i32
    %dma_wait3A_63 = tpu.memref_slice %arg15[%dma_wait3A_61, %dma_wait3A_62] : memref<256x128xf32, #tpu.memory_space<vmem>> -> memref<128x128xf32, #tpu.memory_space<vmem>>
    %dma_wait3A_64 = arith.constant 0 : i32
    %dma_wait3A_65 = tpu.memref_slice %arg12[%dma_wait3A_60, %dma_wait3A_64] : memref<2x128xi32, #tpu.memory_space<vmem>> -> memref<1x128xi32, #tpu.memory_space<vmem>>
    %dma_wait3A_66 = tpu.memref_squeeze %dma_wait3A_65 : memref<1x128xi32, #tpu.memory_space<vmem>> -> memref<128xi32, #tpu.memory_space<vmem>>
    %dma_wait3A_67 = arith.constant 0 : i32
    %dma_wait3A_68 = arith.constant 0 : i32
    %dma_wait3A_69 = tpu.memref_slice %arg6[%dma_wait3A_67, %dma_wait3A_68] : memref<48x128xf32, #tpu.memory_space<vmem_shared>> -> memref<48x128xf32, #tpu.memory_space<vmem_shared>>
    tpu.wait_indirect_dma semaphore(%arg24 : memref<!tpu.dma_semaphore, #tpu.memory_space<semaphore_mem>>) src(%dma_wait3A_69 : memref<48x128xf32, #tpu.memory_space<vmem_shared>>) dst(%dma_wait3A_63 : memref<128x128xf32, #tpu.memory_space<vmem>>)
    %dma_wait3A_70 = arith.constant 1 : i32
    %dma_wait3A_71 = arith.constant 128 : i32
    %dma_wait3A_72 = arith.constant 0 : i32
    %dma_wait3A_73 = tpu.memref_slice %arg15[%dma_wait3A_71, %dma_wait3A_72] : memref<256x128xf32, #tpu.memory_space<vmem>> -> memref<128x128xf32, #tpu.memory_space<vmem>>
    %dma_wait3A_74 = arith.constant 0 : i32
    %dma_wait3A_75 = tpu.memref_slice %arg12[%dma_wait3A_70, %dma_wait3A_74] : memref<2x128xi32, #tpu.memory_space<vmem>> -> memref<1x128xi32, #tpu.memory_space<vmem>>
    %dma_wait3A_76 = tpu.memref_squeeze %dma_wait3A_75 : memref<1x128xi32, #tpu.memory_space<vmem>> -> memref<128xi32, #tpu.memory_space<vmem>>
    %dma_wait3A_77 = arith.constant 0 : i32
    %dma_wait3A_78 = arith.constant 0 : i32
    %dma_wait3A_79 = tpu.memref_slice %arg6[%dma_wait3A_77, %dma_wait3A_78] : memref<48x128xf32, #tpu.memory_space<vmem_shared>> -> memref<48x128xf32, #tpu.memory_space<vmem_shared>>
    tpu.wait_indirect_dma semaphore(%arg24 : memref<!tpu.dma_semaphore, #tpu.memory_space<semaphore_mem>>) src(%dma_wait3A_79 : memref<48x128xf32, #tpu.memory_space<vmem_shared>>) dst(%dma_wait3A_73 : memref<128x128xf32, #tpu.memory_space<vmem>>)
    %add3A_80 = arith.constant 0 : i32
    %add3A_81 = arith.addi %mul3A_2, %add3A_80 : i32
    %mul3A_82 = arith.constant 128 : i32
    %mul3A_83 = arith.muli %add3A_81, %mul3A_82 : i32
    %dma_start3A_84 = arith.constant 0 : i32
    %dma_start3A_85 = tpu.memref_slice %arg5[%mul3A_83, %dma_start3A_84] : memref<204800x128xf32, #tpu.memory_space<hbm>> -> memref<256x128xf32, #tpu.memory_space<hbm>>
    %dma_start3A_86 = arith.constant 0 : i32
    %dma_start3A_87 = tpu.memref_slice %arg5[%mul3A_83, %dma_start3A_86] : memref<204800x128xf32, #tpu.memory_space<hbm>> -> memref<256x128xf32, #tpu.memory_space<hbm>>
    tpu.enqueue_dma source(%arg15 : memref<256x128xf32, #tpu.memory_space<vmem>>) target(%dma_start3A_87 : memref<256x128xf32, #tpu.memory_space<hbm>>) target_semaphore(%arg21 : memref<!tpu.dma_semaphore, #tpu.memory_space<semaphore_mem>>)
    %add3A_88 = arith.constant 2 : i32
    %add3A_89 = arith.addi %mul3A_2, %add3A_88 : i32
    %dma_wait3A_90 = arith.constant 0 : i32
    %dma_wait3A_91 = tpu.memref_slice %arg2[%add3A_89, %dma_wait3A_90] : memref<1600x256xi32, #tpu.memory_space<hbm>> -> memref<2x256xi32, #tpu.memory_space<hbm>>
    %dma_wait3A_92 = arith.constant 0 : i32
    %dma_wait3A_93 = tpu.memref_slice %arg2[%add3A_89, %dma_wait3A_92] : memref<1600x256xi32, #tpu.memory_space<hbm>> -> memref<2x256xi32, #tpu.memory_space<hbm>>
    tpu.wait_dma2 semaphore(%arg19 : memref<!tpu.dma_semaphore, #tpu.memory_space<semaphore_mem>>) src(%dma_wait3A_93 : memref<2x256xi32, #tpu.memory_space<hbm>>) dst(%arg10 : memref<2x256xi32, #tpu.memory_space<vmem>>)
    %scan3A_94 = arith.constant 0 : i32
    %scan3A_95 = arith.constant 0 : i32
    %scan3A_96 = arith.constant 8 : i32
    %scan3A_97 = arith.addi %scan3A_95, %scan3A_96 : i32
    %scan3A_98 = arith.constant 1 : i32
    scf.for %scan3A_316 = %scan3A_95 to %scan3A_97 step %scan3A_98  : i32 {
      %mul3A_317 = arith.constant 16 : i32
      %mul3A_318 = arith.muli %scan3A_316, %mul3A_317 : i32
      %mul3A_319 = arith.constant 16 : i32
      %mul3A_320 = arith.muli %scan3A_316, %mul3A_319 : i32
      %add3A_321 = arith.constant 128 : i32
      %add3A_322 = arith.addi %mul3A_320, %add3A_321 : i32
      %get3A = arith.constant 0 : i32
      %get3A_323 = arith.index_cast %get3A : i32 to index
      %get3A_324 = arith.index_cast %mul3A_318 : i32 to index
      %get3A_325 = tpu.vector_load %arg10[%get3A_323, %get3A_324] {strides = array<i32>} : memref<2x256xi32, #tpu.memory_space<vmem>>, vector<1x16xi32>,
      %get3A_326 = vector.shape_cast %get3A_325 : vector<1x16xi32> to vector<16xi32>
      %get3A_327 = arith.constant 0 : i32
      %get3A_328 = arith.index_cast %get3A_327 : i32 to index
      %get3A_329 = arith.index_cast %add3A_322 : i32 to index
      %get3A_330 = tpu.vector_load %arg10[%get3A_328, %get3A_329] {strides = array<i32>} : memref<2x256xi32, #tpu.memory_space<vmem>>, vector<1x16xi32>,
      %get3A_331 = vector.shape_cast %get3A_330 : vector<1x16xi32> to vector<16xi32>
      %ne3A = arith.constant 0 : i32
      %ne3A_332 = vector.broadcast %ne3A : i32 to vector<16xi32>
      %ne3A_333 = arith.cmpi ne, %get3A_331, %ne3A_332 : vector<16xi32>
      %jit3A = arith.constant 41 : i32
      %broadcast_in_dim3A = vector.broadcast %jit3A : i32 to vector<16xi32>
      %select_n3A = arith.select %ne3A_333, %broadcast_in_dim3A, %get3A_326 : vector<16xi1>, vector<16xi32>
      %swap3A = arith.constant 0 : i32
      %swap3A_334 = arith.index_cast %swap3A : i32 to index
      %swap3A_335 = arith.index_cast %mul3A_318 : i32 to index
      %swap3A_336 = tpu.vector_load %arg13[%swap3A_334, %swap3A_335] {strides = array<i32>} : memref<2x128xi32, #tpu.memory_space<vmem>>, vector<1x16xi32>,
      %swap3A_337 = vector.shape_cast %swap3A_336 : vector<1x16xi32> to vector<16xi32>
      %swap3A_338 = vector.shape_cast %select_n3A : vector<16xi32> to vector<1x16xi32>
      tpu.vector_store %arg13[%swap3A_334, %swap3A_335], %swap3A_338 {strides = array<i32>} : memref<2x128xi32, #tpu.memory_space<vmem>>, vector<1x16xi32>,
      %get3A_339 = arith.constant 1 : i32
      %get3A_340 = arith.index_cast %get3A_339 : i32 to index
      %get3A_341 = arith.index_cast %mul3A_318 : i32 to index
      %get3A_342 = tpu.vector_load %arg10[%get3A_340, %get3A_341] {strides = array<i32>} : memref<2x256xi32, #tpu.memory_space<vmem>>, vector<1x16xi32>,
      %get3A_343 = vector.shape_cast %get3A_342 : vector<1x16xi32> to vector<16xi32>
      %get3A_344 = arith.constant 1 : i32
      %get3A_345 = arith.index_cast %get3A_344 : i32 to index
      %get3A_346 = arith.index_cast %add3A_322 : i32 to index
      %get3A_347 = tpu.vector_load %arg10[%get3A_345, %get3A_346] {strides = array<i32>} : memref<2x256xi32, #tpu.memory_space<vmem>>, vector<1x16xi32>,
      %get3A_348 = vector.shape_cast %get3A_347 : vector<1x16xi32> to vector<16xi32>
      %ne3A_349 = arith.constant 0 : i32
      %ne3A_350 = vector.broadcast %ne3A_349 : i32 to vector<16xi32>
      %ne3A_351 = arith.cmpi ne, %get3A_348, %ne3A_350 : vector<16xi32>
      %jit3A_352 = arith.constant 41 : i32
      %broadcast_in_dim3A_353 = vector.broadcast %jit3A_352 : i32 to vector<16xi32>
      %select_n3A_354 = arith.select %ne3A_351, %broadcast_in_dim3A_353, %get3A_343 : vector<16xi1>, vector<16xi32>
      %swap3A_355 = arith.constant 1 : i32
      %swap3A_356 = arith.index_cast %swap3A_355 : i32 to index
      %swap3A_357 = arith.index_cast %mul3A_318 : i32 to index
      %swap3A_358 = tpu.vector_load %arg13[%swap3A_356, %swap3A_357] {strides = array<i32>} : memref<2x128xi32, #tpu.memory_space<vmem>>, vector<1x16xi32>,
      %swap3A_359 = vector.shape_cast %swap3A_358 : vector<1x16xi32> to vector<16xi32>
      %swap3A_360 = vector.shape_cast %select_n3A_354 : vector<16xi32> to vector<1x16xi32>
      tpu.vector_store %arg13[%swap3A_356, %swap3A_357], %swap3A_360 {strides = array<i32>} : memref<2x128xi32, #tpu.memory_space<vmem>>, vector<1x16xi32>,
    }
    %scan3A_99 = arith.constant 8 : i32
    %add3A_100 = arith.constant 8 : i32
    %add3A_101 = arith.addi %mul3A_2, %add3A_100 : i32
    %dma_start3A_102 = arith.constant 0 : i32
    %dma_start3A_103 = tpu.memref_slice %arg2[%add3A_101, %dma_start3A_102] : memref<1600x256xi32, #tpu.memory_space<hbm>> -> memref<2x256xi32, #tpu.memory_space<hbm>>
    %dma_start3A_104 = arith.constant 0 : i32
    %dma_start3A_105 = tpu.memref_slice %arg2[%add3A_101, %dma_start3A_104] : memref<1600x256xi32, #tpu.memory_space<hbm>> -> memref<2x256xi32, #tpu.memory_space<hbm>>
    tpu.enqueue_dma source(%dma_start3A_105 : memref<2x256xi32, #tpu.memory_space<hbm>>) target(%arg10 : memref<2x256xi32, #tpu.memory_space<vmem>>) target_semaphore(%arg19 : memref<!tpu.dma_semaphore, #tpu.memory_space<semaphore_mem>>)
    %dma_start3A_106 = arith.constant 0 : i32
    %dma_start3A_107 = arith.constant 0 : i32
    %dma_start3A_108 = arith.constant 0 : i32
    %dma_start3A_109 = tpu.memref_slice %arg16[%dma_start3A_107, %dma_start3A_108] : memref<256x128xf32, #tpu.memory_space<vmem>> -> memref<128x128xf32, #tpu.memory_space<vmem>>
    %dma_start3A_110 = arith.constant 0 : i32
    %dma_start3A_111 = tpu.memref_slice %arg13[%dma_start3A_106, %dma_start3A_110] : memref<2x128xi32, #tpu.memory_space<vmem>> -> memref<1x128xi32, #tpu.memory_space<vmem>>
    %dma_start3A_112 = tpu.memref_squeeze %dma_start3A_111 : memref<1x128xi32, #tpu.memory_space<vmem>> -> memref<128xi32, #tpu.memory_space<vmem>>
    %dma_start3A_113 = arith.constant 0 : i32
    %dma_start3A_114 = arith.constant 0 : i32
    %dma_start3A_115 = tpu.memref_slice %arg6[%dma_start3A_113, %dma_start3A_114] : memref<48x128xf32, #tpu.memory_space<vmem_shared>> -> memref<48x128xf32, #tpu.memory_space<vmem_shared>>
    tpu.enqueue_indirect_dma source(%dma_start3A_115 : memref<48x128xf32, #tpu.memory_space<vmem_shared>>) target(%dma_start3A_109 : memref<128x128xf32, #tpu.memory_space<vmem>>) offsets(%dma_start3A_112 : memref<128xi32, #tpu.memory_space<vmem>>) semaphore(%arg25 : memref<!tpu.dma_semaphore, #tpu.memory_space<semaphore_mem>>)
    %dma_start3A_116 = arith.constant 1 : i32
    %dma_start3A_117 = arith.constant 128 : i32
    %dma_start3A_118 = arith.constant 0 : i32
    %dma_start3A_119 = tpu.memref_slice %arg16[%dma_start3A_117, %dma_start3A_118] : memref<256x128xf32, #tpu.memory_space<vmem>> -> memref<128x128xf32, #tpu.memory_space<vmem>>
    %dma_start3A_120 = arith.constant 0 : i32
    %dma_start3A_121 = tpu.memref_slice %arg13[%dma_start3A_116, %dma_start3A_120] : memref<2x128xi32, #tpu.memory_space<vmem>> -> memref<1x128xi32, #tpu.memory_space<vmem>>
    %dma_start3A_122 = tpu.memref_squeeze %dma_start3A_121 : memref<1x128xi32, #tpu.memory_space<vmem>> -> memref<128xi32, #tpu.memory_space<vmem>>
    %dma_start3A_123 = arith.constant 0 : i32
    %dma_start3A_124 = arith.constant 0 : i32
    %dma_start3A_125 = tpu.memref_slice %arg6[%dma_start3A_123, %dma_start3A_124] : memref<48x128xf32, #tpu.memory_space<vmem_shared>> -> memref<48x128xf32, #tpu.memory_space<vmem_shared>>
    tpu.enqueue_indirect_dma source(%dma_start3A_125 : memref<48x128xf32, #tpu.memory_space<vmem_shared>>) target(%dma_start3A_119 : memref<128x128xf32, #tpu.memory_space<vmem>>) offsets(%dma_start3A_122 : memref<128xi32, #tpu.memory_space<vmem>>) semaphore(%arg25 : memref<!tpu.dma_semaphore, #tpu.memory_space<semaphore_mem>>)
    %dma_wait3A_126 = arith.constant 0 : i32
    %dma_wait3A_127 = arith.constant 0 : i32
    %dma_wait3A_128 = arith.constant 0 : i32
    %dma_wait3A_129 = tpu.memref_slice %arg16[%dma_wait3A_127, %dma_wait3A_128] : memref<256x128xf32, #tpu.memory_space<vmem>> -> memref<128x128xf32, #tpu.memory_space<vmem>>
    %dma_wait3A_130 = arith.constant 0 : i32
    %dma_wait3A_131 = tpu.memref_slice %arg13[%dma_wait3A_126, %dma_wait3A_130] : memref<2x128xi32, #tpu.memory_space<vmem>> -> memref<1x128xi32, #tpu.memory_space<vmem>>
    %dma_wait3A_132 = tpu.memref_squeeze %dma_wait3A_131 : memref<1x128xi32, #tpu.memory_space<vmem>> -> memref<128xi32, #tpu.memory_space<vmem>>
    %dma_wait3A_133 = arith.constant 0 : i32
    %dma_wait3A_134 = arith.constant 0 : i32
    %dma_wait3A_135 = tpu.memref_slice %arg6[%dma_wait3A_133, %dma_wait3A_134] : memref<48x128xf32, #tpu.memory_space<vmem_shared>> -> memref<48x128xf32, #tpu.memory_space<vmem_shared>>
    tpu.wait_indirect_dma semaphore(%arg25 : memref<!tpu.dma_semaphore, #tpu.memory_space<semaphore_mem>>) src(%dma_wait3A_135 : memref<48x128xf32, #tpu.memory_space<vmem_shared>>) dst(%dma_wait3A_129 : memref<128x128xf32, #tpu.memory_space<vmem>>)
    %dma_wait3A_136 = arith.constant 1 : i32
    %dma_wait3A_137 = arith.constant 128 : i32
    %dma_wait3A_138 = arith.constant 0 : i32
    %dma_wait3A_139 = tpu.memref_slice %arg16[%dma_wait3A_137, %dma_wait3A_138] : memref<256x128xf32, #tpu.memory_space<vmem>> -> memref<128x128xf32, #tpu.memory_space<vmem>>
    %dma_wait3A_140 = arith.constant 0 : i32
    %dma_wait3A_141 = tpu.memref_slice %arg13[%dma_wait3A_136, %dma_wait3A_140] : memref<2x128xi32, #tpu.memory_space<vmem>> -> memref<1x128xi32, #tpu.memory_space<vmem>>
    %dma_wait3A_142 = tpu.memref_squeeze %dma_wait3A_141 : memref<1x128xi32, #tpu.memory_space<vmem>> -> memref<128xi32, #tpu.memory_space<vmem>>
    %dma_wait3A_143 = arith.constant 0 : i32
    %dma_wait3A_144 = arith.constant 0 : i32
    %dma_wait3A_145 = tpu.memref_slice %arg6[%dma_wait3A_143, %dma_wait3A_144] : memref<48x128xf32, #tpu.memory_space<vmem_shared>> -> memref<48x128xf32, #tpu.memory_space<vmem_shared>>
    tpu.wait_indirect_dma semaphore(%arg25 : memref<!tpu.dma_semaphore, #tpu.memory_space<semaphore_mem>>) src(%dma_wait3A_145 : memref<48x128xf32, #tpu.memory_space<vmem_shared>>) dst(%dma_wait3A_139 : memref<128x128xf32, #tpu.memory_space<vmem>>)
    %add3A_146 = arith.constant 2 : i32
    %add3A_147 = arith.addi %mul3A_2, %add3A_146 : i32
    %mul3A_148 = arith.constant 128 : i32
    %mul3A_149 = arith.muli %add3A_147, %mul3A_148 : i32
    %dma_start3A_150 = arith.constant 0 : i32
    %dma_start3A_151 = tpu.memref_slice %arg5[%mul3A_149, %dma_start3A_150] : memref<204800x128xf32, #tpu.memory_space<hbm>> -> memref<256x128xf32, #tpu.memory_space<hbm>>
    %dma_start3A_152 = arith.constant 0 : i32
    %dma_start3A_153 = tpu.memref_slice %arg5[%mul3A_149, %dma_start3A_152] : memref<204800x128xf32, #tpu.memory_space<hbm>> -> memref<256x128xf32, #tpu.memory_space<hbm>>
    tpu.enqueue_dma source(%arg16 : memref<256x128xf32, #tpu.memory_space<vmem>>) target(%dma_start3A_153 : memref<256x128xf32, #tpu.memory_space<hbm>>) target_semaphore(%arg22 : memref<!tpu.dma_semaphore, #tpu.memory_space<semaphore_mem>>)
    %add3A_154 = arith.constant 4 : i32
    %add3A_155 = arith.addi %mul3A_2, %add3A_154 : i32
    %dma_wait3A_156 = arith.constant 0 : i32
    %dma_wait3A_157 = tpu.memref_slice %arg2[%add3A_155, %dma_wait3A_156] : memref<1600x256xi32, #tpu.memory_space<hbm>> -> memref<2x256xi32, #tpu.memory_space<hbm>>
    %dma_wait3A_158 = arith.constant 0 : i32
    %dma_wait3A_159 = tpu.memref_slice %arg2[%add3A_155, %dma_wait3A_158] : memref<1600x256xi32, #tpu.memory_space<hbm>> -> memref<2x256xi32, #tpu.memory_space<hbm>>
    tpu.wait_dma2 semaphore(%arg20 : memref<!tpu.dma_semaphore, #tpu.memory_space<semaphore_mem>>) src(%dma_wait3A_159 : memref<2x256xi32, #tpu.memory_space<hbm>>) dst(%arg11 : memref<2x256xi32, #tpu.memory_space<vmem>>)
    %scan3A_160 = arith.constant 0 : i32
    %scan3A_161 = arith.constant 0 : i32
    %scan3A_162 = arith.constant 8 : i32
    %scan3A_163 = arith.addi %scan3A_161, %scan3A_162 : i32
    %scan3A_164 = arith.constant 1 : i32
    scf.for %scan3A_316 = %scan3A_161 to %scan3A_163 step %scan3A_164  : i32 {
      %mul3A_317 = arith.constant 16 : i32
      %mul3A_318 = arith.muli %scan3A_316, %mul3A_317 : i32
      %mul3A_319 = arith.constant 16 : i32
      %mul3A_320 = arith.muli %scan3A_316, %mul3A_319 : i32
      %add3A_321 = arith.constant 128 : i32
      %add3A_322 = arith.addi %mul3A_320, %add3A_321 : i32
      %get3A = arith.constant 0 : i32
      %get3A_323 = arith.index_cast %get3A : i32 to index
      %get3A_324 = arith.index_cast %mul3A_318 : i32 to index
      %get3A_325 = tpu.vector_load %arg11[%get3A_323, %get3A_324] {strides = array<i32>} : memref<2x256xi32, #tpu.memory_space<vmem>>, vector<1x16xi32>,
      %get3A_326 = vector.shape_cast %get3A_325 : vector<1x16xi32> to vector<16xi32>
      %get3A_327 = arith.constant 0 : i32
      %get3A_328 = arith.index_cast %get3A_327 : i32 to index
      %get3A_329 = arith.index_cast %add3A_322 : i32 to index
      %get3A_330 = tpu.vector_load %arg11[%get3A_328, %get3A_329] {strides = array<i32>} : memref<2x256xi32, #tpu.memory_space<vmem>>, vector<1x16xi32>,
      %get3A_331 = vector.shape_cast %get3A_330 : vector<1x16xi32> to vector<16xi32>
      %ne3A = arith.constant 0 : i32
      %ne3A_332 = vector.broadcast %ne3A : i32 to vector<16xi32>
      %ne3A_333 = arith.cmpi ne, %get3A_331, %ne3A_332 : vector<16xi32>
      %jit3A = arith.constant 41 : i32
      %broadcast_in_dim3A = vector.broadcast %jit3A : i32 to vector<16xi32>
      %select_n3A = arith.select %ne3A_333, %broadcast_in_dim3A, %get3A_326 : vector<16xi1>, vector<16xi32>
      %swap3A = arith.constant 0 : i32
      %swap3A_334 = arith.index_cast %swap3A : i32 to index
      %swap3A_335 = arith.index_cast %mul3A_318 : i32 to index
      %swap3A_336 = tpu.vector_load %arg14[%swap3A_334, %swap3A_335] {strides = array<i32>} : memref<2x128xi32, #tpu.memory_space<vmem>>, vector<1x16xi32>,
      %swap3A_337 = vector.shape_cast %swap3A_336 : vector<1x16xi32> to vector<16xi32>
      %swap3A_338 = vector.shape_cast %select_n3A : vector<16xi32> to vector<1x16xi32>
      tpu.vector_store %arg14[%swap3A_334, %swap3A_335], %swap3A_338 {strides = array<i32>} : memref<2x128xi32, #tpu.memory_space<vmem>>, vector<1x16xi32>,
      %get3A_339 = arith.constant 1 : i32
      %get3A_340 = arith.index_cast %get3A_339 : i32 to index
      %get3A_341 = arith.index_cast %mul3A_318 : i32 to index
      %get3A_342 = tpu.vector_load %arg11[%get3A_340, %get3A_341] {strides = array<i32>} : memref<2x256xi32, #tpu.memory_space<vmem>>, vector<1x16xi32>,
      %get3A_343 = vector.shape_cast %get3A_342 : vector<1x16xi32> to vector<16xi32>
      %get3A_344 = arith.constant 1 : i32
      %get3A_345 = arith.index_cast %get3A_344 : i32 to index
      %get3A_346 = arith.index_cast %add3A_322 : i32 to index
      %get3A_347 = tpu.vector_load %arg11[%get3A_345, %get3A_346] {strides = array<i32>} : memref<2x256xi32, #tpu.memory_space<vmem>>, vector<1x16xi32>,
      %get3A_348 = vector.shape_cast %get3A_347 : vector<1x16xi32> to vector<16xi32>
      %ne3A_349 = arith.constant 0 : i32
      %ne3A_350 = vector.broadcast %ne3A_349 : i32 to vector<16xi32>
      %ne3A_351 = arith.cmpi ne, %get3A_348, %ne3A_350 : vector<16xi32>
      %jit3A_352 = arith.constant 41 : i32
      %broadcast_in_dim3A_353 = vector.broadcast %jit3A_352 : i32 to vector<16xi32>
      %select_n3A_354 = arith.select %ne3A_351, %broadcast_in_dim3A_353, %get3A_343 : vector<16xi1>, vector<16xi32>
      %swap3A_355 = arith.constant 1 : i32
      %swap3A_356 = arith.index_cast %swap3A_355 : i32 to index
      %swap3A_357 = arith.index_cast %mul3A_318 : i32 to index
      %swap3A_358 = tpu.vector_load %arg14[%swap3A_356, %swap3A_357] {strides = array<i32>} : memref<2x128xi32, #tpu.memory_space<vmem>>, vector<1x16xi32>,
      %swap3A_359 = vector.shape_cast %swap3A_358 : vector<1x16xi32> to vector<16xi32>
      %swap3A_360 = vector.shape_cast %select_n3A_354 : vector<16xi32> to vector<1x16xi32>
      tpu.vector_store %arg14[%swap3A_356, %swap3A_357], %swap3A_360 {strides = array<i32>} : memref<2x128xi32, #tpu.memory_space<vmem>>, vector<1x16xi32>,
    }
    %scan3A_165 = arith.constant 8 : i32
    %add3A_166 = arith.constant 10 : i32
    %add3A_167 = arith.addi %mul3A_2, %add3A_166 : i32
    %dma_start3A_168 = arith.constant 0 : i32
    %dma_start3A_169 = tpu.memref_slice %arg2[%add3A_167, %dma_start3A_168] : memref<1600x256xi32, #tpu.memory_space<hbm>> -> memref<2x256xi32, #tpu.memory_space<hbm>>
    %dma_start3A_170 = arith.constant 0 : i32
    %dma_start3A_171 = tpu.memref_slice %arg2[%add3A_167, %dma_start3A_170] : memref<1600x256xi32, #tpu.memory_space<hbm>> -> memref<2x256xi32, #tpu.memory_space<hbm>>
    tpu.enqueue_dma source(%dma_start3A_171 : memref<2x256xi32, #tpu.memory_space<hbm>>) target(%arg11 : memref<2x256xi32, #tpu.memory_space<vmem>>) target_semaphore(%arg20 : memref<!tpu.dma_semaphore, #tpu.memory_space<semaphore_mem>>)
    %dma_start3A_172 = arith.constant 0 : i32
    %dma_start3A_173 = arith.constant 0 : i32
    %dma_start3A_174 = arith.constant 0 : i32
    %dma_start3A_175 = tpu.memref_slice %arg17[%dma_start3A_173, %dma_start3A_174] : memref<256x128xf32, #tpu.memory_space<vmem>> -> memref<128x128xf32, #tpu.memory_space<vmem>>
    %dma_start3A_176 = arith.constant 0 : i32
    %dma_start3A_177 = tpu.memref_slice %arg14[%dma_start3A_172, %dma_start3A_176] : memref<2x128xi32, #tpu.memory_space<vmem>> -> memref<1x128xi32, #tpu.memory_space<vmem>>
    %dma_start3A_178 = tpu.memref_squeeze %dma_start3A_177 : memref<1x128xi32, #tpu.memory_space<vmem>> -> memref<128xi32, #tpu.memory_space<vmem>>
    %dma_start3A_179 = arith.constant 0 : i32
    %dma_start3A_180 = arith.constant 0 : i32
    %dma_start3A_181 = tpu.memref_slice %arg6[%dma_start3A_179, %dma_start3A_180] : memref<48x128xf32, #tpu.memory_space<vmem_shared>> -> memref<48x128xf32, #tpu.memory_space<vmem_shared>>
    tpu.enqueue_indirect_dma source(%dma_start3A_181 : memref<48x128xf32, #tpu.memory_space<vmem_shared>>) target(%dma_start3A_175 : memref<128x128xf32, #tpu.memory_space<vmem>>) offsets(%dma_start3A_178 : memref<128xi32, #tpu.memory_space<vmem>>) semaphore(%arg26 : memref<!tpu.dma_semaphore, #tpu.memory_space<semaphore_mem>>)
    %dma_start3A_182 = arith.constant 1 : i32
    %dma_start3A_183 = arith.constant 128 : i32
    %dma_start3A_184 = arith.constant 0 : i32
    %dma_start3A_185 = tpu.memref_slice %arg17[%dma_start3A_183, %dma_start3A_184] : memref<256x128xf32, #tpu.memory_space<vmem>> -> memref<128x128xf32, #tpu.memory_space<vmem>>
    %dma_start3A_186 = arith.constant 0 : i32
    %dma_start3A_187 = tpu.memref_slice %arg14[%dma_start3A_182, %dma_start3A_186] : memref<2x128xi32, #tpu.memory_space<vmem>> -> memref<1x128xi32, #tpu.memory_space<vmem>>
    %dma_start3A_188 = tpu.memref_squeeze %dma_start3A_187 : memref<1x128xi32, #tpu.memory_space<vmem>> -> memref<128xi32, #tpu.memory_space<vmem>>
    %dma_start3A_189 = arith.constant 0 : i32
    %dma_start3A_190 = arith.constant 0 : i32
    %dma_start3A_191 = tpu.memref_slice %arg6[%dma_start3A_189, %dma_start3A_190] : memref<48x128xf32, #tpu.memory_space<vmem_shared>> -> memref<48x128xf32, #tpu.memory_space<vmem_shared>>
    tpu.enqueue_indirect_dma source(%dma_start3A_191 : memref<48x128xf32, #tpu.memory_space<vmem_shared>>) target(%dma_start3A_185 : memref<128x128xf32, #tpu.memory_space<vmem>>) offsets(%dma_start3A_188 : memref<128xi32, #tpu.memory_space<vmem>>) semaphore(%arg26 : memref<!tpu.dma_semaphore, #tpu.memory_space<semaphore_mem>>)
    %dma_wait3A_192 = arith.constant 0 : i32
    %dma_wait3A_193 = arith.constant 0 : i32
    %dma_wait3A_194 = arith.constant 0 : i32
    %dma_wait3A_195 = tpu.memref_slice %arg17[%dma_wait3A_193, %dma_wait3A_194] : memref<256x128xf32, #tpu.memory_space<vmem>> -> memref<128x128xf32, #tpu.memory_space<vmem>>
    %dma_wait3A_196 = arith.constant 0 : i32
    %dma_wait3A_197 = tpu.memref_slice %arg14[%dma_wait3A_192, %dma_wait3A_196] : memref<2x128xi32, #tpu.memory_space<vmem>> -> memref<1x128xi32, #tpu.memory_space<vmem>>
    %dma_wait3A_198 = tpu.memref_squeeze %dma_wait3A_197 : memref<1x128xi32, #tpu.memory_space<vmem>> -> memref<128xi32, #tpu.memory_space<vmem>>
    %dma_wait3A_199 = arith.constant 0 : i32
    %dma_wait3A_200 = arith.constant 0 : i32
    %dma_wait3A_201 = tpu.memref_slice %arg6[%dma_wait3A_199, %dma_wait3A_200] : memref<48x128xf32, #tpu.memory_space<vmem_shared>> -> memref<48x128xf32, #tpu.memory_space<vmem_shared>>
    tpu.wait_indirect_dma semaphore(%arg26 : memref<!tpu.dma_semaphore, #tpu.memory_space<semaphore_mem>>) src(%dma_wait3A_201 : memref<48x128xf32, #tpu.memory_space<vmem_shared>>) dst(%dma_wait3A_195 : memref<128x128xf32, #tpu.memory_space<vmem>>)
    %dma_wait3A_202 = arith.constant 1 : i32
    %dma_wait3A_203 = arith.constant 128 : i32
    %dma_wait3A_204 = arith.constant 0 : i32
    %dma_wait3A_205 = tpu.memref_slice %arg17[%dma_wait3A_203, %dma_wait3A_204] : memref<256x128xf32, #tpu.memory_space<vmem>> -> memref<128x128xf32, #tpu.memory_space<vmem>>
    %dma_wait3A_206 = arith.constant 0 : i32
    %dma_wait3A_207 = tpu.memref_slice %arg14[%dma_wait3A_202, %dma_wait3A_206] : memref<2x128xi32, #tpu.memory_space<vmem>> -> memref<1x128xi32, #tpu.memory_space<vmem>>
    %dma_wait3A_208 = tpu.memref_squeeze %dma_wait3A_207 : memref<1x128xi32, #tpu.memory_space<vmem>> -> memref<128xi32, #tpu.memory_space<vmem>>
    %dma_wait3A_209 = arith.constant 0 : i32
    %dma_wait3A_210 = arith.constant 0 : i32
    %dma_wait3A_211 = tpu.memref_slice %arg6[%dma_wait3A_209, %dma_wait3A_210] : memref<48x128xf32, #tpu.memory_space<vmem_shared>> -> memref<48x128xf32, #tpu.memory_space<vmem_shared>>
    tpu.wait_indirect_dma semaphore(%arg26 : memref<!tpu.dma_semaphore, #tpu.memory_space<semaphore_mem>>) src(%dma_wait3A_211 : memref<48x128xf32, #tpu.memory_space<vmem_shared>>) dst(%dma_wait3A_205 : memref<128x128xf32, #tpu.memory_space<vmem>>)
    %add3A_212 = arith.constant 4 : i32
    %add3A_213 = arith.addi %mul3A_2, %add3A_212 : i32
    %mul3A_214 = arith.constant 128 : i32
    %mul3A_215 = arith.muli %add3A_213, %mul3A_214 : i32
    %dma_start3A_216 = arith.constant 0 : i32
    %dma_start3A_217 = tpu.memref_slice %arg5[%mul3A_215, %dma_start3A_216] : memref<204800x128xf32, #tpu.memory_space<hbm>> -> memref<256x128xf32, #tpu.memory_space<hbm>>
    %dma_start3A_218 = arith.constant 0 : i32
    %dma_start3A_219 = tpu.memref_slice %arg5[%mul3A_215, %dma_start3A_218] : memref<204800x128xf32, #tpu.memory_space<hbm>> -> memref<256x128xf32, #tpu.memory_space<hbm>>
    tpu.enqueue_dma source(%arg17 : memref<256x128xf32, #tpu.memory_space<vmem>>) target(%dma_start3A_219 : memref<256x128xf32, #tpu.memory_space<hbm>>) target_semaphore(%arg23 : memref<!tpu.dma_semaphore, #tpu.memory_space<semaphore_mem>>)
    %add3A_220 = arith.constant 6 : i32
    %add3A_221 = arith.addi %mul3A_2, %add3A_220 : i32
    %dma_wait3A_222 = arith.constant 0 : i32
    %dma_wait3A_223 = tpu.memref_slice %arg2[%add3A_221, %dma_wait3A_222] : memref<1600x256xi32, #tpu.memory_space<hbm>> -> memref<2x256xi32, #tpu.memory_space<hbm>>
    %dma_wait3A_224 = arith.constant 0 : i32
    %dma_wait3A_225 = tpu.memref_slice %arg2[%add3A_221, %dma_wait3A_224] : memref<1600x256xi32, #tpu.memory_space<hbm>> -> memref<2x256xi32, #tpu.memory_space<hbm>>
    tpu.wait_dma2 semaphore(%arg18 : memref<!tpu.dma_semaphore, #tpu.memory_space<semaphore_mem>>) src(%dma_wait3A_225 : memref<2x256xi32, #tpu.memory_space<hbm>>) dst(%arg9 : memref<2x256xi32, #tpu.memory_space<vmem>>)
    %scan3A_226 = arith.constant 0 : i32
    %scan3A_227 = arith.constant 0 : i32
    %scan3A_228 = arith.constant 8 : i32
    %scan3A_229 = arith.addi %scan3A_227, %scan3A_228 : i32
    %scan3A_230 = arith.constant 1 : i32
    scf.for %scan3A_316 = %scan3A_227 to %scan3A_229 step %scan3A_230  : i32 {
      %mul3A_317 = arith.constant 16 : i32
      %mul3A_318 = arith.muli %scan3A_316, %mul3A_317 : i32
      %mul3A_319 = arith.constant 16 : i32
      %mul3A_320 = arith.muli %scan3A_316, %mul3A_319 : i32
      %add3A_321 = arith.constant 128 : i32
      %add3A_322 = arith.addi %mul3A_320, %add3A_321 : i32
      %get3A = arith.constant 0 : i32
      %get3A_323 = arith.index_cast %get3A : i32 to index
      %get3A_324 = arith.index_cast %mul3A_318 : i32 to index
      %get3A_325 = tpu.vector_load %arg9[%get3A_323, %get3A_324] {strides = array<i32>} : memref<2x256xi32, #tpu.memory_space<vmem>>, vector<1x16xi32>,
      %get3A_326 = vector.shape_cast %get3A_325 : vector<1x16xi32> to vector<16xi32>
      %get3A_327 = arith.constant 0 : i32
      %get3A_328 = arith.index_cast %get3A_327 : i32 to index
      %get3A_329 = arith.index_cast %add3A_322 : i32 to index
      %get3A_330 = tpu.vector_load %arg9[%get3A_328, %get3A_329] {strides = array<i32>} : memref<2x256xi32, #tpu.memory_space<vmem>>, vector<1x16xi32>,
      %get3A_331 = vector.shape_cast %get3A_330 : vector<1x16xi32> to vector<16xi32>
      %ne3A = arith.constant 0 : i32
      %ne3A_332 = vector.broadcast %ne3A : i32 to vector<16xi32>
      %ne3A_333 = arith.cmpi ne, %get3A_331, %ne3A_332 : vector<16xi32>
      %jit3A = arith.constant 41 : i32
      %broadcast_in_dim3A = vector.broadcast %jit3A : i32 to vector<16xi32>
      %select_n3A = arith.select %ne3A_333, %broadcast_in_dim3A, %get3A_326 : vector<16xi1>, vector<16xi32>
      %swap3A = arith.constant 0 : i32
      %swap3A_334 = arith.index_cast %swap3A : i32 to index
      %swap3A_335 = arith.index_cast %mul3A_318 : i32 to index
      %swap3A_336 = tpu.vector_load %arg12[%swap3A_334, %swap3A_335] {strides = array<i32>} : memref<2x128xi32, #tpu.memory_space<vmem>>, vector<1x16xi32>,
      %swap3A_337 = vector.shape_cast %swap3A_336 : vector<1x16xi32> to vector<16xi32>
      %swap3A_338 = vector.shape_cast %select_n3A : vector<16xi32> to vector<1x16xi32>
      tpu.vector_store %arg12[%swap3A_334, %swap3A_335], %swap3A_338 {strides = array<i32>} : memref<2x128xi32, #tpu.memory_space<vmem>>, vector<1x16xi32>,
      %get3A_339 = arith.constant 1 : i32
      %get3A_340 = arith.index_cast %get3A_339 : i32 to index
      %get3A_341 = arith.index_cast %mul3A_318 : i32 to index
      %get3A_342 = tpu.vector_load %arg9[%get3A_340, %get3A_341] {strides = array<i32>} : memref<2x256xi32, #tpu.memory_space<vmem>>, vector<1x16xi32>,
      %get3A_343 = vector.shape_cast %get3A_342 : vector<1x16xi32> to vector<16xi32>
      %get3A_344 = arith.constant 1 : i32
      %get3A_345 = arith.index_cast %get3A_344 : i32 to index
      %get3A_346 = arith.index_cast %add3A_322 : i32 to index
      %get3A_347 = tpu.vector_load %arg9[%get3A_345, %get3A_346] {strides = array<i32>} : memref<2x256xi32, #tpu.memory_space<vmem>>, vector<1x16xi32>,
      %get3A_348 = vector.shape_cast %get3A_347 : vector<1x16xi32> to vector<16xi32>
      %ne3A_349 = arith.constant 0 : i32
      %ne3A_350 = vector.broadcast %ne3A_349 : i32 to vector<16xi32>
      %ne3A_351 = arith.cmpi ne, %get3A_348, %ne3A_350 : vector<16xi32>
      %jit3A_352 = arith.constant 41 : i32
      %broadcast_in_dim3A_353 = vector.broadcast %jit3A_352 : i32 to vector<16xi32>
      %select_n3A_354 = arith.select %ne3A_351, %broadcast_in_dim3A_353, %get3A_343 : vector<16xi1>, vector<16xi32>
      %swap3A_355 = arith.constant 1 : i32
      %swap3A_356 = arith.index_cast %swap3A_355 : i32 to index
      %swap3A_357 = arith.index_cast %mul3A_318 : i32 to index
      %swap3A_358 = tpu.vector_load %arg12[%swap3A_356, %swap3A_357] {strides = array<i32>} : memref<2x128xi32, #tpu.memory_space<vmem>>, vector<1x16xi32>,
      %swap3A_359 = vector.shape_cast %swap3A_358 : vector<1x16xi32> to vector<16xi32>
      %swap3A_360 = vector.shape_cast %select_n3A_354 : vector<16xi32> to vector<1x16xi32>
      tpu.vector_store %arg12[%swap3A_356, %swap3A_357], %swap3A_360 {strides = array<i32>} : memref<2x128xi32, #tpu.memory_space<vmem>>, vector<1x16xi32>,
    }
    %scan3A_231 = arith.constant 8 : i32
    %add3A_232 = arith.constant 12 : i32
    %add3A_233 = arith.addi %mul3A_2, %add3A_232 : i32
    %dma_start3A_234 = arith.constant 0 : i32
    %dma_start3A_235 = tpu.memref_slice %arg2[%add3A_233, %dma_start3A_234] : memref<1600x256xi32, #tpu.memory_space<hbm>> -> memref<2x256xi32, #tpu.memory_space<hbm>>
    %dma_start3A_236 = arith.constant 0 : i32
    %dma_start3A_237 = tpu.memref_slice %arg2[%add3A_233, %dma_start3A_236] : memref<1600x256xi32, #tpu.memory_space<hbm>> -> memref<2x256xi32, #tpu.memory_space<hbm>>
    tpu.enqueue_dma source(%dma_start3A_237 : memref<2x256xi32, #tpu.memory_space<hbm>>) target(%arg9 : memref<2x256xi32, #tpu.memory_space<vmem>>) target_semaphore(%arg18 : memref<!tpu.dma_semaphore, #tpu.memory_space<semaphore_mem>>)
    %dma_wait3A_238 = arith.constant 0 : i32
    %dma_wait3A_239 = arith.constant 0 : i32
    %dma_wait3A_240 = tpu.memref_slice %arg5[%dma_wait3A_238, %dma_wait3A_239] : memref<204800x128xf32, #tpu.memory_space<hbm>> -> memref<256x128xf32, #tpu.memory_space<hbm>>
    %dma_wait3A_241 = arith.constant 0 : i32
    %dma_wait3A_242 = arith.constant 0 : i32
    %dma_wait3A_243 = tpu.memref_slice %arg5[%dma_wait3A_241, %dma_wait3A_242] : memref<204800x128xf32, #tpu.memory_space<hbm>> -> memref<256x128xf32, #tpu.memory_space<hbm>>
    tpu.wait_dma2 semaphore(%arg21 : memref<!tpu.dma_semaphore, #tpu.memory_space<semaphore_mem>>) src(%arg15 : memref<256x128xf32, #tpu.memory_space<vmem>>) dst(%dma_wait3A_243 : memref<256x128xf32, #tpu.memory_space<hbm>>)
    %dma_start3A_244 = arith.constant 0 : i32
    %dma_start3A_245 = arith.constant 0 : i32
    %dma_start3A_246 = arith.constant 0 : i32
    %dma_start3A_247 = tpu.memref_slice %arg15[%dma_start3A_245, %dma_start3A_246] : memref<256x128xf32, #tpu.memory_space<vmem>> -> memref<128x128xf32, #tpu.memory_space<vmem>>
    %dma_start3A_248 = arith.constant 0 : i32
    %dma_start3A_249 = tpu.memref_slice %arg12[%dma_start3A_244, %dma_start3A_248] : memref<2x128xi32, #tpu.memory_space<vmem>> -> memref<1x128xi32, #tpu.memory_space<vmem>>
    %dma_start3A_250 = tpu.memref_squeeze %dma_start3A_249 : memref<1x128xi32, #tpu.memory_space<vmem>> -> memref<128xi32, #tpu.memory_space<vmem>>
    %dma_start3A_251 = arith.constant 0 : i32
    %dma_start3A_252 = arith.constant 0 : i32
    %dma_start3A_253 = tpu.memref_slice %arg6[%dma_start3A_251, %dma_start3A_252] : memref<48x128xf32, #tpu.memory_space<vmem_shared>> -> memref<48x128xf32, #tpu.memory_space<vmem_shared>>
    tpu.enqueue_indirect_dma source(%dma_start3A_253 : memref<48x128xf32, #tpu.memory_space<vmem_shared>>) target(%dma_start3A_247 : memref<128x128xf32, #tpu.memory_space<vmem>>) offsets(%dma_start3A_250 : memref<128xi32, #tpu.memory_space<vmem>>) semaphore(%arg24 : memref<!tpu.dma_semaphore, #tpu.memory_space<semaphore_mem>>)
    %dma_start3A_254 = arith.constant 1 : i32
    %dma_start3A_255 = arith.constant 128 : i32
    %dma_start3A_256 = arith.constant 0 : i32
    %dma_start3A_257 = tpu.memref_slice %arg15[%dma_start3A_255, %dma_start3A_256] : memref<256x128xf32, #tpu.memory_space<vmem>> -> memref<128x128xf32, #tpu.memory_space<vmem>>
    %dma_start3A_258 = arith.constant 0 : i32
    %dma_start3A_259 = tpu.memref_slice %arg12[%dma_start3A_254, %dma_start3A_258] : memref<2x128xi32, #tpu.memory_space<vmem>> -> memref<1x128xi32, #tpu.memory_space<vmem>>
    %dma_start3A_260 = tpu.memref_squeeze %dma_start3A_259 : memref<1x128xi32, #tpu.memory_space<vmem>> -> memref<128xi32, #tpu.memory_space<vmem>>
    %dma_start3A_261 = arith.constant 0 : i32
    %dma_start3A_262 = arith.constant 0 : i32
    %dma_start3A_263 = tpu.memref_slice %arg6[%dma_start3A_261, %dma_start3A_262] : memref<48x128xf32, #tpu.memory_space<vmem_shared>> -> memref<48x128xf32, #tpu.memory_space<vmem_shared>>
    tpu.enqueue_indirect_dma source(%dma_start3A_263 : memref<48x128xf32, #tpu.memory_space<vmem_shared>>) target(%dma_start3A_257 : memref<128x128xf32, #tpu.memory_space<vmem>>) offsets(%dma_start3A_260 : memref<128xi32, #tpu.memory_space<vmem>>) semaphore(%arg24 : memref<!tpu.dma_semaphore, #tpu.memory_space<semaphore_mem>>)
    %scan3A_264 = arith.constant 0 : i32
    %scan3A_265 = arith.constant 1 : i32
    %scan3A_266 = arith.constant 7 : i32
    %scan3A_267 = arith.addi %scan3A_265, %scan3A_266 : i32
    %scan3A_268 = arith.constant 1 : i32
    scf.for %scan3A_316 = %scan3A_265 to %scan3A_267 step %scan3A_268  : i32 {
      %mul3A_317 = arith.constant 3 : i32
      %mul3A_318 = arith.muli %scan3A_316, %mul3A_317 : i32
      %add3A_319 = arith.constant 0 : i32
      %add3A_320 = arith.addi %mul3A_318, %add3A_319 : i32
      %dma_wait3A_321 = arith.constant 0 : i32
      %dma_wait3A_322 = arith.constant 0 : i32
      %dma_wait3A_323 = arith.constant 0 : i32
      %dma_wait3A_324 = tpu.memref_slice %arg15[%dma_wait3A_322, %dma_wait3A_323] : memref<256x128xf32, #tpu.memory_space<vmem>> -> memref<128x128xf32, #tpu.memory_space<vmem>>
      %dma_wait3A_325 = arith.constant 0 : i32
      %dma_wait3A_326 = tpu.memref_slice %arg12[%dma_wait3A_321, %dma_wait3A_325] : memref<2x128xi32, #tpu.memory_space<vmem>> -> memref<1x128xi32, #tpu.memory_space<vmem>>
      %dma_wait3A_327 = tpu.memref_squeeze %dma_wait3A_326 : memref<1x128xi32, #tpu.memory_space<vmem>> -> memref<128xi32, #tpu.memory_space<vmem>>
      %dma_wait3A_328 = arith.constant 0 : i32
      %dma_wait3A_329 = arith.constant 0 : i32
      %dma_wait3A_330 = tpu.memref_slice %arg6[%dma_wait3A_328, %dma_wait3A_329] : memref<48x128xf32, #tpu.memory_space<vmem_shared>> -> memref<48x128xf32, #tpu.memory_space<vmem_shared>>
      tpu.wait_indirect_dma semaphore(%arg24 : memref<!tpu.dma_semaphore, #tpu.memory_space<semaphore_mem>>) src(%dma_wait3A_330 : memref<48x128xf32, #tpu.memory_space<vmem_shared>>) dst(%dma_wait3A_324 : memref<128x128xf32, #tpu.memory_space<vmem>>)
      %dma_wait3A_331 = arith.constant 1 : i32
      %dma_wait3A_332 = arith.constant 128 : i32
      %dma_wait3A_333 = arith.constant 0 : i32
      %dma_wait3A_334 = tpu.memref_slice %arg15[%dma_wait3A_332, %dma_wait3A_333] : memref<256x128xf32, #tpu.memory_space<vmem>> -> memref<128x128xf32, #tpu.memory_space<vmem>>
      %dma_wait3A_335 = arith.constant 0 : i32
      %dma_wait3A_336 = tpu.memref_slice %arg12[%dma_wait3A_331, %dma_wait3A_335] : memref<2x128xi32, #tpu.memory_space<vmem>> -> memref<1x128xi32, #tpu.memory_space<vmem>>
      %dma_wait3A_337 = tpu.memref_squeeze %dma_wait3A_336 : memref<1x128xi32, #tpu.memory_space<vmem>> -> memref<128xi32, #tpu.memory_space<vmem>>
      %dma_wait3A_338 = arith.constant 0 : i32
      %dma_wait3A_339 = arith.constant 0 : i32
      %dma_wait3A_340 = tpu.memref_slice %arg6[%dma_wait3A_338, %dma_wait3A_339] : memref<48x128xf32, #tpu.memory_space<vmem_shared>> -> memref<48x128xf32, #tpu.memory_space<vmem_shared>>
      tpu.wait_indirect_dma semaphore(%arg24 : memref<!tpu.dma_semaphore, #tpu.memory_space<semaphore_mem>>) src(%dma_wait3A_340 : memref<48x128xf32, #tpu.memory_space<vmem_shared>>) dst(%dma_wait3A_334 : memref<128x128xf32, #tpu.memory_space<vmem>>)
      %mul3A_341 = arith.constant 2 : i32
      %mul3A_342 = arith.muli %add3A_320, %mul3A_341 : i32
      %add3A_343 = arith.addi %mul3A_2, %mul3A_342 : i32
      %mul3A_344 = arith.constant 128 : i32
      %mul3A_345 = arith.muli %add3A_343, %mul3A_344 : i32
      %dma_start3A_346 = arith.constant 0 : i32
      %dma_start3A_347 = tpu.memref_slice %arg5[%mul3A_345, %dma_start3A_346] : memref<204800x128xf32, #tpu.memory_space<hbm>> -> memref<256x128xf32, #tpu.memory_space<hbm>>
      %dma_start3A_348 = arith.constant 0 : i32
      %dma_start3A_349 = tpu.memref_slice %arg5[%mul3A_345, %dma_start3A_348] : memref<204800x128xf32, #tpu.memory_space<hbm>> -> memref<256x128xf32, #tpu.memory_space<hbm>>
      tpu.enqueue_dma source(%arg15 : memref<256x128xf32, #tpu.memory_space<vmem>>) target(%dma_start3A_349 : memref<256x128xf32, #tpu.memory_space<hbm>>) target_semaphore(%arg21 : memref<!tpu.dma_semaphore, #tpu.memory_space<semaphore_mem>>)
      %add3A_350 = arith.constant 1 : i32
      %add3A_351 = arith.addi %add3A_320, %add3A_350 : i32
      %add3A_352 = arith.constant 1 : i32
      %add3A_353 = arith.addi %add3A_320, %add3A_352 : i32
      %add3A_354 = arith.constant 3 : i32
      %add3A_355 = arith.addi %add3A_353, %add3A_354 : i32
      %lt3A_356 = arith.constant 25 : i32
      %lt3A_357 = arith.cmpi slt, %add3A_355, %lt3A_356 : i32
      %mul3A_358 = arith.constant 2 : i32
      %mul3A_359 = arith.muli %add3A_351, %mul3A_358 : i32
      %add3A_360 = arith.addi %mul3A_2, %mul3A_359 : i32
      %dma_wait3A_361 = arith.constant 0 : i32
      %dma_wait3A_362 = tpu.memref_slice %arg2[%add3A_360, %dma_wait3A_361] : memref<1600x256xi32, #tpu.memory_space<hbm>> -> memref<2x256xi32, #tpu.memory_space<hbm>>
      %dma_wait3A_363 = arith.constant 0 : i32
      %dma_wait3A_364 = tpu.memref_slice %arg2[%add3A_360, %dma_wait3A_363] : memref<1600x256xi32, #tpu.memory_space<hbm>> -> memref<2x256xi32, #tpu.memory_space<hbm>>
      tpu.wait_dma2 semaphore(%arg19 : memref<!tpu.dma_semaphore, #tpu.memory_space<semaphore_mem>>) src(%dma_wait3A_364 : memref<2x256xi32, #tpu.memory_space<hbm>>) dst(%arg10 : memref<2x256xi32, #tpu.memory_space<vmem>>)
      %scan3A_365 = arith.constant 0 : i32
      %scan3A_366 = arith.constant 0 : i32
      %scan3A_367 = arith.constant 8 : i32
      %scan3A_368 = arith.addi %scan3A_366, %scan3A_367 : i32
      %scan3A_369 = arith.constant 1 : i32
      scf.for %scan3A_566 = %scan3A_366 to %scan3A_368 step %scan3A_369  : i32 {
        %mul3A_567 = arith.constant 16 : i32
        %mul3A_568 = arith.muli %scan3A_566, %mul3A_567 : i32
        %mul3A_569 = arith.constant 16 : i32
        %mul3A_570 = arith.muli %scan3A_566, %mul3A_569 : i32
        %add3A_571 = arith.constant 128 : i32
        %add3A_572 = arith.addi %mul3A_570, %add3A_571 : i32
        %get3A = arith.constant 0 : i32
        %get3A_573 = arith.index_cast %get3A : i32 to index
        %get3A_574 = arith.index_cast %mul3A_568 : i32 to index
        %get3A_575 = tpu.vector_load %arg10[%get3A_573, %get3A_574] {strides = array<i32>} : memref<2x256xi32, #tpu.memory_space<vmem>>, vector<1x16xi32>,
        %get3A_576 = vector.shape_cast %get3A_575 : vector<1x16xi32> to vector<16xi32>
        %get3A_577 = arith.constant 0 : i32
        %get3A_578 = arith.index_cast %get3A_577 : i32 to index
        %get3A_579 = arith.index_cast %add3A_572 : i32 to index
        %get3A_580 = tpu.vector_load %arg10[%get3A_578, %get3A_579] {strides = array<i32>} : memref<2x256xi32, #tpu.memory_space<vmem>>, vector<1x16xi32>,
        %get3A_581 = vector.shape_cast %get3A_580 : vector<1x16xi32> to vector<16xi32>
        %ne3A = arith.constant 0 : i32
        %ne3A_582 = vector.broadcast %ne3A : i32 to vector<16xi32>
        %ne3A_583 = arith.cmpi ne, %get3A_581, %ne3A_582 : vector<16xi32>
        %jit3A = arith.constant 41 : i32
        %broadcast_in_dim3A = vector.broadcast %jit3A : i32 to vector<16xi32>
        %select_n3A = arith.select %ne3A_583, %broadcast_in_dim3A, %get3A_576 : vector<16xi1>, vector<16xi32>
        %swap3A = arith.constant 0 : i32
        %swap3A_584 = arith.index_cast %swap3A : i32 to index
        %swap3A_585 = arith.index_cast %mul3A_568 : i32 to index
        %swap3A_586 = tpu.vector_load %arg13[%swap3A_584, %swap3A_585] {strides = array<i32>} : memref<2x128xi32, #tpu.memory_space<vmem>>, vector<1x16xi32>,
        %swap3A_587 = vector.shape_cast %swap3A_586 : vector<1x16xi32> to vector<16xi32>
        %swap3A_588 = vector.shape_cast %select_n3A : vector<16xi32> to vector<1x16xi32>
        tpu.vector_store %arg13[%swap3A_584, %swap3A_585], %swap3A_588 {strides = array<i32>} : memref<2x128xi32, #tpu.memory_space<vmem>>, vector<1x16xi32>,
        %get3A_589 = arith.constant 1 : i32
        %get3A_590 = arith.index_cast %get3A_589 : i32 to index
        %get3A_591 = arith.index_cast %mul3A_568 : i32 to index
        %get3A_592 = tpu.vector_load %arg10[%get3A_590, %get3A_591] {strides = array<i32>} : memref<2x256xi32, #tpu.memory_space<vmem>>, vector<1x16xi32>,
        %get3A_593 = vector.shape_cast %get3A_592 : vector<1x16xi32> to vector<16xi32>
        %get3A_594 = arith.constant 1 : i32
        %get3A_595 = arith.index_cast %get3A_594 : i32 to index
        %get3A_596 = arith.index_cast %add3A_572 : i32 to index
        %get3A_597 = tpu.vector_load %arg10[%get3A_595, %get3A_596] {strides = array<i32>} : memref<2x256xi32, #tpu.memory_space<vmem>>, vector<1x16xi32>,
        %get3A_598 = vector.shape_cast %get3A_597 : vector<1x16xi32> to vector<16xi32>
        %ne3A_599 = arith.constant 0 : i32
        %ne3A_600 = vector.broadcast %ne3A_599 : i32 to vector<16xi32>
        %ne3A_601 = arith.cmpi ne, %get3A_598, %ne3A_600 : vector<16xi32>
        %jit3A_602 = arith.constant 41 : i32
        %broadcast_in_dim3A_603 = vector.broadcast %jit3A_602 : i32 to vector<16xi32>
        %select_n3A_604 = arith.select %ne3A_601, %broadcast_in_dim3A_603, %get3A_593 : vector<16xi1>, vector<16xi32>
        %swap3A_605 = arith.constant 1 : i32
        %swap3A_606 = arith.index_cast %swap3A_605 : i32 to index
        %swap3A_607 = arith.index_cast %mul3A_568 : i32 to index
        %swap3A_608 = tpu.vector_load %arg13[%swap3A_606, %swap3A_607] {strides = array<i32>} : memref<2x128xi32, #tpu.memory_space<vmem>>, vector<1x16xi32>,
        %swap3A_609 = vector.shape_cast %swap3A_608 : vector<1x16xi32> to vector<16xi32>
        %swap3A_610 = vector.shape_cast %select_n3A_604 : vector<16xi32> to vector<1x16xi32>
        tpu.vector_store %arg13[%swap3A_606, %swap3A_607], %swap3A_610 {strides = array<i32>} : memref<2x128xi32, #tpu.memory_space<vmem>>, vector<1x16xi32>,
      }
      %scan3A_370 = arith.constant 8 : i32
      %convert_element_type3A_371 = arith.extui %lt3A_357 : i1 to i32
      %cond3A_372 = arith.constant 0 : i32
      %cond3A_373 = arith.cmpi ne, %convert_element_type3A_371, %cond3A_372 : i32
      scf.if %cond3A_373 {
        %add3A_566 = arith.constant 3 : i32
        %add3A_567 = arith.addi %add3A_351, %add3A_566 : i32
        %mul3A_568 = arith.constant 2 : i32
        %mul3A_569 = arith.muli %add3A_567, %mul3A_568 : i32
        %add3A_570 = arith.addi %mul3A_2, %mul3A_569 : i32
        %dma_start3A_571 = arith.constant 0 : i32
        %dma_start3A_572 = tpu.memref_slice %arg2[%add3A_570, %dma_start3A_571] : memref<1600x256xi32, #tpu.memory_space<hbm>> -> memref<2x256xi32, #tpu.memory_space<hbm>>
        %dma_start3A_573 = arith.constant 0 : i32
        %dma_start3A_574 = tpu.memref_slice %arg2[%add3A_570, %dma_start3A_573] : memref<1600x256xi32, #tpu.memory_space<hbm>> -> memref<2x256xi32, #tpu.memory_space<hbm>>
        tpu.enqueue_dma source(%dma_start3A_574 : memref<2x256xi32, #tpu.memory_space<hbm>>) target(%arg10 : memref<2x256xi32, #tpu.memory_space<vmem>>) target_semaphore(%arg19 : memref<!tpu.dma_semaphore, #tpu.memory_space<semaphore_mem>>)
      } else {
      }
      %dma_wait3A_374 = arith.constant 0 : i32
      %dma_wait3A_375 = arith.constant 0 : i32
      %dma_wait3A_376 = tpu.memref_slice %arg5[%dma_wait3A_374, %dma_wait3A_375] : memref<204800x128xf32, #tpu.memory_space<hbm>> -> memref<256x128xf32, #tpu.memory_space<hbm>>
      %dma_wait3A_377 = arith.constant 0 : i32
      %dma_wait3A_378 = arith.constant 0 : i32
      %dma_wait3A_379 = tpu.memref_slice %arg5[%dma_wait3A_377, %dma_wait3A_378] : memref<204800x128xf32, #tpu.memory_space<hbm>> -> memref<256x128xf32, #tpu.memory_space<hbm>>
      tpu.wait_dma2 semaphore(%arg22 : memref<!tpu.dma_semaphore, #tpu.memory_space<semaphore_mem>>) src(%arg16 : memref<256x128xf32, #tpu.memory_space<vmem>>) dst(%dma_wait3A_379 : memref<256x128xf32, #tpu.memory_space<hbm>>)
      %dma_start3A_380 = arith.constant 0 : i32
      %dma_start3A_381 = arith.constant 0 : i32
      %dma_start3A_382 = arith.constant 0 : i32
      %dma_start3A_383 = tpu.memref_slice %arg16[%dma_start3A_381, %dma_start3A_382] : memref<256x128xf32, #tpu.memory_space<vmem>> -> memref<128x128xf32, #tpu.memory_space<vmem>>
      %dma_start3A_384 = arith.constant 0 : i32
      %dma_start3A_385 = tpu.memref_slice %arg13[%dma_start3A_380, %dma_start3A_384] : memref<2x128xi32, #tpu.memory_space<vmem>> -> memref<1x128xi32, #tpu.memory_space<vmem>>
      %dma_start3A_386 = tpu.memref_squeeze %dma_start3A_385 : memref<1x128xi32, #tpu.memory_space<vmem>> -> memref<128xi32, #tpu.memory_space<vmem>>
      %dma_start3A_387 = arith.constant 0 : i32
      %dma_start3A_388 = arith.constant 0 : i32
      %dma_start3A_389 = tpu.memref_slice %arg6[%dma_start3A_387, %dma_start3A_388] : memref<48x128xf32, #tpu.memory_space<vmem_shared>> -> memref<48x128xf32, #tpu.memory_space<vmem_shared>>
      tpu.enqueue_indirect_dma source(%dma_start3A_389 : memref<48x128xf32, #tpu.memory_space<vmem_shared>>) target(%dma_start3A_383 : memref<128x128xf32, #tpu.memory_space<vmem>>) offsets(%dma_start3A_386 : memref<128xi32, #tpu.memory_space<vmem>>) semaphore(%arg25 : memref<!tpu.dma_semaphore, #tpu.memory_space<semaphore_mem>>)
      %dma_start3A_390 = arith.constant 1 : i32
      %dma_start3A_391 = arith.constant 128 : i32
      %dma_start3A_392 = arith.constant 0 : i32
      %dma_start3A_393 = tpu.memref_slice %arg16[%dma_start3A_391, %dma_start3A_392] : memref<256x128xf32, #tpu.memory_space<vmem>> -> memref<128x128xf32, #tpu.memory_space<vmem>>
      %dma_start3A_394 = arith.constant 0 : i32
      %dma_start3A_395 = tpu.memref_slice %arg13[%dma_start3A_390, %dma_start3A_394] : memref<2x128xi32, #tpu.memory_space<vmem>> -> memref<1x128xi32, #tpu.memory_space<vmem>>
      %dma_start3A_396 = tpu.memref_squeeze %dma_start3A_395 : memref<1x128xi32, #tpu.memory_space<vmem>> -> memref<128xi32, #tpu.memory_space<vmem>>
      %dma_start3A_397 = arith.constant 0 : i32
      %dma_start3A_398 = arith.constant 0 : i32
      %dma_start3A_399 = tpu.memref_slice %arg6[%dma_start3A_397, %dma_start3A_398] : memref<48x128xf32, #tpu.memory_space<vmem_shared>> -> memref<48x128xf32, #tpu.memory_space<vmem_shared>>
      tpu.enqueue_indirect_dma source(%dma_start3A_399 : memref<48x128xf32, #tpu.memory_space<vmem_shared>>) target(%dma_start3A_393 : memref<128x128xf32, #tpu.memory_space<vmem>>) offsets(%dma_start3A_396 : memref<128xi32, #tpu.memory_space<vmem>>) semaphore(%arg25 : memref<!tpu.dma_semaphore, #tpu.memory_space<semaphore_mem>>)
      %mul3A_400 = arith.constant 3 : i32
      %mul3A_401 = arith.muli %scan3A_316, %mul3A_400 : i32
      %add3A_402 = arith.constant 1 : i32
      %add3A_403 = arith.addi %mul3A_401, %add3A_402 : i32
      %dma_wait3A_404 = arith.constant 0 : i32
      %dma_wait3A_405 = arith.constant 0 : i32
      %dma_wait3A_406 = arith.constant 0 : i32
      %dma_wait3A_407 = tpu.memref_slice %arg16[%dma_wait3A_405, %dma_wait3A_406] : memref<256x128xf32, #tpu.memory_space<vmem>> -> memref<128x128xf32, #tpu.memory_space<vmem>>
      %dma_wait3A_408 = arith.constant 0 : i32
      %dma_wait3A_409 = tpu.memref_slice %arg13[%dma_wait3A_404, %dma_wait3A_408] : memref<2x128xi32, #tpu.memory_space<vmem>> -> memref<1x128xi32, #tpu.memory_space<vmem>>
      %dma_wait3A_410 = tpu.memref_squeeze %dma_wait3A_409 : memref<1x128xi32, #tpu.memory_space<vmem>> -> memref<128xi32, #tpu.memory_space<vmem>>
      %dma_wait3A_411 = arith.constant 0 : i32
      %dma_wait3A_412 = arith.constant 0 : i32
      %dma_wait3A_413 = tpu.memref_slice %arg6[%dma_wait3A_411, %dma_wait3A_412] : memref<48x128xf32, #tpu.memory_space<vmem_shared>> -> memref<48x128xf32, #tpu.memory_space<vmem_shared>>
      tpu.wait_indirect_dma semaphore(%arg25 : memref<!tpu.dma_semaphore, #tpu.memory_space<semaphore_mem>>) src(%dma_wait3A_413 : memref<48x128xf32, #tpu.memory_space<vmem_shared>>) dst(%dma_wait3A_407 : memref<128x128xf32, #tpu.memory_space<vmem>>)
      %dma_wait3A_414 = arith.constant 1 : i32
      %dma_wait3A_415 = arith.constant 128 : i32
      %dma_wait3A_416 = arith.constant 0 : i32
      %dma_wait3A_417 = tpu.memref_slice %arg16[%dma_wait3A_415, %dma_wait3A_416] : memref<256x128xf32, #tpu.memory_space<vmem>> -> memref<128x128xf32, #tpu.memory_space<vmem>>
      %dma_wait3A_418 = arith.constant 0 : i32
      %dma_wait3A_419 = tpu.memref_slice %arg13[%dma_wait3A_414, %dma_wait3A_418] : memref<2x128xi32, #tpu.memory_space<vmem>> -> memref<1x128xi32, #tpu.memory_space<vmem>>
      %dma_wait3A_420 = tpu.memref_squeeze %dma_wait3A_419 : memref<1x128xi32, #tpu.memory_space<vmem>> -> memref<128xi32, #tpu.memory_space<vmem>>
      %dma_wait3A_421 = arith.constant 0 : i32
      %dma_wait3A_422 = arith.constant 0 : i32
      %dma_wait3A_423 = tpu.memref_slice %arg6[%dma_wait3A_421, %dma_wait3A_422] : memref<48x128xf32, #tpu.memory_space<vmem_shared>> -> memref<48x128xf32, #tpu.memory_space<vmem_shared>>
      tpu.wait_indirect_dma semaphore(%arg25 : memref<!tpu.dma_semaphore, #tpu.memory_space<semaphore_mem>>) src(%dma_wait3A_423 : memref<48x128xf32, #tpu.memory_space<vmem_shared>>) dst(%dma_wait3A_417 : memref<128x128xf32, #tpu.memory_space<vmem>>)
      %mul3A_424 = arith.constant 2 : i32
      %mul3A_425 = arith.muli %add3A_403, %mul3A_424 : i32
      %add3A_426 = arith.addi %mul3A_2, %mul3A_425 : i32
      %mul3A_427 = arith.constant 128 : i32
      %mul3A_428 = arith.muli %add3A_426, %mul3A_427 : i32
      %dma_start3A_429 = arith.constant 0 : i32
      %dma_start3A_430 = tpu.memref_slice %arg5[%mul3A_428, %dma_start3A_429] : memref<204800x128xf32, #tpu.memory_space<hbm>> -> memref<256x128xf32, #tpu.memory_space<hbm>>
      %dma_start3A_431 = arith.constant 0 : i32
      %dma_start3A_432 = tpu.memref_slice %arg5[%mul3A_428, %dma_start3A_431] : memref<204800x128xf32, #tpu.memory_space<hbm>> -> memref<256x128xf32, #tpu.memory_space<hbm>>
      tpu.enqueue_dma source(%arg16 : memref<256x128xf32, #tpu.memory_space<vmem>>) target(%dma_start3A_432 : memref<256x128xf32, #tpu.memory_space<hbm>>) target_semaphore(%arg22 : memref<!tpu.dma_semaphore, #tpu.memory_space<semaphore_mem>>)
      %add3A_433 = arith.constant 1 : i32
      %add3A_434 = arith.addi %add3A_403, %add3A_433 : i32
      %add3A_435 = arith.constant 1 : i32
      %add3A_436 = arith.addi %add3A_403, %add3A_435 : i32
      %add3A_437 = arith.constant 3 : i32
      %add3A_438 = arith.addi %add3A_436, %add3A_437 : i32
      %lt3A_439 = arith.constant 25 : i32
      %lt3A_440 = arith.cmpi slt, %add3A_438, %lt3A_439 : i32
      %mul3A_441 = arith.constant 2 : i32
      %mul3A_442 = arith.muli %add3A_434, %mul3A_441 : i32
      %add3A_443 = arith.addi %mul3A_2, %mul3A_442 : i32
      %dma_wait3A_444 = arith.constant 0 : i32
      %dma_wait3A_445 = tpu.memref_slice %arg2[%add3A_443, %dma_wait3A_444] : memref<1600x256xi32, #tpu.memory_space<hbm>> -> memref<2x256xi32, #tpu.memory_space<hbm>>
      %dma_wait3A_446 = arith.constant 0 : i32
      %dma_wait3A_447 = tpu.memref_slice %arg2[%add3A_443, %dma_wait3A_446] : memref<1600x256xi32, #tpu.memory_space<hbm>> -> memref<2x256xi32, #tpu.memory_space<hbm>>
      tpu.wait_dma2 semaphore(%arg20 : memref<!tpu.dma_semaphore, #tpu.memory_space<semaphore_mem>>) src(%dma_wait3A_447 : memref<2x256xi32, #tpu.memory_space<hbm>>) dst(%arg11 : memref<2x256xi32, #tpu.memory_space<vmem>>)
      %scan3A_448 = arith.constant 0 : i32
      %scan3A_449 = arith.constant 0 : i32
      %scan3A_450 = arith.constant 8 : i32
      %scan3A_451 = arith.addi %scan3A_449, %scan3A_450 : i32
      %scan3A_452 = arith.constant 1 : i32
      scf.for %scan3A_566 = %scan3A_449 to %scan3A_451 step %scan3A_452  : i32 {
        %mul3A_567 = arith.constant 16 : i32
        %mul3A_568 = arith.muli %scan3A_566, %mul3A_567 : i32
        %mul3A_569 = arith.constant 16 : i32
        %mul3A_570 = arith.muli %scan3A_566, %mul3A_569 : i32
        %add3A_571 = arith.constant 128 : i32
        %add3A_572 = arith.addi %mul3A_570, %add3A_571 : i32
        %get3A = arith.constant 0 : i32
        %get3A_573 = arith.index_cast %get3A : i32 to index
        %get3A_574 = arith.index_cast %mul3A_568 : i32 to index
        %get3A_575 = tpu.vector_load %arg11[%get3A_573, %get3A_574] {strides = array<i32>} : memref<2x256xi32, #tpu.memory_space<vmem>>, vector<1x16xi32>,
        %get3A_576 = vector.shape_cast %get3A_575 : vector<1x16xi32> to vector<16xi32>
        %get3A_577 = arith.constant 0 : i32
        %get3A_578 = arith.index_cast %get3A_577 : i32 to index
        %get3A_579 = arith.index_cast %add3A_572 : i32 to index
        %get3A_580 = tpu.vector_load %arg11[%get3A_578, %get3A_579] {strides = array<i32>} : memref<2x256xi32, #tpu.memory_space<vmem>>, vector<1x16xi32>,
        %get3A_581 = vector.shape_cast %get3A_580 : vector<1x16xi32> to vector<16xi32>
        %ne3A = arith.constant 0 : i32
        %ne3A_582 = vector.broadcast %ne3A : i32 to vector<16xi32>
        %ne3A_583 = arith.cmpi ne, %get3A_581, %ne3A_582 : vector<16xi32>
        %jit3A = arith.constant 41 : i32
        %broadcast_in_dim3A = vector.broadcast %jit3A : i32 to vector<16xi32>
        %select_n3A = arith.select %ne3A_583, %broadcast_in_dim3A, %get3A_576 : vector<16xi1>, vector<16xi32>
        %swap3A = arith.constant 0 : i32
        %swap3A_584 = arith.index_cast %swap3A : i32 to index
        %swap3A_585 = arith.index_cast %mul3A_568 : i32 to index
        %swap3A_586 = tpu.vector_load %arg14[%swap3A_584, %swap3A_585] {strides = array<i32>} : memref<2x128xi32, #tpu.memory_space<vmem>>, vector<1x16xi32>,
        %swap3A_587 = vector.shape_cast %swap3A_586 : vector<1x16xi32> to vector<16xi32>
        %swap3A_588 = vector.shape_cast %select_n3A : vector<16xi32> to vector<1x16xi32>
        tpu.vector_store %arg14[%swap3A_584, %swap3A_585], %swap3A_588 {strides = array<i32>} : memref<2x128xi32, #tpu.memory_space<vmem>>, vector<1x16xi32>,
        %get3A_589 = arith.constant 1 : i32
        %get3A_590 = arith.index_cast %get3A_589 : i32 to index
        %get3A_591 = arith.index_cast %mul3A_568 : i32 to index
        %get3A_592 = tpu.vector_load %arg11[%get3A_590, %get3A_591] {strides = array<i32>} : memref<2x256xi32, #tpu.memory_space<vmem>>, vector<1x16xi32>,
        %get3A_593 = vector.shape_cast %get3A_592 : vector<1x16xi32> to vector<16xi32>
        %get3A_594 = arith.constant 1 : i32
        %get3A_595 = arith.index_cast %get3A_594 : i32 to index
        %get3A_596 = arith.index_cast %add3A_572 : i32 to index
        %get3A_597 = tpu.vector_load %arg11[%get3A_595, %get3A_596] {strides = array<i32>} : memref<2x256xi32, #tpu.memory_space<vmem>>, vector<1x16xi32>,
        %get3A_598 = vector.shape_cast %get3A_597 : vector<1x16xi32> to vector<16xi32>
        %ne3A_599 = arith.constant 0 : i32
        %ne3A_600 = vector.broadcast %ne3A_599 : i32 to vector<16xi32>
        %ne3A_601 = arith.cmpi ne, %get3A_598, %ne3A_600 : vector<16xi32>
        %jit3A_602 = arith.constant 41 : i32
        %broadcast_in_dim3A_603 = vector.broadcast %jit3A_602 : i32 to vector<16xi32>
        %select_n3A_604 = arith.select %ne3A_601, %broadcast_in_dim3A_603, %get3A_593 : vector<16xi1>, vector<16xi32>
        %swap3A_605 = arith.constant 1 : i32
        %swap3A_606 = arith.index_cast %swap3A_605 : i32 to index
        %swap3A_607 = arith.index_cast %mul3A_568 : i32 to index
        %swap3A_608 = tpu.vector_load %arg14[%swap3A_606, %swap3A_607] {strides = array<i32>} : memref<2x128xi32, #tpu.memory_space<vmem>>, vector<1x16xi32>,
        %swap3A_609 = vector.shape_cast %swap3A_608 : vector<1x16xi32> to vector<16xi32>
        %swap3A_610 = vector.shape_cast %select_n3A_604 : vector<16xi32> to vector<1x16xi32>
        tpu.vector_store %arg14[%swap3A_606, %swap3A_607], %swap3A_610 {strides = array<i32>} : memref<2x128xi32, #tpu.memory_space<vmem>>, vector<1x16xi32>,
      }
      %scan3A_453 = arith.constant 8 : i32
      %convert_element_type3A_454 = arith.extui %lt3A_440 : i1 to i32
      %cond3A_455 = arith.constant 0 : i32
      %cond3A_456 = arith.cmpi ne, %convert_element_type3A_454, %cond3A_455 : i32
      scf.if %cond3A_456 {
        %add3A_566 = arith.constant 3 : i32
        %add3A_567 = arith.addi %add3A_434, %add3A_566 : i32
        %mul3A_568 = arith.constant 2 : i32
        %mul3A_569 = arith.muli %add3A_567, %mul3A_568 : i32
        %add3A_570 = arith.addi %mul3A_2, %mul3A_569 : i32
        %dma_start3A_571 = arith.constant 0 : i32
        %dma_start3A_572 = tpu.memref_slice %arg2[%add3A_570, %dma_start3A_571] : memref<1600x256xi32, #tpu.memory_space<hbm>> -> memref<2x256xi32, #tpu.memory_space<hbm>>
        %dma_start3A_573 = arith.constant 0 : i32
        %dma_start3A_574 = tpu.memref_slice %arg2[%add3A_570, %dma_start3A_573] : memref<1600x256xi32, #tpu.memory_space<hbm>> -> memref<2x256xi32, #tpu.memory_space<hbm>>
        tpu.enqueue_dma source(%dma_start3A_574 : memref<2x256xi32, #tpu.memory_space<hbm>>) target(%arg11 : memref<2x256xi32, #tpu.memory_space<vmem>>) target_semaphore(%arg20 : memref<!tpu.dma_semaphore, #tpu.memory_space<semaphore_mem>>)
      } else {
      }
      %dma_wait3A_457 = arith.constant 0 : i32
      %dma_wait3A_458 = arith.constant 0 : i32
      %dma_wait3A_459 = tpu.memref_slice %arg5[%dma_wait3A_457, %dma_wait3A_458] : memref<204800x128xf32, #tpu.memory_space<hbm>> -> memref<256x128xf32, #tpu.memory_space<hbm>>
      %dma_wait3A_460 = arith.constant 0 : i32
      %dma_wait3A_461 = arith.constant 0 : i32
      %dma_wait3A_462 = tpu.memref_slice %arg5[%dma_wait3A_460, %dma_wait3A_461] : memref<204800x128xf32, #tpu.memory_space<hbm>> -> memref<256x128xf32, #tpu.memory_space<hbm>>
      tpu.wait_dma2 semaphore(%arg23 : memref<!tpu.dma_semaphore, #tpu.memory_space<semaphore_mem>>) src(%arg17 : memref<256x128xf32, #tpu.memory_space<vmem>>) dst(%dma_wait3A_462 : memref<256x128xf32, #tpu.memory_space<hbm>>)
      %dma_start3A_463 = arith.constant 0 : i32
      %dma_start3A_464 = arith.constant 0 : i32
      %dma_start3A_465 = arith.constant 0 : i32
      %dma_start3A_466 = tpu.memref_slice %arg17[%dma_start3A_464, %dma_start3A_465] : memref<256x128xf32, #tpu.memory_space<vmem>> -> memref<128x128xf32, #tpu.memory_space<vmem>>
      %dma_start3A_467 = arith.constant 0 : i32
      %dma_start3A_468 = tpu.memref_slice %arg14[%dma_start3A_463, %dma_start3A_467] : memref<2x128xi32, #tpu.memory_space<vmem>> -> memref<1x128xi32, #tpu.memory_space<vmem>>
      %dma_start3A_469 = tpu.memref_squeeze %dma_start3A_468 : memref<1x128xi32, #tpu.memory_space<vmem>> -> memref<128xi32, #tpu.memory_space<vmem>>
      %dma_start3A_470 = arith.constant 0 : i32
      %dma_start3A_471 = arith.constant 0 : i32
      %dma_start3A_472 = tpu.memref_slice %arg6[%dma_start3A_470, %dma_start3A_471] : memref<48x128xf32, #tpu.memory_space<vmem_shared>> -> memref<48x128xf32, #tpu.memory_space<vmem_shared>>
      tpu.enqueue_indirect_dma source(%dma_start3A_472 : memref<48x128xf32, #tpu.memory_space<vmem_shared>>) target(%dma_start3A_466 : memref<128x128xf32, #tpu.memory_space<vmem>>) offsets(%dma_start3A_469 : memref<128xi32, #tpu.memory_space<vmem>>) semaphore(%arg26 : memref<!tpu.dma_semaphore, #tpu.memory_space<semaphore_mem>>)
      %dma_start3A_473 = arith.constant 1 : i32
      %dma_start3A_474 = arith.constant 128 : i32
      %dma_start3A_475 = arith.constant 0 : i32
      %dma_start3A_476 = tpu.memref_slice %arg17[%dma_start3A_474, %dma_start3A_475] : memref<256x128xf32, #tpu.memory_space<vmem>> -> memref<128x128xf32, #tpu.memory_space<vmem>>
      %dma_start3A_477 = arith.constant 0 : i32
      %dma_start3A_478 = tpu.memref_slice %arg14[%dma_start3A_473, %dma_start3A_477] : memref<2x128xi32, #tpu.memory_space<vmem>> -> memref<1x128xi32, #tpu.memory_space<vmem>>
      %dma_start3A_479 = tpu.memref_squeeze %dma_start3A_478 : memref<1x128xi32, #tpu.memory_space<vmem>> -> memref<128xi32, #tpu.memory_space<vmem>>
      %dma_start3A_480 = arith.constant 0 : i32
      %dma_start3A_481 = arith.constant 0 : i32
      %dma_start3A_482 = tpu.memref_slice %arg6[%dma_start3A_480, %dma_start3A_481] : memref<48x128xf32, #tpu.memory_space<vmem_shared>> -> memref<48x128xf32, #tpu.memory_space<vmem_shared>>
      tpu.enqueue_indirect_dma source(%dma_start3A_482 : memref<48x128xf32, #tpu.memory_space<vmem_shared>>) target(%dma_start3A_476 : memref<128x128xf32, #tpu.memory_space<vmem>>) offsets(%dma_start3A_479 : memref<128xi32, #tpu.memory_space<vmem>>) semaphore(%arg26 : memref<!tpu.dma_semaphore, #tpu.memory_space<semaphore_mem>>)
      %mul3A_483 = arith.constant 3 : i32
      %mul3A_484 = arith.muli %scan3A_316, %mul3A_483 : i32
      %add3A_485 = arith.constant 2 : i32
      %add3A_486 = arith.addi %mul3A_484, %add3A_485 : i32
      %dma_wait3A_487 = arith.constant 0 : i32
      %dma_wait3A_488 = arith.constant 0 : i32
      %dma_wait3A_489 = arith.constant 0 : i32
      %dma_wait3A_490 = tpu.memref_slice %arg17[%dma_wait3A_488, %dma_wait3A_489] : memref<256x128xf32, #tpu.memory_space<vmem>> -> memref<128x128xf32, #tpu.memory_space<vmem>>
      %dma_wait3A_491 = arith.constant 0 : i32
      %dma_wait3A_492 = tpu.memref_slice %arg14[%dma_wait3A_487, %dma_wait3A_491] : memref<2x128xi32, #tpu.memory_space<vmem>> -> memref<1x128xi32, #tpu.memory_space<vmem>>
      %dma_wait3A_493 = tpu.memref_squeeze %dma_wait3A_492 : memref<1x128xi32, #tpu.memory_space<vmem>> -> memref<128xi32, #tpu.memory_space<vmem>>
      %dma_wait3A_494 = arith.constant 0 : i32
      %dma_wait3A_495 = arith.constant 0 : i32
      %dma_wait3A_496 = tpu.memref_slice %arg6[%dma_wait3A_494, %dma_wait3A_495] : memref<48x128xf32, #tpu.memory_space<vmem_shared>> -> memref<48x128xf32, #tpu.memory_space<vmem_shared>>
      tpu.wait_indirect_dma semaphore(%arg26 : memref<!tpu.dma_semaphore, #tpu.memory_space<semaphore_mem>>) src(%dma_wait3A_496 : memref<48x128xf32, #tpu.memory_space<vmem_shared>>) dst(%dma_wait3A_490 : memref<128x128xf32, #tpu.memory_space<vmem>>)
      %dma_wait3A_497 = arith.constant 1 : i32
      %dma_wait3A_498 = arith.constant 128 : i32
      %dma_wait3A_499 = arith.constant 0 : i32
      %dma_wait3A_500 = tpu.memref_slice %arg17[%dma_wait3A_498, %dma_wait3A_499] : memref<256x128xf32, #tpu.memory_space<vmem>> -> memref<128x128xf32, #tpu.memory_space<vmem>>
      %dma_wait3A_501 = arith.constant 0 : i32
      %dma_wait3A_502 = tpu.memref_slice %arg14[%dma_wait3A_497, %dma_wait3A_501] : memref<2x128xi32, #tpu.memory_space<vmem>> -> memref<1x128xi32, #tpu.memory_space<vmem>>
      %dma_wait3A_503 = tpu.memref_squeeze %dma_wait3A_502 : memref<1x128xi32, #tpu.memory_space<vmem>> -> memref<128xi32, #tpu.memory_space<vmem>>
      %dma_wait3A_504 = arith.constant 0 : i32
      %dma_wait3A_505 = arith.constant 0 : i32
      %dma_wait3A_506 = tpu.memref_slice %arg6[%dma_wait3A_504, %dma_wait3A_505] : memref<48x128xf32, #tpu.memory_space<vmem_shared>> -> memref<48x128xf32, #tpu.memory_space<vmem_shared>>
      tpu.wait_indirect_dma semaphore(%arg26 : memref<!tpu.dma_semaphore, #tpu.memory_space<semaphore_mem>>) src(%dma_wait3A_506 : memref<48x128xf32, #tpu.memory_space<vmem_shared>>) dst(%dma_wait3A_500 : memref<128x128xf32, #tpu.memory_space<vmem>>)
      %mul3A_507 = arith.constant 2 : i32
      %mul3A_508 = arith.muli %add3A_486, %mul3A_507 : i32
      %add3A_509 = arith.addi %mul3A_2, %mul3A_508 : i32
      %mul3A_510 = arith.constant 128 : i32
      %mul3A_511 = arith.muli %add3A_509, %mul3A_510 : i32
      %dma_start3A_512 = arith.constant 0 : i32
      %dma_start3A_513 = tpu.memref_slice %arg5[%mul3A_511, %dma_start3A_512] : memref<204800x128xf32, #tpu.memory_space<hbm>> -> memref<256x128xf32, #tpu.memory_space<hbm>>
      %dma_start3A_514 = arith.constant 0 : i32
      %dma_start3A_515 = tpu.memref_slice %arg5[%mul3A_511, %dma_start3A_514] : memref<204800x128xf32, #tpu.memory_space<hbm>> -> memref<256x128xf32, #tpu.memory_space<hbm>>
      tpu.enqueue_dma source(%arg17 : memref<256x128xf32, #tpu.memory_space<vmem>>) target(%dma_start3A_515 : memref<256x128xf32, #tpu.memory_space<hbm>>) target_semaphore(%arg23 : memref<!tpu.dma_semaphore, #tpu.memory_space<semaphore_mem>>)
      %add3A_516 = arith.constant 1 : i32
      %add3A_517 = arith.addi %add3A_486, %add3A_516 : i32
      %add3A_518 = arith.constant 1 : i32
      %add3A_519 = arith.addi %add3A_486, %add3A_518 : i32
      %add3A_520 = arith.constant 3 : i32
      %add3A_521 = arith.addi %add3A_519, %add3A_520 : i32
      %lt3A_522 = arith.constant 25 : i32
      %lt3A_523 = arith.cmpi slt, %add3A_521, %lt3A_522 : i32
      %mul3A_524 = arith.constant 2 : i32
      %mul3A_525 = arith.muli %add3A_517, %mul3A_524 : i32
      %add3A_526 = arith.addi %mul3A_2, %mul3A_525 : i32
      %dma_wait3A_527 = arith.constant 0 : i32
      %dma_wait3A_528 = tpu.memref_slice %arg2[%add3A_526, %dma_wait3A_527] : memref<1600x256xi32, #tpu.memory_space<hbm>> -> memref<2x256xi32, #tpu.memory_space<hbm>>
      %dma_wait3A_529 = arith.constant 0 : i32
      %dma_wait3A_530 = tpu.memref_slice %arg2[%add3A_526, %dma_wait3A_529] : memref<1600x256xi32, #tpu.memory_space<hbm>> -> memref<2x256xi32, #tpu.memory_space<hbm>>
      tpu.wait_dma2 semaphore(%arg18 : memref<!tpu.dma_semaphore, #tpu.memory_space<semaphore_mem>>) src(%dma_wait3A_530 : memref<2x256xi32, #tpu.memory_space<hbm>>) dst(%arg9 : memref<2x256xi32, #tpu.memory_space<vmem>>)
      %scan3A_531 = arith.constant 0 : i32
      %scan3A_532 = arith.constant 0 : i32
      %scan3A_533 = arith.constant 8 : i32
      %scan3A_534 = arith.addi %scan3A_532, %scan3A_533 : i32
      %scan3A_535 = arith.constant 1 : i32
      scf.for %scan3A_566 = %scan3A_532 to %scan3A_534 step %scan3A_535  : i32 {
        %mul3A_567 = arith.constant 16 : i32
        %mul3A_568 = arith.muli %scan3A_566, %mul3A_567 : i32
        %mul3A_569 = arith.constant 16 : i32
        %mul3A_570 = arith.muli %scan3A_566, %mul3A_569 : i32
        %add3A_571 = arith.constant 128 : i32
        %add3A_572 = arith.addi %mul3A_570, %add3A_571 : i32
        %get3A = arith.constant 0 : i32
        %get3A_573 = arith.index_cast %get3A : i32 to index
        %get3A_574 = arith.index_cast %mul3A_568 : i32 to index
        %get3A_575 = tpu.vector_load %arg9[%get3A_573, %get3A_574] {strides = array<i32>} : memref<2x256xi32, #tpu.memory_space<vmem>>, vector<1x16xi32>,
        %get3A_576 = vector.shape_cast %get3A_575 : vector<1x16xi32> to vector<16xi32>
        %get3A_577 = arith.constant 0 : i32
        %get3A_578 = arith.index_cast %get3A_577 : i32 to index
        %get3A_579 = arith.index_cast %add3A_572 : i32 to index
        %get3A_580 = tpu.vector_load %arg9[%get3A_578, %get3A_579] {strides = array<i32>} : memref<2x256xi32, #tpu.memory_space<vmem>>, vector<1x16xi32>,
        %get3A_581 = vector.shape_cast %get3A_580 : vector<1x16xi32> to vector<16xi32>
        %ne3A = arith.constant 0 : i32
        %ne3A_582 = vector.broadcast %ne3A : i32 to vector<16xi32>
        %ne3A_583 = arith.cmpi ne, %get3A_581, %ne3A_582 : vector<16xi32>
        %jit3A = arith.constant 41 : i32
        %broadcast_in_dim3A = vector.broadcast %jit3A : i32 to vector<16xi32>
        %select_n3A = arith.select %ne3A_583, %broadcast_in_dim3A, %get3A_576 : vector<16xi1>, vector<16xi32>
        %swap3A = arith.constant 0 : i32
        %swap3A_584 = arith.index_cast %swap3A : i32 to index
        %swap3A_585 = arith.index_cast %mul3A_568 : i32 to index
        %swap3A_586 = tpu.vector_load %arg12[%swap3A_584, %swap3A_585] {strides = array<i32>} : memref<2x128xi32, #tpu.memory_space<vmem>>, vector<1x16xi32>,
        %swap3A_587 = vector.shape_cast %swap3A_586 : vector<1x16xi32> to vector<16xi32>
        %swap3A_588 = vector.shape_cast %select_n3A : vector<16xi32> to vector<1x16xi32>
        tpu.vector_store %arg12[%swap3A_584, %swap3A_585], %swap3A_588 {strides = array<i32>} : memref<2x128xi32, #tpu.memory_space<vmem>>, vector<1x16xi32>,
        %get3A_589 = arith.constant 1 : i32
        %get3A_590 = arith.index_cast %get3A_589 : i32 to index
        %get3A_591 = arith.index_cast %mul3A_568 : i32 to index
        %get3A_592 = tpu.vector_load %arg9[%get3A_590, %get3A_591] {strides = array<i32>} : memref<2x256xi32, #tpu.memory_space<vmem>>, vector<1x16xi32>,
        %get3A_593 = vector.shape_cast %get3A_592 : vector<1x16xi32> to vector<16xi32>
        %get3A_594 = arith.constant 1 : i32
        %get3A_595 = arith.index_cast %get3A_594 : i32 to index
        %get3A_596 = arith.index_cast %add3A_572 : i32 to index
        %get3A_597 = tpu.vector_load %arg9[%get3A_595, %get3A_596] {strides = array<i32>} : memref<2x256xi32, #tpu.memory_space<vmem>>, vector<1x16xi32>,
        %get3A_598 = vector.shape_cast %get3A_597 : vector<1x16xi32> to vector<16xi32>
        %ne3A_599 = arith.constant 0 : i32
        %ne3A_600 = vector.broadcast %ne3A_599 : i32 to vector<16xi32>
        %ne3A_601 = arith.cmpi ne, %get3A_598, %ne3A_600 : vector<16xi32>
        %jit3A_602 = arith.constant 41 : i32
        %broadcast_in_dim3A_603 = vector.broadcast %jit3A_602 : i32 to vector<16xi32>
        %select_n3A_604 = arith.select %ne3A_601, %broadcast_in_dim3A_603, %get3A_593 : vector<16xi1>, vector<16xi32>
        %swap3A_605 = arith.constant 1 : i32
        %swap3A_606 = arith.index_cast %swap3A_605 : i32 to index
        %swap3A_607 = arith.index_cast %mul3A_568 : i32 to index
        %swap3A_608 = tpu.vector_load %arg12[%swap3A_606, %swap3A_607] {strides = array<i32>} : memref<2x128xi32, #tpu.memory_space<vmem>>, vector<1x16xi32>,
        %swap3A_609 = vector.shape_cast %swap3A_608 : vector<1x16xi32> to vector<16xi32>
        %swap3A_610 = vector.shape_cast %select_n3A_604 : vector<16xi32> to vector<1x16xi32>
        tpu.vector_store %arg12[%swap3A_606, %swap3A_607], %swap3A_610 {strides = array<i32>} : memref<2x128xi32, #tpu.memory_space<vmem>>, vector<1x16xi32>,
      }
      %scan3A_536 = arith.constant 8 : i32
      %convert_element_type3A_537 = arith.extui %lt3A_523 : i1 to i32
      %cond3A_538 = arith.constant 0 : i32
      %cond3A_539 = arith.cmpi ne, %convert_element_type3A_537, %cond3A_538 : i32
      scf.if %cond3A_539 {
        %add3A_566 = arith.constant 3 : i32
        %add3A_567 = arith.addi %add3A_517, %add3A_566 : i32
        %mul3A_568 = arith.constant 2 : i32
        %mul3A_569 = arith.muli %add3A_567, %mul3A_568 : i32
        %add3A_570 = arith.addi %mul3A_2, %mul3A_569 : i32
        %dma_start3A_571 = arith.constant 0 : i32
        %dma_start3A_572 = tpu.memref_slice %arg2[%add3A_570, %dma_start3A_571] : memref<1600x256xi32, #tpu.memory_space<hbm>> -> memref<2x256xi32, #tpu.memory_space<hbm>>
        %dma_start3A_573 = arith.constant 0 : i32
        %dma_start3A_574 = tpu.memref_slice %arg2[%add3A_570, %dma_start3A_573] : memref<1600x256xi32, #tpu.memory_space<hbm>> -> memref<2x256xi32, #tpu.memory_space<hbm>>
        tpu.enqueue_dma source(%dma_start3A_574 : memref<2x256xi32, #tpu.memory_space<hbm>>) target(%arg9 : memref<2x256xi32, #tpu.memory_space<vmem>>) target_semaphore(%arg18 : memref<!tpu.dma_semaphore, #tpu.memory_space<semaphore_mem>>)
      } else {
      }
      %dma_wait3A_540 = arith.constant 0 : i32
      %dma_wait3A_541 = arith.constant 0 : i32
      %dma_wait3A_542 = tpu.memref_slice %arg5[%dma_wait3A_540, %dma_wait3A_541] : memref<204800x128xf32, #tpu.memory_space<hbm>> -> memref<256x128xf32, #tpu.memory_space<hbm>>
      %dma_wait3A_543 = arith.constant 0 : i32
      %dma_wait3A_544 = arith.constant 0 : i32
      %dma_wait3A_545 = tpu.memref_slice %arg5[%dma_wait3A_543, %dma_wait3A_544] : memref<204800x128xf32, #tpu.memory_space<hbm>> -> memref<256x128xf32, #tpu.memory_space<hbm>>
      tpu.wait_dma2 semaphore(%arg21 : memref<!tpu.dma_semaphore, #tpu.memory_space<semaphore_mem>>) src(%arg15 : memref<256x128xf32, #tpu.memory_space<vmem>>) dst(%dma_wait3A_545 : memref<256x128xf32, #tpu.memory_space<hbm>>)
      %dma_start3A_546 = arith.constant 0 : i32
      %dma_start3A_547 = arith.constant 0 : i32
      %dma_start3A_548 = arith.constant 0 : i32
      %dma_start3A_549 = tpu.memref_slice %arg15[%dma_start3A_547, %dma_start3A_548] : memref<256x128xf32, #tpu.memory_space<vmem>> -> memref<128x128xf32, #tpu.memory_space<vmem>>
      %dma_start3A_550 = arith.constant 0 : i32
      %dma_start3A_551 = tpu.memref_slice %arg12[%dma_start3A_546, %dma_start3A_550] : memref<2x128xi32, #tpu.memory_space<vmem>> -> memref<1x128xi32, #tpu.memory_space<vmem>>
      %dma_start3A_552 = tpu.memref_squeeze %dma_start3A_551 : memref<1x128xi32, #tpu.memory_space<vmem>> -> memref<128xi32, #tpu.memory_space<vmem>>
      %dma_start3A_553 = arith.constant 0 : i32
      %dma_start3A_554 = arith.constant 0 : i32
      %dma_start3A_555 = tpu.memref_slice %arg6[%dma_start3A_553, %dma_start3A_554] : memref<48x128xf32, #tpu.memory_space<vmem_shared>> -> memref<48x128xf32, #tpu.memory_space<vmem_shared>>
      tpu.enqueue_indirect_dma source(%dma_start3A_555 : memref<48x128xf32, #tpu.memory_space<vmem_shared>>) target(%dma_start3A_549 : memref<128x128xf32, #tpu.memory_space<vmem>>) offsets(%dma_start3A_552 : memref<128xi32, #tpu.memory_space<vmem>>) semaphore(%arg24 : memref<!tpu.dma_semaphore, #tpu.memory_space<semaphore_mem>>)
      %dma_start3A_556 = arith.constant 1 : i32
      %dma_start3A_557 = arith.constant 128 : i32
      %dma_start3A_558 = arith.constant 0 : i32
      %dma_start3A_559 = tpu.memref_slice %arg15[%dma_start3A_557, %dma_start3A_558] : memref<256x128xf32, #tpu.memory_space<vmem>> -> memref<128x128xf32, #tpu.memory_space<vmem>>
      %dma_start3A_560 = arith.constant 0 : i32
      %dma_start3A_561 = tpu.memref_slice %arg12[%dma_start3A_556, %dma_start3A_560] : memref<2x128xi32, #tpu.memory_space<vmem>> -> memref<1x128xi32, #tpu.memory_space<vmem>>
      %dma_start3A_562 = tpu.memref_squeeze %dma_start3A_561 : memref<1x128xi32, #tpu.memory_space<vmem>> -> memref<128xi32, #tpu.memory_space<vmem>>
      %dma_start3A_563 = arith.constant 0 : i32
      %dma_start3A_564 = arith.constant 0 : i32
      %dma_start3A_565 = tpu.memref_slice %arg6[%dma_start3A_563, %dma_start3A_564] : memref<48x128xf32, #tpu.memory_space<vmem_shared>> -> memref<48x128xf32, #tpu.memory_space<vmem_shared>>
      tpu.enqueue_indirect_dma source(%dma_start3A_565 : memref<48x128xf32, #tpu.memory_space<vmem_shared>>) target(%dma_start3A_559 : memref<128x128xf32, #tpu.memory_space<vmem>>) offsets(%dma_start3A_562 : memref<128xi32, #tpu.memory_space<vmem>>) semaphore(%arg24 : memref<!tpu.dma_semaphore, #tpu.memory_space<semaphore_mem>>)
    }
    %scan3A_269 = arith.constant 7 : i32
    %dma_wait3A_270 = arith.constant 0 : i32
    %dma_wait3A_271 = arith.constant 0 : i32
    %dma_wait3A_272 = arith.constant 0 : i32
    %dma_wait3A_273 = tpu.memref_slice %arg15[%dma_wait3A_271, %dma_wait3A_272] : memref<256x128xf32, #tpu.memory_space<vmem>> -> memref<128x128xf32, #tpu.memory_space<vmem>>
    %dma_wait3A_274 = arith.constant 0 : i32
    %dma_wait3A_275 = tpu.memref_slice %arg12[%dma_wait3A_270, %dma_wait3A_274] : memref<2x128xi32, #tpu.memory_space<vmem>> -> memref<1x128xi32, #tpu.memory_space<vmem>>
    %dma_wait3A_276 = tpu.memref_squeeze %dma_wait3A_275 : memref<1x128xi32, #tpu.memory_space<vmem>> -> memref<128xi32, #tpu.memory_space<vmem>>
    %dma_wait3A_277 = arith.constant 0 : i32
    %dma_wait3A_278 = arith.constant 0 : i32
    %dma_wait3A_279 = tpu.memref_slice %arg6[%dma_wait3A_277, %dma_wait3A_278] : memref<48x128xf32, #tpu.memory_space<vmem_shared>> -> memref<48x128xf32, #tpu.memory_space<vmem_shared>>
    tpu.wait_indirect_dma semaphore(%arg24 : memref<!tpu.dma_semaphore, #tpu.memory_space<semaphore_mem>>) src(%dma_wait3A_279 : memref<48x128xf32, #tpu.memory_space<vmem_shared>>) dst(%dma_wait3A_273 : memref<128x128xf32, #tpu.memory_space<vmem>>)
    %dma_wait3A_280 = arith.constant 1 : i32
    %dma_wait3A_281 = arith.constant 128 : i32
    %dma_wait3A_282 = arith.constant 0 : i32
    %dma_wait3A_283 = tpu.memref_slice %arg15[%dma_wait3A_281, %dma_wait3A_282] : memref<256x128xf32, #tpu.memory_space<vmem>> -> memref<128x128xf32, #tpu.memory_space<vmem>>
    %dma_wait3A_284 = arith.constant 0 : i32
    %dma_wait3A_285 = tpu.memref_slice %arg12[%dma_wait3A_280, %dma_wait3A_284] : memref<2x128xi32, #tpu.memory_space<vmem>> -> memref<1x128xi32, #tpu.memory_space<vmem>>
    %dma_wait3A_286 = tpu.memref_squeeze %dma_wait3A_285 : memref<1x128xi32, #tpu.memory_space<vmem>> -> memref<128xi32, #tpu.memory_space<vmem>>
    %dma_wait3A_287 = arith.constant 0 : i32
    %dma_wait3A_288 = arith.constant 0 : i32
    %dma_wait3A_289 = tpu.memref_slice %arg6[%dma_wait3A_287, %dma_wait3A_288] : memref<48x128xf32, #tpu.memory_space<vmem_shared>> -> memref<48x128xf32, #tpu.memory_space<vmem_shared>>
    tpu.wait_indirect_dma semaphore(%arg24 : memref<!tpu.dma_semaphore, #tpu.memory_space<semaphore_mem>>) src(%dma_wait3A_289 : memref<48x128xf32, #tpu.memory_space<vmem_shared>>) dst(%dma_wait3A_283 : memref<128x128xf32, #tpu.memory_space<vmem>>)
    %add3A_290 = arith.constant 48 : i32
    %add3A_291 = arith.addi %mul3A_2, %add3A_290 : i32
    %mul3A_292 = arith.constant 128 : i32
    %mul3A_293 = arith.muli %add3A_291, %mul3A_292 : i32
    %dma_start3A_294 = arith.constant 0 : i32
    %dma_start3A_295 = tpu.memref_slice %arg5[%mul3A_293, %dma_start3A_294] : memref<204800x128xf32, #tpu.memory_space<hbm>> -> memref<256x128xf32, #tpu.memory_space<hbm>>
    %dma_start3A_296 = arith.constant 0 : i32
    %dma_start3A_297 = tpu.memref_slice %arg5[%mul3A_293, %dma_start3A_296] : memref<204800x128xf32, #tpu.memory_space<hbm>> -> memref<256x128xf32, #tpu.memory_space<hbm>>
    tpu.enqueue_dma source(%arg15 : memref<256x128xf32, #tpu.memory_space<vmem>>) target(%dma_start3A_297 : memref<256x128xf32, #tpu.memory_space<hbm>>) target_semaphore(%arg21 : memref<!tpu.dma_semaphore, #tpu.memory_space<semaphore_mem>>)
    %dma_wait3A_298 = arith.constant 0 : i32
    %dma_wait3A_299 = arith.constant 0 : i32
    %dma_wait3A_300 = tpu.memref_slice %arg5[%dma_wait3A_298, %dma_wait3A_299] : memref<204800x128xf32, #tpu.memory_space<hbm>> -> memref<256x128xf32, #tpu.memory_space<hbm>>
    %dma_wait3A_301 = arith.constant 0 : i32
    %dma_wait3A_302 = arith.constant 0 : i32
    %dma_wait3A_303 = tpu.memref_slice %arg5[%dma_wait3A_301, %dma_wait3A_302] : memref<204800x128xf32, #tpu.memory_space<hbm>> -> memref<256x128xf32, #tpu.memory_space<hbm>>
    tpu.wait_dma2 semaphore(%arg21 : memref<!tpu.dma_semaphore, #tpu.memory_space<semaphore_mem>>) src(%arg15 : memref<256x128xf32, #tpu.memory_space<vmem>>) dst(%dma_wait3A_303 : memref<256x128xf32, #tpu.memory_space<hbm>>)
    %dma_wait3A_304 = arith.constant 0 : i32
    %dma_wait3A_305 = arith.constant 0 : i32
    %dma_wait3A_306 = tpu.memref_slice %arg5[%dma_wait3A_304, %dma_wait3A_305] : memref<204800x128xf32, #tpu.memory_space<hbm>> -> memref<256x128xf32, #tpu.memory_space<hbm>>
    %dma_wait3A_307 = arith.constant 0 : i32
    %dma_wait3A_308 = arith.constant 0 : i32
    %dma_wait3A_309 = tpu.memref_slice %arg5[%dma_wait3A_307, %dma_wait3A_308] : memref<204800x128xf32, #tpu.memory_space<hbm>> -> memref<256x128xf32, #tpu.memory_space<hbm>>
    tpu.wait_dma2 semaphore(%arg22 : memref<!tpu.dma_semaphore, #tpu.memory_space<semaphore_mem>>) src(%arg16 : memref<256x128xf32, #tpu.memory_space<vmem>>) dst(%dma_wait3A_309 : memref<256x128xf32, #tpu.memory_space<hbm>>)
    %dma_wait3A_310 = arith.constant 0 : i32
    %dma_wait3A_311 = arith.constant 0 : i32
    %dma_wait3A_312 = tpu.memref_slice %arg5[%dma_wait3A_310, %dma_wait3A_311] : memref<204800x128xf32, #tpu.memory_space<hbm>> -> memref<256x128xf32, #tpu.memory_space<hbm>>
    %dma_wait3A_313 = arith.constant 0 : i32
    %dma_wait3A_314 = arith.constant 0 : i32
    %dma_wait3A_315 = tpu.memref_slice %arg5[%dma_wait3A_313, %dma_wait3A_314] : memref<204800x128xf32, #tpu.memory_space<hbm>> -> memref<256x128xf32, #tpu.memory_space<hbm>>
    tpu.wait_dma2 semaphore(%arg23 : memref<!tpu.dma_semaphore, #tpu.memory_space<semaphore_mem>>) src(%arg17 : memref<256x128xf32, #tpu.memory_space<vmem>>) dst(%dma_wait3A_315 : memref<256x128xf32, #tpu.memory_space<hbm>>)
    return
  }
}

</mosaic_0001>

<sc_bundles>
// kernel: kernel.3.cloned.1.call-start
scs
__scs_entry_jumppad:
0x0: {  	(pc) =	sbr.rel $0x88, $3  }
0x1: {  	(tag) =	ssettag $0x0;
	lr =	simm.s32 $0x1  }
0x2: {  	[smem:$0x3F9D] =	sst lr;
	_ =	strace $0xD0000000  }
0x3: {  	_ = 	snop  }
0x4: {  	_ = 	snop  }
0x5: {  	_ = 	snop  }
0x6: {  	_ = 	snop  }
0x7: {  	_ = 	snop  }
__scs_overlays_trampoline_lowered:
0x8: {  	[smem:$0x3FAC] =	sst s0  }
0x9: {  	[smem:$0x3FAD] =	sst s1  }
0xa: {  	[smem:$0x3FAE] =	sst s2  }
0xb: {  	[smem:$0x3FAF] =	sst s3  }
0xc: {  	[smem:$0x3FB0] =	sst s4  }
0xd: {  	[smem:$0x3FB1] =	sst s5  }
0xe: {  	[smem:$0x3FB2] =	sst s6  }
0xf: {  	[smem:$0x3FB3] =	sst s7  }
0x10: {  	[smem:$0x3FB4] =	sst s8  }
0x11: {  	[smem:$0x3FB5] =	sst s9;
	s0 =	simm.s32 @!p0 $0x0  }
0x12: {  	s1 =	sld [smem:$0x3F9B];
	s0 =	simm.s32 @p0 $0x1  }
0x13: {  	[smem:$0x3FB6] =	sst s0;
	s0 =	simm.s32 @!p1 $0x0  }
0x14: {  	s2 =	sld [smem:$0x3F9A];
	s0 =	simm.s32 @p1 $0x1  }
0x15: {  	[smem:$0x3FB7] =	sst s0;
	s0 =	simm.s32 @!p2 $0x0  }
0x16: {  	s3 =	sld [smem:$0x3FDB];
	s0 =	simm.s32 @p2 $0x1  }
0x17: {  	s4 =	simm.s32 $0x1BF5;
	[smem:$0x3FB9] =	sst s0  }
0x18: {  	s0 =	sld [smem:$0x3F9C];
	_ =	swait.ge [sflag:s4], $0x0  }
0x19: {  	s7 =	sld [smem:$0x3F9D]  }
0x1a: {  	s8 =	sadd.s32 $0xFFFFE003, lr  }
0x1b: {  	s9 =	sadd.s32 $0xFFFFFEF7, lr;
	s5 =	simm.s32 $0xFFFFFFFF;
	p2 =	slt.u32 s8, $0xFFFFF086  }
0x1c: {  	p1 =	slt.u32 s9, $0xF7A;
	s5 =	simm.s32 @!p2 $0x0  }
0x1d: {  	s5 =	simm.s32 @p1 $0x1;
	p0 =	seq.s32 s7, s2  }
0x1e: {  	s7 =	smul.u32 @!p0 $0xF7A, s2;
	p2 =	seq.s32 @!p0 s5, $0x0  }
0x1f: {  	s9 =	smul.u32 $0xF7A, s1;
	s8 =	simm.s32 @!p0 $0x1BF5;
	p2 =	por !p2, p0  }
0x20: {  	[sflag:s8] =	ssyncset.s32 @!p0 $0xFFFFF086;
	s6 =	sadd.s32 @!p0 s3, s7;
	s7 =	simm.s32 @!p0 $0x108  }
0x21: {  	s3 =	sadd.s32 s3, s9;
	s6 =	sadd.s32 @!p0 $0x88, s6;
	s7 =	simm.s32 @p2 $0x1082  }
0x22: {  	[simem:s7], [sflag:s8] =	dma.local @!p0 [hbm:s6], $0xF7A  }
0x23: {  	s9 =	sor.u32 $0xD0000000, s2;
	s6 =	simm.s32 $0x108;
	_ =	swait.ge @!p0 [sflag:s8], $0x0  }
0x24: {  	s3 =	sadd.s32 $0x88, s3;
	s6 =	simm.s32 @!p1 $0x1082;
	[sflag:s4] =	ssyncset.s32 $0xFFFFF086  }
0x25: {  	[simem:s6], [sflag:s4] =	dma.local [hbm:s3], $0xF7A  }
0x26: {  	[smem:$0x3F9D] =	sst s1;
	(tag) =	ssettag s2;
	_ =	strace s9  }
0x27: {  	s1 =	sld [smem:$0x3FAD]  }
0x28: {  	s2 =	sld [smem:$0x3FAE]  }
0x29: {  	s4 =	sld [smem:$0x3FB0]  }
0x2a: {  	p0 =	seq.s32 s5, $0x0;
	s5 =	sld [smem:$0x3FB1]  }
0x2b: {  	s6 =	sld [smem:$0x3FB2]  }
0x2c: {  	s7 =	sld [smem:$0x3FB3]  }
0x2d: {  	s3 =	simm.s32 $0x108;
	s8 =	sld [smem:$0x3FB4]  }
0x2e: {  	s3 =	simm.s32 @!p0 $0x1082;
	s9 =	sld [smem:$0x3FB5]  }
0x2f: {  	lr =	sadd.s32 s0, s3;
	s0 =	sld [smem:$0x3FAC]  }
0x30: {  	s3 =	sld [smem:$0x3FAF]  }
0x31: {  	[smem:$0x3FB8] =	sst s10  }
0x32: {  	s10 =	sld [smem:$0x3FB6];
	_ =	sdelay $0x3  }
0x33: {  	p0 =	seq.s32 s10, $0x1;
	s10 =	sld [smem:$0x3FB8];
	_ =	sdelay $0x3  }
0x34: {  	[smem:$0x3FB8] =	sst s10  }
0x35: {  	s10 =	sld [smem:$0x3FB7];
	_ =	sdelay $0x3  }
0x36: {  	p1 =	seq.s32 s10, $0x1;
	s10 =	sld [smem:$0x3FB8];
	_ =	sdelay $0x3  }
0x37: {  	[smem:$0x3FB8] =	sst s10  }
0x38: {  	s10 =	sld [smem:$0x3FB9]  }
0x39: {  	_ = 	snop;
	(pc) =	sbr.ind lr, $3  }
0x3a: {  	_ = 	snop  }
0x3b: {  	_ = 	snop  }
0x3c: {  	p2 =	seq.s32 s10, $0x1;
	s10 =	sld [smem:$0x3FB8]  }
0x3d: {  	_ =	shalt  }
0x3e: {  	_ =	shalt  }
0x3f: {  	_ =	shalt  }
0x40: {  	_ =	shalt  }
0x41: {  	_ =	shalt  }
0x42: {  	_ =	shalt  }
0x43: {  	_ =	shalt  }
0x44: {  	_ =	shalt  }
0x45: {  	_ =	shalt  }
0x46: {  	_ =	shalt  }
0x47: {  	_ =	shalt  }
0x48: {  	_ =	shalt  }
0x49: {  	_ =	shalt  }
0x4a: {  	_ =	shalt  }
0x4b: {  	_ =	shalt  }
0x4c: {  	_ =	shalt  }
0x4d: {  	_ =	shalt  }
0x4e: {  	_ =	shalt  }
0x4f: {  	_ =	shalt  }
0x50: {  	_ =	shalt  }
0x51: {  	_ =	shalt  }
0x52: {  	_ =	shalt  }
0x53: {  	_ =	shalt  }
0x54: {  	_ =	shalt  }
0x55: {  	_ =	shalt  }
0x56: {  	_ =	shalt  }
0x57: {  	_ =	shalt  }
0x58: {  	_ =	shalt  }
0x59: {  	_ =	shalt  }
0x5a: {  	_ =	shalt  }
0x5b: {  	_ =	shalt  }
0x5c: {  	_ =	shalt  }
0x5d: {  	_ =	shalt  }
0x5e: {  	_ =	shalt  }
0x5f: {  	_ =	shalt  }
0x60: {  	_ =	shalt  }
0x61: {  	_ =	shalt  }
0x62: {  	_ =	shalt  }
0x63: {  	_ =	shalt  }
0x64: {  	_ =	shalt  }
0x65: {  	_ =	shalt  }
0x66: {  	_ =	shalt  }
0x67: {  	_ =	shalt  }
0x68: {  	_ =	shalt  }
0x69: {  	_ =	shalt  }
0x6a: {  	_ =	shalt  }
0x6b: {  	_ =	shalt  }
0x6c: {  	_ =	shalt  }
0x6d: {  	_ =	shalt  }
0x6e: {  	_ =	shalt  }
0x6f: {  	_ =	shalt  }
0x70: {  	_ =	shalt  }
0x71: {  	_ =	shalt  }
0x72: {  	_ =	shalt  }
0x73: {  	_ =	shalt  }
0x74: {  	_ =	shalt  }
0x75: {  	_ =	shalt  }
0x76: {  	_ =	shalt  }
0x77: {  	_ =	shalt  }
0x78: {  	_ =	shalt  }
0x79: {  	_ =	shalt  }
0x7a: {  	_ =	shalt  }
0x7b: {  	_ =	shalt  }
0x7c: {  	_ =	shalt  }
0x7d: {  	_ =	shalt  }
0x7e: {  	_ =	shalt  }
0x7f: {  	_ =	shalt  }
0x80: {  	_ =	shalt  }
0x81: {  	_ =	shalt  }
0x82: {  	_ =	shalt  }
0x83: {  	_ =	shalt  }
0x84: {  	_ =	shalt  }
0x85: {  	_ =	shalt  }
0x86: {  	_ =	shalt  }
0x87: {  	_ =	shalt  }
.Lfunc_end0:
.L_simem_size_0:
called_computation_lowered:
.L_overlay_start_0:
0x88: {  	s2 =	sld [smem:$0x3FD9]  }
0x89: {  	s3 =	sld [smem:$0x3FFE];
	_ =	sdelay $0x1  }
0x8a: {  	s1 =	srdreg.scid  }
0x8b: {  	s0 =	sand.u32 $0x1, s1  }
0x8c: {  	s17 =	sshll.u32 s0, $0xA;
	s2 =	sadd.s32 s3, s2  }
0x8d: {  	s2 =	sadd.s32 s2, s17  }
0x8e: {  	[smem:$0x3FC4] =	sst s2  }
0x8f: {  	_ = 	snop  }
0x90: {  	s2 =	sld [smem:$0x3FC6]  }
0x91: {  	s18 =	sld [smem:$0x3FD0];
	(tm) =	ssettm $0x1  }
0x92: {  	s4 =	sld [smem:$0x3FFB];
	_ =	sdelay $0x3  }
0x93: {  	_ =	strace s4  }
0x94: {  	s4 =	sld [smem:$0x3FFC];
	_ =	sdelay $0x3  }
0x95: {  	_ =	strace s4  }
0x96: {  	s4 =	sld [smem:$0x3FFD];
	_ =	sdelay $0x3  }
0x97: {  	_ =	strace s4  }
0x98: {  	_ =	strace $0x8FFFFFFF  }
0x99: {  	s19 =	sld [smem:$0x3FDB];
	_ =	sdelay $0x1  }
0x9a: {  	s5 =	simm.s32 $_scs_section_size  }
0x9b: {  	s6 =	simm.s32 $_size__tile_overlayer_lowered;
	s7 =	simm.s32 $_tile_overlayer_lowered  }
0x9c: {  	s22 =	simm.s32 $0x1BFF;
	s21 =	sshll.u32 s7, $0x1;
	s4 =	sadd.s32 s5, s19  }
0x9d: {  	s8 =	simm.s32 $0x0;
	s20 =	sshll.u32 s6, $0x1;
	s6 =	sadd.s32 s21, s4  }
0x9e: {  	[timem:s8], [sflag:s22] =	dma.local [hbm:s6], s20  }
0x9f: {  	_ =	swait.ge [sflag:s22], s20  }
0xa0: {  	s5 =	ssub.s32 $0x0, s20;
	[sflag:s22] =	ssyncset.done $0x0  }
0xa1: {  	[sflag:s22] =	ssyncadd.s32 s5;
	_ =	sdelay $0x1  }
0xa2: {  	s23 =	simm.s32 $0x1B8B  }
0xa3: {  	_ =	swait.ge [sflag:s23], $0x1  }
0xa4: {  	[sflag:s23] =	ssyncset.done $0x0  }
0xa5: {  	s25 =	simm.s32 $0x1B8E;
	s24 =	sld [smem:$0x3FFE];
	[sflag:s23] =	ssyncadd.s32 $0xFFFFFFFF  }
0xa6: {  	s26 =	simm.s32 $execute0_lowered;
	[smem:$0x3FD2] =	sst s25  }
0xa7: {  	s6 =	sshll.u32 s26, $0x1;
	_ =	strace $0x80000046;
	[dreg:$0x1] =	wrdreg $0xFFFFFFFF  }
0xa8: {  	s28 =	simm.s32 $_size_execute0_lowered;
	s4 =	sadd.s32 s4, s6;
	[dreg:$0x0] =	wrdreg $0x0  }
0xa9: {  	s6 =	sshll.u32 s28, $0x1;
	[dreg:$0x2] =	wrdreg s4  }
0xaa: {  	[dreg:$0x3] =	wrdreg s6  }
0xab: {  	[dreg:$0x4] =	wrdreg $0xC0  }
0xac: {  	_ =	task [dreg:s8], $0x5FFFF  }
0xad: {  	[dreg:$0x1] =	wrdreg $0xFFFFFFFF  }
0xae: {  	[dreg:$0x0] =	wrdreg $0x60  }
0xaf: {  	[dreg:$0x2] =	wrdreg s24  }
0xb0: {  	[dreg:$0x3] =	wrdreg s2  }
0xb1: {  	[dreg:$0x4] =	wrdreg s18  }
0xb2: {  	[dreg:$0x5] =	wrdreg $0x0  }
0xb3: {  	[dreg:$0x6] =	wrdreg $0x9  }
0xb4: {  	_ =	task.clear_ibuf [dreg:s8], $0x7FFFF;
	_ =	strace $0x90000046  }
0xb5: {  	s29 =	simm.s32 $0x9;
	_ =	strace $0x80000048  }
0xb6: {  	_ =	swait.ge [sflag:s29], $0x1  }
0xb7: {  	[sflag:s29] =	ssyncadd.s32 $0xFFFFFFFF  }
0xb8: {  	_ =	strace $0x90000048  }
0xb9: {  	_ =	sfence  }
0xba: {  	s30 =	sld [smem:$0x0];
	_ =	sdelay $0x2  }
0xbb: {  	s31 =	sshll.u32 s1, $0xD;
	s1 =	sshrl.u32 s1, $0x2  }
0xbc: {  	s3 =	sand.u32 $0x4000, s31;
	s1 =	sadd.s32 s1, s30  }
0xbd: {  	s0 =	sor.u32 s3, s0;
	s1 =	sshll.u32 s1, $0x11  }
0xbe: {  	s0 =	sor.u32 s1, s0  }
0xbf: {  	s0 =	sadd.s32 $0x8F2B, s0  }
0xc0: {  	[sflag:s0] =	ssyncadd.remote.s32 $0x1  }
0xc1: {  	_ =	sfence.sel $0xFFFF  }
0xc2: {  	[dreg:$0x0] =	wrdreg $0xFFFFFFFF;
	(pc) =	sbr.abs _section_cstart, $3  }
0xc3: {  	[dreg:$0x1] =	wrdreg $0xFFFFFFFF  }
0xc4: {  	_ =	task.clear_ibuf [dreg:s8], $0x2FFFF;
	_ =	strace $0x9FFFFFFF  }
0xc5: {  	(tm) =	ssettm $0x7FFFFFFF  }
tec
execute0_lowered:
.L_overlay_start_1:
0x0: {  	(tag) =	ssettag $0x1  }
0x1: {  	s2 =	rddreg [dreg:$0x0]  }
0x2: {  	s0 =	rddreg [dreg:$0x2]  }
0x3: {  	s16 =	stileid.u32;
	s1 =	srdreg.scid  }
0x4: {  	s3 =	rddreg [dreg:$0x3];
	s4 =	simm.s32 $0x0;
	s30 =	simm.s32 $0x1  }
0x5: {  	s28 =	simm.s32 $0xE00;
	s31 =	simm.s32 $0xE80;
	s29 =	simm.s32 $0x4  }
0x6: {  	s1 =	sand.u32 $0x1, s1;
	s5 =	sshll.u32 s16, $0x1;
	[smem:$0x7FF] =	sst s4  }
0x7: {  	s9 =	sshll.u32 s16, $0x7;
	s19 =	sshll.u32 s16, $0xA;
	p0 =	sgt.u32 s16, $0x5  }
0x8: {  	p1 =	seq.s32 s16, $0x5;
	s6 =	sor.u32 s1, s5;
	_ =	strace $0x80000047  }
0x9: {  	s5 =	sadd.s32 $0xC00, s2;
	s10 =	ssub.s32 $0x2, s1;
	s7 =	smul.u32 $0x3200, s6  }
0xa: {  	s2 =	sadd.s32 s9, s2;
	s8 =	sshll.u32 s6, $0x8;
	s11 =	smul.u32 $0x32, s6  }
0xb: {  	s12 =	sshrl.u32 s10, $0x1;
	s2 =	sadd.s32 $0x800, s2;
	s22 =	smul.u32 $0x19000, s6  }
0xc: {  	s6 =	smul.u32 $0xC8000, s6;
	s8 =	sand.u32 $0x300, s8;
	[dreg:$0x9] =	wrdreg s2  }
0xd: {  	s7 =	sand.u32 $0x7F800, s7;
	s18 =	sadd.s32 $0x6, s11;
	s24 =	sadd.s32 $0xA, s11  }
0xe: {  	s25 =	sadd.s32 s0, s22;
	s7 =	sor.u32 s8, s7;
	s8 =	ssub.s32 s10, s12  }
0xf: {  	s20 =	sshll.u32 s18, $0x5;
	s2 =	sshll.u32 s18, $0x4;
	[dreg:$0xc] =	wrdreg s25  }
0x10: {  	s26 =	sshll.u32 s24, $0x4;
	s18 =	sshrl.u32 s6, $0x3;
	s6 =	simm.s32 $0x4F00  }
0x11: {  	s13 =	sshrl.u32 s7, $0x3;
	s21 =	sand.u32 $0x1FF00, s20;
	s2 =	sand.u32 $0x60, s2  }
0x12: {  	s7 =	sadd.s32 $0x800, s7;
	s22 =	smax.u32 s8, $0x1;
	s9 =	sadd.s32 s5, s13  }
0x13: {  	s13 =	sadd.s32 $0x4, s11;
	s2 =	sadd.s32 s5, s2;
	s23 =	sshrl.u32 s7, $0x3  }
0x14: {  	s7 =	sshll.u32 s24, $0x5;
	[dreg:$0x13] =	wrdreg s22;
	s22 =	simm.s32 $0x0  }
0x15: {  	[dreg:$0x6] =	wrdreg s9;
	s9 =	sadd.s32 $0x2, s11;
	s15 =	sshll.u32 s13, $0x5  }
0x16: {  	s2 =	sadd.s32 s21, s2;
	s7 =	sand.u32 $0x1FF00, s7;
	s21 =	smul.u32 $0xC80, s16  }
0x17: {  	s14 =	sshll.u32 s9, $0x5;
	s12 =	sshll.u32 s9, $0x4;
	s15 =	sand.u32 $0x1FF00, s15  }
0x18: {  	[dreg:$0xb] =	wrdreg s2;
	s2 =	sadd.s32 s5, s23;
	s9 =	sshll.u32 s9, $0xB  }
0x19: {  	s10 =	sand.u32 $0x1FF00, s14;
	s12 =	sand.u32 $0x60, s12;
	s14 =	sshll.u32 s13, $0x4  }
0x1a: {  	[dreg:$0xd] =	wrdreg s2;
	s2 =	sand.u32 $0x60, s26;
	s9 =	sadd.s32 s0, s9  }
0x1b: {  	s12 =	sadd.s32 s5, s12;
	s14 =	sand.u32 $0x60, s14;
	[dreg:$0xe] =	wrdreg s9  }
0x1c: {  	s2 =	sadd.s32 s5, s2;
	s9 =	sadd.s32 $0xC, s11;
	s11 =	simm.s32 $0x8F00  }
0x1d: {  	s10 =	sadd.s32 s10, s12;
	s17 =	sadd.s32 s5, s14;
	s2 =	sadd.s32 s7, s2  }
0x1e: {  	s14 =	smul.u32 $0x640, s16;
	s12 =	simm.s32 $0x100;
	[dreg:$0x7] =	wrdreg s10  }
0x1f: {  	s10 =	sadd.s32 s15, s17;
	[dreg:$0xf] =	wrdreg s2;
	s15 =	smul.u32 $0x64, s16  }
0x20: {  	s2 =	sshll.u32 s9, $0x5;
	s17 =	smul.u32 $0x32, s1;
	s16 =	simm.s32 $0x10F00  }
0x21: {  	[dreg:$0x8] =	wrdreg s10;
	s10 =	sadd.s32 s19, s3;
	s19 =	smul.u32 $0x320, s1  }
0x22: {  	s2 =	sand.u32 $0x1FF00, s2;
	s1 =	smul.u32 $0x640, s1;
	[dreg:$0xa] =	wrdreg s10  }
0x23: {  	s10 =	sshll.u32 s13, $0xB;
	s13 =	sshll.u32 s9, $0x4;
	s20 =	sadd.s32 s17, s15  }
0x24: {  	s15 =	simm.s32 $0x600;
	s17 =	simm.s32 $0xD80;
	s9 =	sand.u32 $0x60, s13  }
0x25: {  	s7 =	sadd.s32 s0, s10;
	s23 =	sadd.s32 s19, s14;
	s24 =	sshll.u32 s20, $0xB  }
0x26: {  	s1 =	sadd.s32 s1, s21;
	s13 =	simm.s32 $0x400;
	s21 =	simm.s32 $0x800  }
0x27: {  	s10 =	simm.s32 $0xC00;
	s14 =	simm.s32 $0x3;
	[dreg:$0x11] =	wrdreg s7  }
0x28: {  	s19 =	simm.s32 $0x5;
	s9 =	sadd.s32 s5, s9;
	[dreg:$0x5] =	wrdreg s23  }
0x29: {  	s20 =	simm.s32 $0x6;
	[dreg:$0x14] =	wrdreg s1;
	s2 =	sadd.s32 s2, s9  }
0x2a: {  	s23 =	simm.s32 $0xA00;
	[dreg:$0x10] =	wrdreg s2;
	s2 =	sadd.s32 s0, s18  }
0x2b: {  	s1 =	simm.s32 $0xC80;
	s0 =	sadd.s32 s0, s24;
	s2 =	sadd.s32 $0x18000, s2  }
0x2c: {  	s7 =	simm.s32 $0x2;
	s25 =	sadd.s32 $0x5000, s0;
	[dreg:$0x12] =	wrdreg s2  }
0x2d: {  	s9 =	simm.s32 $0x80;
	s26 =	sadd.s32 $0x4000, s0;
	[dreg:$0x15] =	wrdreg s25  }
0x2e: {  	s24 =	simm.s32 $0xD00;
	s0 =	sadd.s32 $0x3000, s0;
	[dreg:$0x16] =	wrdreg s26  }
0x2f: {  	s18 =	simm.s32 $0x9;
	[dreg:$0x17] =	wrdreg s0;
	s2 =	simm.s32 $0x7  }
0x30: {  	s0 =	simm.s32 $0x8;
	s26 =	simm.s32 $0xF00;
	s25 =	simm.s32 $0xCF00  }
.LBB2_1:
0x31: {  	s8 =	rddreg [dreg:$0x6]  }
0x32: {  	[tilespmem:s15], [sflag:$0x1] =	stream.strided.gather [hbm4b:s8+s12], $0x200, s13, s12, $0x38;
	[tilespmem:$0x18F00] =	vst v63  }
.Ltmp0:
0x33: {  	[dreg:$0x18] =	wrdreg s22;
	(pc) =	sbr.rel @p0 .LBB2_5-.Ltmp0, $4  }
0x34: {  	s22 =	rddreg [dreg:$0x7]  }
0x35: {  	[tilespmem:s21], [sflag:$0x2] =	stream.strided.gather [hbm4b:s22+s12], $0x200, s13, s12, $0x38;
	[tilespmem:$0x18F00] =	vst v63  }
0x36: {  	s22 =	rddreg [dreg:$0x8]  }
0x37: {  	[tilespmem:s23], [sflag:$0x3] =	stream.strided.gather [hbm4b:s22+s12], $0x200, s13, s12, $0x38;
	[tilespmem:$0x18F00] =	vst v63  }
0x38: {  	s8 =	rddreg [dreg:$0x1];
	s22 =	simm.s32 $0x580  }
0x39: {  	[tilespmem:s22], [sflag:$0x7] =	stream.linear.gather [hbm4b:s8+s4], $0x80, $0x38;
	[tilespmem:$0x18F00] =	vst v63  }
0x3a: {  	s8 =	rddreg [dreg:$0x9];
	s22 =	simm.s32 $0x180  }
0x3b: {  	[tilespmem:s22], [sflag:$0x8] =	stream.linear.gather [hbm4b:s8+s4], $0x400, $0x38;
	[tilespmem:$0x18F00] =	vst v63  }
0x3c: {  	_ =	swait.ge [sflag:s2], $0x80  }
0x3d: {  	[sflag:s2] =	ssyncset.done $0x0  }
0x3e: {  	[sflag:s2] =	ssyncadd.s32 $0xFFFFFF80  }
0x3f: {  	_ =	swait.ge [sflag:s0], $0x400  }
0x40: {  	[sflag:s0] =	ssyncset.done $0x0  }
0x41: {  	[sflag:s0] =	ssyncadd.s32 $0xFFFFFC00  }
0x42: {  	v0 =	vld [tilespmem:$0x180]  }
0x43: {  	v1 =	vld [tilespmem:$0x580]  }
0x44: {  	v2 =	vld [tilespmem:$0x190]  }
0x45: {  	v3 =	vld [tilespmem:$0x590]  }
0x46: {  	v4 =	vld [tilespmem:$0x1A0]  }
0x47: {  	v5 =	vld [tilespmem:$0x5A0]  }
0x48: {  	v6 =	vld [tilespmem:$0x1B0]  }
0x49: {  	v7 =	vld [tilespmem:$0x5B0]  }
0x4a: {  	v8 =	vld [tilespmem:$0x1C0]  }
0x4b: {  	v9 =	vld [tilespmem:$0x5C0]  }
0x4c: {  	v10 =	vld [tilespmem:$0x1D0]  }
0x4d: {  	v11 =	vld [tilespmem:$0x5D0]  }
0x4e: {  	v12 =	vld [tilespmem:$0x1E0]  }
0x4f: {  	v55 =	vld [tilespmem:$0x5E0];
	v0 =	vadd.f32 v1, v0  }
0x50: {  	v56 =	vld [tilespmem:$0x1F0];
	v2 =	vadd.f32 v3, v2  }
0x51: {  	v58 =	vld [tilespmem:$0x5F0];
	v57 =	vadd.f32 v5, v4;
	[tilespmem:$0x180] =	vst v0  }
0x52: {  	v59 =	vadd.f32 v7, v6;
	[tilespmem:$0x190] =	vst v2  }
0x53: {  	v60 =	vadd.f32 v9, v8;
	[tilespmem:$0x1A0] =	vst v57  }
.Ltmp1:
0x54: {  	v61 =	vadd.f32 v11, v10;
	[tilespmem:$0x1B0] =	vst v59;
	(pc) =	sbr.rel @p1 .LBB2_4-.Ltmp1, $4  }
0x55: {  	v62 =	vadd.f32 v55, v12;
	[tilespmem:$0x1C0] =	vst v60  }
0x56: {  	v63 =	vadd.f32 v58, v56;
	[tilespmem:$0x1D0] =	vst v61  }
0x57: {  	[tilespmem:$0x1E0] =	vst v62  }
0x58: {  	[tilespmem:$0x1F0] =	vst v63  }
0x59: {  	v0 =	vld [tilespmem:$0x200]  }
0x5a: {  	v1 =	vld [tilespmem:$0x580]  }
0x5b: {  	v2 =	vld [tilespmem:$0x210]  }
0x5c: {  	v3 =	vld [tilespmem:$0x590]  }
0x5d: {  	v4 =	vld [tilespmem:$0x220]  }
0x5e: {  	v5 =	vld [tilespmem:$0x5A0]  }
0x5f: {  	v6 =	vld [tilespmem:$0x230]  }
0x60: {  	v7 =	vld [tilespmem:$0x5B0]  }
0x61: {  	v8 =	vld [tilespmem:$0x240]  }
0x62: {  	v9 =	vld [tilespmem:$0x5C0]  }
0x63: {  	v10 =	vld [tilespmem:$0x250]  }
0x64: {  	v11 =	vld [tilespmem:$0x5D0]  }
0x65: {  	v12 =	vld [tilespmem:$0x260]  }
0x66: {  	v13 =	vld [tilespmem:$0x5E0]  }
0x67: {  	v14 =	vld [tilespmem:$0x270]  }
0x68: {  	v15 =	vld [tilespmem:$0x5F0]  }
0x69: {  	v16 =	vld [tilespmem:$0x280]  }
0x6a: {  	v17 =	vld [tilespmem:$0x580]  }
0x6b: {  	v18 =	vld [tilespmem:$0x290]  }
0x6c: {  	v19 =	vld [tilespmem:$0x590]  }
0x6d: {  	v20 =	vld [tilespmem:$0x2A0]  }
0x6e: {  	v21 =	vld [tilespmem:$0x5A0]  }
0x6f: {  	v22 =	vld [tilespmem:$0x2B0]  }
0x70: {  	v23 =	vld [tilespmem:$0x5B0]  }
0x71: {  	v24 =	vld [tilespmem:$0x2C0]  }
0x72: {  	v25 =	vld [tilespmem:$0x5C0]  }
0x73: {  	v26 =	vld [tilespmem:$0x2D0]  }
0x74: {  	v27 =	vld [tilespmem:$0x5D0]  }
0x75: {  	v28 =	vld [tilespmem:$0x2E0]  }
0x76: {  	v29 =	vld [tilespmem:$0x5E0]  }
0x77: {  	v30 =	vld [tilespmem:$0x2F0]  }
0x78: {  	v31 =	vld [tilespmem:$0x5F0]  }
0x79: {  	v32 =	vld [tilespmem:$0x300]  }
0x7a: {  	v33 =	vld [tilespmem:$0x580]  }
0x7b: {  	v34 =	vld [tilespmem:$0x310]  }
0x7c: {  	v35 =	vld [tilespmem:$0x590]  }
0x7d: {  	v36 =	vld [tilespmem:$0x320]  }
0x7e: {  	v37 =	vld [tilespmem:$0x5A0]  }
0x7f: {  	v38 =	vld [tilespmem:$0x330]  }
0x80: {  	v39 =	vld [tilespmem:$0x5B0]  }
0x81: {  	v40 =	vld [tilespmem:$0x340]  }
0x82: {  	v41 =	vld [tilespmem:$0x5C0]  }
0x83: {  	v42 =	vld [tilespmem:$0x350]  }
0x84: {  	v43 =	vld [tilespmem:$0x5D0]  }
0x85: {  	v44 =	vld [tilespmem:$0x360]  }
0x86: {  	v45 =	vld [tilespmem:$0x5E0]  }
0x87: {  	v46 =	vld [tilespmem:$0x370]  }
0x88: {  	v47 =	vld [tilespmem:$0x5F0]  }
0x89: {  	v48 =	vld [tilespmem:$0x380]  }
0x8a: {  	v49 =	vld [tilespmem:$0x580]  }
0x8b: {  	v50 =	vld [tilespmem:$0x390]  }
0x8c: {  	v51 =	vld [tilespmem:$0x590]  }
0x8d: {  	v52 =	vld [tilespmem:$0x3A0]  }
0x8e: {  	v53 =	vld [tilespmem:$0x5A0]  }
0x8f: {  	v54 =	vld [tilespmem:$0x3B0]  }
0x90: {  	v55 =	vld [tilespmem:$0x5B0]  }
0x91: {  	v56 =	vld [tilespmem:$0x3C0]  }
0x92: {  	v57 =	vld [tilespmem:$0x5C0]  }
0x93: {  	v58 =	vld [tilespmem:$0x3D0]  }
0x94: {  	v59 =	vld [tilespmem:$0x5D0]  }
0x95: {  	v60 =	vld [tilespmem:$0x3E0]  }
0x96: {  	v0 =	vadd.f32 v1, v0;
	v1 =	vld [tilespmem:$0x5E0]  }
0x97: {  	v2 =	vadd.f32 v3, v2;
	v3 =	vld [tilespmem:$0x3F0]  }
0x98: {  	v63 =	vadd.f32 v5, v4;
	v4 =	vld [tilespmem:$0x5F0];
	[tilespmem:$0x200] =	vst v0  }
0x99: {  	v61 =	vadd.f32 v7, v6;
	v5 =	vld [tilespmem:$0x400];
	[tilespmem:$0x210] =	vst v2  }
0x9a: {  	v62 =	vadd.f32 v9, v8;
	v6 =	vld [tilespmem:$0x580];
	[tilespmem:$0x220] =	vst v63  }
0x9b: {  	v7 =	vld [tilespmem:$0x410];
	v13 =	vadd.f32 v13, v12;
	[tilespmem:$0x230] =	vst v61  }
0x9c: {  	v8 =	vld [tilespmem:$0x590];
	v15 =	vadd.f32 v15, v14;
	[tilespmem:$0x240] =	vst v62  }
0x9d: {  	v9 =	vld [tilespmem:$0x420];
	v17 =	vadd.f32 v17, v16;
	[tilespmem:$0x260] =	vst v13  }
0x9e: {  	v19 =	vadd.f32 v19, v18;
	v12 =	vld [tilespmem:$0x5B0];
	[tilespmem:$0x270] =	vst v15  }
0x9f: {  	v21 =	vadd.f32 v21, v20;
	v16 =	vld [tilespmem:$0x5D0];
	[tilespmem:$0x280] =	vst v17  }
0xa0: {  	v27 =	vadd.f32 v27, v26;
	v29 =	vadd.f32 v29, v28;
	v18 =	vld [tilespmem:$0x5E0];
	[tilespmem:$0x290] =	vst v19  }
0xa1: {  	v31 =	vadd.f32 v31, v30;
	v33 =	vadd.f32 v33, v32;
	v20 =	vld [tilespmem:$0x5F0];
	[tilespmem:$0x2A0] =	vst v21  }
0xa2: {  	v34 =	vadd.f32 v35, v34;
	v35 =	vadd.f32 v37, v36;
	v26 =	vld [tilespmem:$0x5A0];
	[tilespmem:$0x2D0] =	vst v27  }
0xa3: {  	v36 =	vadd.f32 v39, v38;
	v39 =	vadd.f32 v45, v44;
	v44 =	vld [tilespmem:$0x5B0];
	[tilespmem:$0x2E0] =	vst v29  }
0xa4: {  	v37 =	vadd.f32 v41, v40;
	v40 =	vadd.f32 v47, v46;
	v47 =	vld [tilespmem:$0x5C0];
	[tilespmem:$0x2F0] =	vst v31  }
0xa5: {  	v41 =	vadd.f32 v49, v48;
	v49 =	vld [tilespmem:$0x4D0];
	[tilespmem:$0x300] =	vst v33  }
0xa6: {  	v38 =	vadd.f32 v43, v42;
	v42 =	vadd.f32 v51, v50;
	v51 =	vld [tilespmem:$0x5D0];
	[tilespmem:$0x310] =	vst v34  }
0xa7: {  	v43 =	vadd.f32 v53, v52;
	v53 =	vld [tilespmem:$0x4E0];
	[tilespmem:$0x320] =	vst v35  }
0xa8: {  	v45 =	vadd.f32 v55, v54;
	v55 =	vld [tilespmem:$0x5E0];
	[tilespmem:$0x330] =	vst v36  }
0xa9: {  	v46 =	vadd.f32 v57, v56;
	v57 =	vld [tilespmem:$0x4F0];
	[tilespmem:$0x340] =	vst v37  }
0xaa: {  	v48 =	vadd.f32 v59, v58;
	v59 =	vld [tilespmem:$0x5F0];
	[tilespmem:$0x350] =	vst v38  }
0xab: {  	v63 =	vadd.f32 v11, v10;
	v10 =	vld [tilespmem:$0x5A0];
	[tilespmem:$0x360] =	vst v39  }
0xac: {  	v11 =	vld [tilespmem:$0x430];
	[tilespmem:$0x370] =	vst v40  }
0xad: {  	v13 =	vld [tilespmem:$0x440];
	[tilespmem:$0x380] =	vst v41  }
0xae: {  	v15 =	vld [tilespmem:$0x450];
	[tilespmem:$0x390] =	vst v42  }
0xaf: {  	v17 =	vld [tilespmem:$0x460];
	[tilespmem:$0x3A0] =	vst v43  }
0xb0: {  	v19 =	vld [tilespmem:$0x470];
	[tilespmem:$0x3B0] =	vst v45  }
0xb1: {  	v21 =	vld [tilespmem:$0x480];
	[tilespmem:$0x3C0] =	vst v46  }
0xb2: {  	v61 =	vadd.f32 v23, v22;
	v22 =	vld [tilespmem:$0x580];
	[tilespmem:$0x3D0] =	vst v48  }
0xb3: {  	v62 =	vadd.f32 v25, v24;
	v23 =	vld [tilespmem:$0x490];
	[tilespmem:$0x250] =	vst v63  }
0xb4: {  	v24 =	vld [tilespmem:$0x590];
	[tilespmem:$0x2B0] =	vst v61;
	v50 =	vadd.f32 v1, v60  }
0xb5: {  	v25 =	vld [tilespmem:$0x4A0];
	[tilespmem:$0x2C0] =	vst v62;
	v52 =	vadd.f32 v4, v3  }
0xb6: {  	v27 =	vld [tilespmem:$0x4B0];
	v54 =	vadd.f32 v6, v5;
	[tilespmem:$0x3E0] =	vst v50  }
0xb7: {  	v29 =	vld [tilespmem:$0x4C0];
	v56 =	vadd.f32 v8, v7;
	[tilespmem:$0x3F0] =	vst v52  }
0xb8: {  	v33 =	vld [tilespmem:$0x510];
	v1 =	vadd.f32 v51, v49;
	[tilespmem:$0x400] =	vst v54  }
0xb9: {  	v35 =	vld [tilespmem:$0x590];
	v49 =	vadd.f32 v55, v53;
	[tilespmem:$0x410] =	vst v56  }
0xba: {  	v37 =	vld [tilespmem:$0x520];
	v51 =	vadd.f32 v59, v57;
	[tilespmem:$0x4D0] =	vst v1  }
0xbb: {  	v39 =	vld [tilespmem:$0x5A0];
	v58 =	vadd.f32 v10, v9;
	[tilespmem:$0x4E0] =	vst v49  }
0xbc: {  	v41 =	vld [tilespmem:$0x530];
	v60 =	vadd.f32 v12, v11;
	[tilespmem:$0x4F0] =	vst v51  }
0xbd: {  	v43 =	vld [tilespmem:$0x5B0];
	v32 =	vadd.f32 v16, v15;
	[tilespmem:$0x420] =	vst v58  }
0xbe: {  	v45 =	vld [tilespmem:$0x540];
	v34 =	vadd.f32 v18, v17;
	[tilespmem:$0x430] =	vst v60  }
0xbf: {  	v48 =	vld [tilespmem:$0x550];
	v36 =	vadd.f32 v20, v19;
	[tilespmem:$0x450] =	vst v32  }
0xc0: {  	v63 =	vld [tilespmem:$0x5C0];
	v38 =	vadd.f32 v22, v21;
	[tilespmem:$0x460] =	vst v34  }
0xc1: {  	v61 =	vld [tilespmem:$0x500];
	v40 =	vadd.f32 v24, v23;
	[tilespmem:$0x470] =	vst v36  }
0xc2: {  	v42 =	vadd.f32 v26, v25;
	v46 =	vadd.f32 v47, v29;
	v47 =	vld [tilespmem:$0x5C0];
	[tilespmem:$0x480] =	vst v38  }
0xc3: {  	v44 =	vadd.f32 v44, v27;
	v50 =	vld [tilespmem:$0x5D0];
	[tilespmem:$0x490] =	vst v40  }
0xc4: {  	v52 =	vld [tilespmem:$0x560];
	[tilespmem:$0x4A0] =	vst v42  }
0xc5: {  	v54 =	vld [tilespmem:$0x5E0];
	v55 =	vadd.f32 v35, v33;
	[tilespmem:$0x4B0] =	vst v44  }
0xc6: {  	v57 =	vadd.f32 v39, v37;
	v62 =	vadd.f32 v63, v13;
	v63 =	vld [tilespmem:$0x580];
	[tilespmem:$0x4C0] =	vst v46  }
0xc7: {  	v56 =	vld [tilespmem:$0x570];
	v59 =	vadd.f32 v43, v41;
	[tilespmem:$0x510] =	vst v55  }
0xc8: {  	v58 =	vld [tilespmem:$0x5F0];
	[tilespmem:$0x520] =	vst v57  }
0xc9: {  	[tilespmem:$0x530] =	vst v59;
	v60 =	vadd.f32 v47, v45  }
0xca: {  	[tilespmem:$0x440] =	vst v62;
	v62 =	vadd.f32 v54, v52  }
0xcb: {  	v53 =	vadd.f32 v63, v61;
	[tilespmem:$0x540] =	vst v60  }
0xcc: {  	v61 =	vadd.f32 v50, v48;
	[tilespmem:$0x560] =	vst v62  }
0xcd: {  	v63 =	vadd.f32 v58, v56;
	[tilespmem:$0x500] =	vst v53  }
0xce: {  	[tilespmem:$0x550] =	vst v61  }
0xcf: {  	[tilespmem:$0x570] =	vst v63  }
.LBB2_4:
0xd0: {  	s8 =	rddreg [dreg:$0xa];
	s22 =	simm.s32 $0x180  }
0xd1: {  	[spmem:s8] =	stream.linear.scatter [tilespmem:s22], [sflag:$0xA], $0x400, $0x38;
	[tilespmem:$0x18F00] =	vst v63  }
0xd2: {  	s22 =	simm.s32 $0xA  }
0xd3: {  	_ =	swait.ge [sflag:s22], $0x400  }
0xd4: {  	[sflag:s22] =	ssyncset.done $0x0  }
0xd5: {  	[sflag:s22] =	ssyncadd.s32 $0xFFFFFC00  }
.LBB2_5:
0xd6: {  	[bflag:$0x0] =	sbarrier.arrive $0xFFFF  }
0xd7: {  	_ =	swait.ge [sflag:s30], $0x200  }
0xd8: {  	[sflag:s30] =	ssyncset.done $0x0  }
0xd9: {  	[sflag:s30] =	ssyncadd.s32 $0xFFFFFE00  }
0xda: {  	v0 =	vld [tilespmem:$0x600]  }
0xdb: {  	v1 =	vld [tilespmem:$0x700]  }
0xdc: {  	v2 =	vld [tilespmem:$0x680]  }
0xdd: {  	v3 =	vld [tilespmem:$0x780]  }
0xde: {  	v4 =	vld [tilespmem:$0x610]  }
0xdf: {  	v5 =	vld [tilespmem:$0x710]  }
0xe0: {  	v6 =	vld [tilespmem:$0x690]  }
0xe1: {  	v7 =	vld [tilespmem:$0x790]  }
0xe2: {  	v8 =	vld [tilespmem:$0x620]  }
0xe3: {  	v9 =	vld [tilespmem:$0x720]  }
0xe4: {  	v10 =	vld [tilespmem:$0x6A0]  }
0xe5: {  	v11 =	vld [tilespmem:$0x7A0]  }
0xe6: {  	v12 =	vld [tilespmem:$0x630]  }
0xe7: {  	v13 =	vld [tilespmem:$0x730]  }
0xe8: {  	v14 =	vld [tilespmem:$0x6B0]  }
0xe9: {  	v15 =	vld [tilespmem:$0x7B0]  }
0xea: {  	v16 =	vld [tilespmem:$0x640]  }
0xeb: {  	v17 =	vld [tilespmem:$0x740]  }
0xec: {  	v18 =	vld [tilespmem:$0x6C0]  }
0xed: {  	v19 =	vld [tilespmem:$0x7C0]  }
0xee: {  	v25 =	vld [tilespmem:$0x650];
	vm0 =	veq.s32 v1, $0x0  }
0xef: {  	v26 =	vld [tilespmem:$0x750];
	vm13 =	veq.s32 v3, $0x0;
	v0 =	vnsel vm0, $0x29, v0  }
0xf0: {  	v28 =	vld [tilespmem:$0x6D0];
	vm14 =	veq.s32 v5, $0x0;
	v27 =	vnsel vm13, $0x29, v2;
	[tilespmem:$0xC00] =	vst v0  }
0xf1: {  	v30 =	vld [tilespmem:$0x7D0];
	vm15 =	veq.s32 v7, $0x0;
	v29 =	vnsel vm14, $0x29, v4;
	[tilespmem:$0xC80] =	vst v27  }
0xf2: {  	v32 =	vld [tilespmem:$0x660];
	vm4 =	veq.s32 v9, $0x0;
	v31 =	vnsel vm15, $0x29, v6;
	[tilespmem:$0xC10] =	vst v29  }
0xf3: {  	v34 =	vld [tilespmem:$0x760];
	vm5 =	veq.s32 v11, $0x0;
	v33 =	vnsel vm4, $0x29, v8;
	[tilespmem:$0xC90] =	vst v31  }
0xf4: {  	v36 =	vld [tilespmem:$0x6E0];
	vm6 =	veq.s32 v13, $0x0;
	v35 =	vnsel vm5, $0x29, v10;
	[tilespmem:$0xC20] =	vst v33  }
0xf5: {  	v38 =	vld [tilespmem:$0x7E0];
	vm7 =	veq.s32 v15, $0x0;
	v37 =	vnsel vm6, $0x29, v12;
	[tilespmem:$0xCA0] =	vst v35  }
0xf6: {  	v40 =	vld [tilespmem:$0x670];
	vm8 =	veq.s32 v17, $0x0;
	v39 =	vnsel vm7, $0x29, v14;
	[tilespmem:$0xC30] =	vst v37  }
0xf7: {  	v42 =	vld [tilespmem:$0x770];
	vm9 =	veq.s32 v19, $0x0;
	v41 =	vnsel vm8, $0x29, v16;
	[tilespmem:$0xCB0] =	vst v39  }
0xf8: {  	v44 =	vld [tilespmem:$0x7F0];
	vm10 =	veq.s32 v26, $0x0;
	v43 =	vnsel vm9, $0x29, v18;
	[tilespmem:$0xC40] =	vst v41  }
0xf9: {  	v46 =	vld [tilespmem:$0x6F0];
	vm11 =	veq.s32 v30, $0x0;
	v45 =	vnsel vm10, $0x29, v25;
	[tilespmem:$0xCC0] =	vst v43  }
0xfa: {  	vm12 =	veq.s32 v34, $0x0;
	v47 =	vnsel vm11, $0x29, v28;
	[tilespmem:$0xC50] =	vst v45  }
0xfb: {  	v48 =	vnsel vm12, $0x29, v32;
	vm13 =	veq.s32 v38, $0x0;
	[tilespmem:$0xCD0] =	vst v47  }
0xfc: {  	vm14 =	veq.s32 v42, $0x0;
	[tilespmem:$0xC60] =	vst v48;
	v49 =	vnsel vm13, $0x29, v36  }
0xfd: {  	vm15 =	veq.s32 v44, $0x0;
	v50 =	vnsel vm14, $0x29, v40;
	[tilespmem:$0xCE0] =	vst v49  }
0xfe: {  	v51 =	vnsel vm15, $0x29, v46;
	[tilespmem:$0xC70] =	vst v50  }
0xff: {  	s8 =	rddreg [dreg:$0xb];
	[tilespmem:$0xCF0] =	vst v51  }
0x100: {  	[tilespmem:s15], [sflag:$0x1] =	stream.strided.gather [hbm4b:s8+s12], $0x200, s13, s12, $0x38;
	[tilespmem:$0x18F00] =	vst v63  }
0x101: {  	_ = 	snop  }
0x102: {  	[tilespmem:s26], [sflag:$0x7] =	stream.indirect.gather [spmem:s3], $0x80, s10, s9, $0xb8;
	[tilespmem:$0x18F00] =	vst v63  }
0x103: {  	_ = 	snop  }
0x104: {  	[tilespmem:s6], [sflag:$0x7] =	stream.indirect.gather [spmem:s3], $0x80, s1, s9, $0xb8;
	[tilespmem:$0x18F00] =	vst v63  }
0x105: {  	_ =	swait.ge [sflag:s2], $0x4000  }
0x106: {  	[sflag:s2] =	ssyncset.done $0x0  }
0x107: {  	[sflag:s2] =	ssyncadd.s32 $0xFFFFC000  }
0x108: {  	_ =	swait.ge [sflag:s2], $0x4000  }
0x109: {  	[sflag:s2] =	ssyncset.done $0x0  }
0x10a: {  	s22 =	simm.s32 $0x0;
	s4 =	rddreg [dreg:$0xc];
	[sflag:s2] =	ssyncadd.s32 $0xFFFFC000  }
0x10b: {  	[hbm4b:s4+s22] =	stream.linear.scatter [tilespmem:s26], [sflag:$0x4], $0x8000, $0x38;
	[tilespmem:$0x18F00] =	vst v63  }
0x10c: {  	_ =	swait.ge [sflag:s7], $0x200  }
0x10d: {  	[sflag:s7] =	ssyncset.done $0x0  }
0x10e: {  	[sflag:s7] =	ssyncadd.s32 $0xFFFFFE00  }
0x10f: {  	v52 =	vld [tilespmem:$0x800]  }
0x110: {  	v53 =	vld [tilespmem:$0x900]  }
0x111: {  	v54 =	vld [tilespmem:$0x880]  }
0x112: {  	v55 =	vld [tilespmem:$0x980]  }
0x113: {  	v56 =	vld [tilespmem:$0x810]  }
0x114: {  	v57 =	vld [tilespmem:$0x910]  }
0x115: {  	v58 =	vld [tilespmem:$0x890]  }
0x116: {  	v59 =	vld [tilespmem:$0x990]  }
0x117: {  	v60 =	vld [tilespmem:$0x820]  }
0x118: {  	v61 =	vld [tilespmem:$0x920]  }
0x119: {  	v62 =	vld [tilespmem:$0x8A0]  }
0x11a: {  	v63 =	vld [tilespmem:$0x9A0]  }
0x11b: {  	v21 =	vld [tilespmem:$0x830]  }
0x11c: {  	v22 =	vld [tilespmem:$0x930]  }
0x11d: {  	v23 =	vld [tilespmem:$0x8B0]  }
0x11e: {  	v24 =	vld [tilespmem:$0x9B0]  }
0x11f: {  	v25 =	vld [tilespmem:$0x840]  }
0x120: {  	v26 =	vld [tilespmem:$0x940]  }
0x121: {  	v27 =	vld [tilespmem:$0x8C0]  }
0x122: {  	v28 =	vld [tilespmem:$0x9C0]  }
0x123: {  	v29 =	vld [tilespmem:$0x850];
	vm4 =	veq.s32 v53, $0x0  }
0x124: {  	v30 =	vld [tilespmem:$0x950];
	vm5 =	veq.s32 v55, $0x0;
	v0 =	vnsel vm4, $0x29, v52  }
0x125: {  	v32 =	vld [tilespmem:$0x8D0];
	vm6 =	veq.s32 v57, $0x0;
	v31 =	vnsel vm5, $0x29, v54;
	[tilespmem:$0xD00] =	vst v0  }
0x126: {  	v34 =	vld [tilespmem:$0x9D0];
	vm7 =	veq.s32 v59, $0x0;
	v33 =	vnsel vm6, $0x29, v56;
	[tilespmem:$0xD80] =	vst v31  }
0x127: {  	v36 =	vld [tilespmem:$0x860];
	vm8 =	veq.s32 v61, $0x0;
	v35 =	vnsel vm7, $0x29, v58;
	[tilespmem:$0xD10] =	vst v33  }
0x128: {  	v38 =	vld [tilespmem:$0x960];
	vm9 =	veq.s32 v63, $0x0;
	v37 =	vnsel vm8, $0x29, v60;
	[tilespmem:$0xD90] =	vst v35  }
0x129: {  	v40 =	vld [tilespmem:$0x8E0];
	vm10 =	veq.s32 v22, $0x0;
	v39 =	vnsel vm9, $0x29, v62;
	[tilespmem:$0xD20] =	vst v37  }
0x12a: {  	v42 =	vld [tilespmem:$0x9E0];
	vm11 =	veq.s32 v24, $0x0;
	v41 =	vnsel vm10, $0x29, v21;
	[tilespmem:$0xDA0] =	vst v39  }
0x12b: {  	v44 =	vld [tilespmem:$0x870];
	vm12 =	veq.s32 v26, $0x0;
	v43 =	vnsel vm11, $0x29, v23;
	[tilespmem:$0xD30] =	vst v41  }
0x12c: {  	v46 =	vld [tilespmem:$0x970];
	vm13 =	veq.s32 v28, $0x0;
	v45 =	vnsel vm12, $0x29, v25;
	[tilespmem:$0xDB0] =	vst v43  }
0x12d: {  	v48 =	vld [tilespmem:$0x9F0];
	vm14 =	veq.s32 v30, $0x0;
	v47 =	vnsel vm13, $0x29, v27;
	[tilespmem:$0xD40] =	vst v45  }
0x12e: {  	v50 =	vld [tilespmem:$0x8F0];
	vm15 =	veq.s32 v34, $0x0;
	v49 =	vnsel vm14, $0x29, v29;
	[tilespmem:$0xDC0] =	vst v47  }
0x12f: {  	v51 =	vnsel vm15, $0x29, v32;
	vm4 =	veq.s32 v38, $0x0;
	[tilespmem:$0xD50] =	vst v49  }
0x130: {  	vm5 =	veq.s32 v42, $0x0;
	[tilespmem:$0xDD0] =	vst v51;
	v52 =	vnsel vm4, $0x29, v36  }
0x131: {  	vm6 =	veq.s32 v46, $0x0;
	v53 =	vnsel vm5, $0x29, v40;
	[tilespmem:$0xD60] =	vst v52  }
0x132: {  	vm7 =	veq.s32 v48, $0x0;
	v54 =	vnsel vm6, $0x29, v44;
	[tilespmem:$0xDE0] =	vst v53  }
0x133: {  	v55 =	vnsel vm7, $0x29, v50;
	[tilespmem:$0xD70] =	vst v54  }
0x134: {  	s4 =	rddreg [dreg:$0xd];
	[tilespmem:$0xDF0] =	vst v55  }
0x135: {  	[tilespmem:s21], [sflag:$0x2] =	stream.strided.gather [hbm4b:s4+s12], $0x200, s13, s12, $0x38;
	[tilespmem:$0x18F00] =	vst v63  }
0x136: {  	_ = 	snop  }
0x137: {  	[tilespmem:s11], [sflag:$0x8] =	stream.indirect.gather [spmem:s3], $0x80, s24, s9, $0xb8;
	[tilespmem:$0x18F00] =	vst v63  }
0x138: {  	_ = 	snop  }
0x139: {  	[tilespmem:s25], [sflag:$0x8] =	stream.indirect.gather [spmem:s3], $0x80, s17, s9, $0xb8;
	[tilespmem:$0x18F00] =	vst v63  }
0x13a: {  	_ =	swait.ge [sflag:s0], $0x4000  }
0x13b: {  	[sflag:s0] =	ssyncset.done $0x0  }
0x13c: {  	[sflag:s0] =	ssyncadd.s32 $0xFFFFC000  }
0x13d: {  	_ =	swait.ge [sflag:s0], $0x4000  }
0x13e: {  	[sflag:s0] =	ssyncset.done $0x0  }
0x13f: {  	s17 =	rddreg [dreg:$0xe];
	[sflag:s0] =	ssyncadd.s32 $0xFFFFC000  }
0x140: {  	[hbm4b:s17+s22] =	stream.linear.scatter [tilespmem:s11], [sflag:$0x5], $0x8000, $0x38;
	[tilespmem:$0x18F00] =	vst v63  }
0x141: {  	_ =	swait.ge [sflag:s14], $0x200  }
0x142: {  	[sflag:s14] =	ssyncset.done $0x0  }
0x143: {  	[sflag:s14] =	ssyncadd.s32 $0xFFFFFE00  }
0x144: {  	v56 =	vld [tilespmem:$0xA00]  }
0x145: {  	v57 =	vld [tilespmem:$0xB00]  }
0x146: {  	v58 =	vld [tilespmem:$0xA80]  }
0x147: {  	v59 =	vld [tilespmem:$0xB80]  }
0x148: {  	v60 =	vld [tilespmem:$0xA10]  }
0x149: {  	v61 =	vld [tilespmem:$0xB10]  }
0x14a: {  	v62 =	vld [tilespmem:$0xA90]  }
0x14b: {  	v63 =	vld [tilespmem:$0xB90]  }
0x14c: {  	v21 =	vld [tilespmem:$0xA20]  }
0x14d: {  	v22 =	vld [tilespmem:$0xB20]  }
0x14e: {  	v23 =	vld [tilespmem:$0xAA0]  }
0x14f: {  	v24 =	vld [tilespmem:$0xBA0]  }
0x150: {  	v25 =	vld [tilespmem:$0xA30]  }
0x151: {  	v26 =	vld [tilespmem:$0xB30]  }
0x152: {  	v27 =	vld [tilespmem:$0xAB0]  }
0x153: {  	v28 =	vld [tilespmem:$0xBB0]  }
0x154: {  	v29 =	vld [tilespmem:$0xA40]  }
0x155: {  	v30 =	vld [tilespmem:$0xB40]  }
0x156: {  	v31 =	vld [tilespmem:$0xAC0]  }
0x157: {  	v32 =	vld [tilespmem:$0xBC0]  }
0x158: {  	v33 =	vld [tilespmem:$0xA50];
	vm8 =	veq.s32 v57, $0x0  }
0x159: {  	v34 =	vld [tilespmem:$0xB50];
	vm9 =	veq.s32 v59, $0x0;
	v0 =	vnsel vm8, $0x29, v56  }
0x15a: {  	v36 =	vld [tilespmem:$0xAD0];
	vm10 =	veq.s32 v61, $0x0;
	v35 =	vnsel vm9, $0x29, v58;
	[tilespmem:$0xE00] =	vst v0  }
0x15b: {  	v38 =	vld [tilespmem:$0xBD0];
	vm11 =	veq.s32 v63, $0x0;
	v37 =	vnsel vm10, $0x29, v60;
	[tilespmem:$0xE80] =	vst v35  }
0x15c: {  	v40 =	vld [tilespmem:$0xA60];
	vm12 =	veq.s32 v22, $0x0;
	v39 =	vnsel vm11, $0x29, v62;
	[tilespmem:$0xE10] =	vst v37  }
0x15d: {  	v42 =	vld [tilespmem:$0xB60];
	vm13 =	veq.s32 v24, $0x0;
	v41 =	vnsel vm12, $0x29, v21;
	[tilespmem:$0xE90] =	vst v39  }
0x15e: {  	v44 =	vld [tilespmem:$0xAE0];
	vm14 =	veq.s32 v26, $0x0;
	v43 =	vnsel vm13, $0x29, v23;
	[tilespmem:$0xE20] =	vst v41  }
0x15f: {  	v46 =	vld [tilespmem:$0xBE0];
	vm15 =	veq.s32 v28, $0x0;
	v45 =	vnsel vm14, $0x29, v25;
	[tilespmem:$0xEA0] =	vst v43  }
0x160: {  	v48 =	vld [tilespmem:$0xA70];
	vm4 =	veq.s32 v30, $0x0;
	v47 =	vnsel vm15, $0x29, v27;
	[tilespmem:$0xE30] =	vst v45  }
0x161: {  	v50 =	vld [tilespmem:$0xB70];
	vm5 =	veq.s32 v32, $0x0;
	v49 =	vnsel vm4, $0x29, v29;
	[tilespmem:$0xEB0] =	vst v47  }
0x162: {  	v52 =	vld [tilespmem:$0xBF0];
	vm6 =	veq.s32 v34, $0x0;
	v51 =	vnsel vm5, $0x29, v31;
	[tilespmem:$0xE40] =	vst v49  }
0x163: {  	v54 =	vld [tilespmem:$0xAF0];
	vm7 =	veq.s32 v38, $0x0;
	v53 =	vnsel vm6, $0x29, v33;
	[tilespmem:$0xEC0] =	vst v51  }
0x164: {  	v55 =	vnsel vm7, $0x29, v36;
	vm8 =	veq.s32 v42, $0x0;
	[tilespmem:$0xE50] =	vst v53  }
0x165: {  	vm9 =	veq.s32 v46, $0x0;
	[tilespmem:$0xED0] =	vst v55;
	v56 =	vnsel vm8, $0x29, v40  }
0x166: {  	vm10 =	veq.s32 v50, $0x0;
	v57 =	vnsel vm9, $0x29, v44;
	[tilespmem:$0xE60] =	vst v56  }
0x167: {  	vm11 =	veq.s32 v52, $0x0;
	v58 =	vnsel vm10, $0x29, v48;
	[tilespmem:$0xEE0] =	vst v57  }
0x168: {  	v59 =	vnsel vm11, $0x29, v54;
	[tilespmem:$0xE70] =	vst v58  }
0x169: {  	s21 =	rddreg [dreg:$0xf];
	[tilespmem:$0xEF0] =	vst v59  }
0x16a: {  	[tilespmem:s23], [sflag:$0x3] =	stream.strided.gather [hbm4b:s21+s12], $0x200, s13, s12, $0x38;
	[tilespmem:$0x18F00] =	vst v63  }
0x16b: {  	_ = 	snop  }
0x16c: {  	[tilespmem:s16], [sflag:$0x9] =	stream.indirect.gather [spmem:s3], $0x80, s28, s9, $0xb8;
	[tilespmem:$0x18F00] =	vst v63  }
0x16d: {  	s4 =	simm.s32 $0x14F00  }
0x16e: {  	[tilespmem:s4], [sflag:$0x9] =	stream.indirect.gather [spmem:s3], $0x80, s31, s9, $0xb8;
	[tilespmem:$0x18F00] =	vst v63  }
0x16f: {  	_ =	swait.ge [sflag:s18], $0x4000  }
0x170: {  	[sflag:s18] =	ssyncset.done $0x0  }
0x171: {  	[sflag:s18] =	ssyncadd.s32 $0xFFFFC000  }
0x172: {  	_ =	swait.ge [sflag:s18], $0x4000  }
0x173: {  	[sflag:s18] =	ssyncset.done $0x0  }
0x174: {  	s24 =	rddreg [dreg:$0x11];
	[sflag:s18] =	ssyncadd.s32 $0xFFFFC000  }
0x175: {  	[hbm4b:s24+s22] =	stream.linear.scatter [tilespmem:s16], [sflag:$0x6], $0x8000, $0x38;
	[tilespmem:$0x18F00] =	vst v63  }
0x176: {  	_ =	swait.ge [sflag:s30], $0x200  }
0x177: {  	[sflag:s30] =	ssyncset.done $0x0  }
0x178: {  	[sflag:s30] =	ssyncadd.s32 $0xFFFFFE00  }
0x179: {  	v60 =	vld [tilespmem:$0x600]  }
0x17a: {  	v61 =	vld [tilespmem:$0x700]  }
0x17b: {  	v62 =	vld [tilespmem:$0x680]  }
0x17c: {  	v63 =	vld [tilespmem:$0x780]  }
0x17d: {  	v21 =	vld [tilespmem:$0x610]  }
0x17e: {  	v22 =	vld [tilespmem:$0x710]  }
0x17f: {  	v23 =	vld [tilespmem:$0x690]  }
0x180: {  	v24 =	vld [tilespmem:$0x790]  }
0x181: {  	v25 =	vld [tilespmem:$0x620]  }
0x182: {  	v26 =	vld [tilespmem:$0x720]  }
0x183: {  	v27 =	vld [tilespmem:$0x6A0]  }
0x184: {  	v28 =	vld [tilespmem:$0x7A0]  }
0x185: {  	v29 =	vld [tilespmem:$0x630]  }
0x186: {  	v30 =	vld [tilespmem:$0x730]  }
0x187: {  	v31 =	vld [tilespmem:$0x6B0]  }
0x188: {  	v32 =	vld [tilespmem:$0x7B0]  }
0x189: {  	v33 =	vld [tilespmem:$0x640]  }
0x18a: {  	v34 =	vld [tilespmem:$0x740]  }
0x18b: {  	v35 =	vld [tilespmem:$0x6C0]  }
0x18c: {  	v36 =	vld [tilespmem:$0x7C0]  }
0x18d: {  	v37 =	vld [tilespmem:$0x650];
	vm12 =	veq.s32 v61, $0x0  }
0x18e: {  	v38 =	vld [tilespmem:$0x750];
	vm13 =	veq.s32 v63, $0x0;
	v0 =	vnsel vm12, $0x29, v60  }
0x18f: {  	v40 =	vld [tilespmem:$0x6D0];
	vm14 =	veq.s32 v22, $0x0;
	v39 =	vnsel vm13, $0x29, v62;
	[tilespmem:$0xC00] =	vst v0  }
0x190: {  	v42 =	vld [tilespmem:$0x7D0];
	vm15 =	veq.s32 v24, $0x0;
	v41 =	vnsel vm14, $0x29, v21;
	[tilespmem:$0xC80] =	vst v39  }
0x191: {  	v44 =	vld [tilespmem:$0x660];
	vm4 =	veq.s32 v26, $0x0;
	v43 =	vnsel vm15, $0x29, v23;
	[tilespmem:$0xC10] =	vst v41  }
0x192: {  	v46 =	vld [tilespmem:$0x760];
	vm5 =	veq.s32 v28, $0x0;
	v45 =	vnsel vm4, $0x29, v25;
	[tilespmem:$0xC90] =	vst v43  }
0x193: {  	v48 =	vld [tilespmem:$0x6E0];
	vm6 =	veq.s32 v30, $0x0;
	v47 =	vnsel vm5, $0x29, v27;
	[tilespmem:$0xC20] =	vst v45  }
0x194: {  	v50 =	vld [tilespmem:$0x7E0];
	vm7 =	veq.s32 v32, $0x0;
	v49 =	vnsel vm6, $0x29, v29;
	[tilespmem:$0xCA0] =	vst v47  }
0x195: {  	v52 =	vld [tilespmem:$0x670];
	vm8 =	veq.s32 v34, $0x0;
	v51 =	vnsel vm7, $0x29, v31;
	[tilespmem:$0xC30] =	vst v49  }
0x196: {  	v54 =	vld [tilespmem:$0x770];
	vm9 =	veq.s32 v36, $0x0;
	v53 =	vnsel vm8, $0x29, v33;
	[tilespmem:$0xCB0] =	vst v51  }
0x197: {  	v56 =	vld [tilespmem:$0x7F0];
	vm10 =	veq.s32 v38, $0x0;
	v55 =	vnsel vm9, $0x29, v35;
	[tilespmem:$0xC40] =	vst v53  }
0x198: {  	v58 =	vld [tilespmem:$0x6F0];
	vm11 =	veq.s32 v42, $0x0;
	v57 =	vnsel vm10, $0x29, v37;
	[tilespmem:$0xCC0] =	vst v55  }
0x199: {  	v59 =	vnsel vm11, $0x29, v40;
	vm12 =	veq.s32 v46, $0x0;
	[tilespmem:$0xC50] =	vst v57  }
0x19a: {  	vm13 =	veq.s32 v50, $0x0;
	[tilespmem:$0xCD0] =	vst v59;
	v60 =	vnsel vm12, $0x29, v44  }
0x19b: {  	vm14 =	veq.s32 v54, $0x0;
	v61 =	vnsel vm13, $0x29, v48;
	[tilespmem:$0xC60] =	vst v60  }
0x19c: {  	vm15 =	veq.s32 v56, $0x0;
	v62 =	vnsel vm14, $0x29, v52;
	[tilespmem:$0xCE0] =	vst v61  }
0x19d: {  	v63 =	vnsel vm15, $0x29, v58;
	[tilespmem:$0xC70] =	vst v62  }
0x19e: {  	s25 =	rddreg [dreg:$0x10];
	[tilespmem:$0xCF0] =	vst v63  }
0x19f: {  	[tilespmem:s15], [sflag:$0x1] =	stream.strided.gather [hbm4b:s25+s12], $0x200, s13, s12, $0x38;
	[tilespmem:$0x18F00] =	vst v63  }
0x1a0: {  	_ =	swait.ge [sflag:s29], $0x8000  }
0x1a1: {  	s17 =	simm.s32 $0xE80;
	s11 =	simm.s32 $0x4F00;
	s23 =	rddreg [dreg:$0x17]  }
0x1a2: {  	s28 =	simm.s32 $0x0;
	[sflag:s29] =	ssyncset.done $0x0;
	s24 =	rddreg [dreg:$0x15]  }
0x1a3: {  	s4 =	simm.s32 $0xF00;
	s25 =	rddreg [dreg:$0x14];
	[sflag:s29] =	ssyncadd.s32 $0xFFFF8000  }
0x1a4: {  	[tilespmem:s26], [sflag:$0x7] =	stream.indirect.gather [spmem:s3], $0x80, s10, s9, $0xb8;
	[tilespmem:$0x18F00] =	vst v63  }
0x1a5: {  	s31 =	simm.s32 $0x10F00;
	s16 =	simm.s32 $0x8F00;
	s26 =	rddreg [dreg:$0x16]  }
0x1a6: {  	[tilespmem:s6], [sflag:$0x7] =	stream.indirect.gather [spmem:s3], $0x80, s1, s9, $0xb8;
	[tilespmem:$0x18F00] =	vst v63  }
0x1a7: {  	s10 =	simm.s32 $0xCF00;
	s6 =	simm.s32 $0xC80;
	s1 =	simm.s32 $0xC00  }
.LBB2_6:
0x1a8: {  	_ =	swait.ge [sflag:s2], $0x4000  }
0x1a9: {  	[sflag:s2] =	ssyncset.done $0x0  }
0x1aa: {  	[sflag:s2] =	ssyncadd.s32 $0xFFFFC000  }
0x1ab: {  	_ =	swait.ge [sflag:s2], $0x4000  }
0x1ac: {  	[sflag:s2] =	ssyncset.done $0x0  }
0x1ad: {  	[sflag:s2] =	ssyncadd.s32 $0xFFFFC000  }
0x1ae: {  	[hbm4b:s23+s28] =	stream.linear.scatter [tilespmem:s4], [sflag:$0x4], $0x8000, $0x38;
	[tilespmem:$0x18F00] =	vst v63  }
0x1af: {  	_ =	swait.ge [sflag:s7], $0x200  }
0x1b0: {  	[sflag:s7] =	ssyncset.done $0x0  }
0x1b1: {  	[sflag:s7] =	ssyncadd.s32 $0xFFFFFE00  }
0x1b2: {  	v0 =	vld [tilespmem:$0x800]  }
0x1b3: {  	v1 =	vld [tilespmem:$0x900]  }
0x1b4: {  	v2 =	vld [tilespmem:$0x880]  }
0x1b5: {  	v3 =	vld [tilespmem:$0x980]  }
0x1b6: {  	v4 =	vld [tilespmem:$0x810]  }
0x1b7: {  	v5 =	vld [tilespmem:$0x910]  }
0x1b8: {  	v6 =	vld [tilespmem:$0x890]  }
0x1b9: {  	v7 =	vld [tilespmem:$0x990]  }
0x1ba: {  	v8 =	vld [tilespmem:$0x820]  }
0x1bb: {  	v9 =	vld [tilespmem:$0x920]  }
0x1bc: {  	v10 =	vld [tilespmem:$0x8A0]  }
0x1bd: {  	v11 =	vld [tilespmem:$0x9A0]  }
0x1be: {  	v12 =	vld [tilespmem:$0x830]  }
0x1bf: {  	v13 =	vld [tilespmem:$0x930]  }
0x1c0: {  	v14 =	vld [tilespmem:$0x8B0]  }
0x1c1: {  	v15 =	vld [tilespmem:$0x9B0]  }
0x1c2: {  	v16 =	vld [tilespmem:$0x840]  }
0x1c3: {  	v17 =	vld [tilespmem:$0x940]  }
0x1c4: {  	v18 =	vld [tilespmem:$0x8C0]  }
0x1c5: {  	v19 =	vld [tilespmem:$0x9C0]  }
0x1c6: {  	v29 =	vld [tilespmem:$0x850];
	vm0 =	veq.s32 v1, $0x0  }
0x1c7: {  	v30 =	vld [tilespmem:$0x950];
	vm5 =	veq.s32 v3, $0x0;
	v0 =	vnsel vm0, $0x29, v0  }
0x1c8: {  	v32 =	vld [tilespmem:$0x8D0];
	vm6 =	veq.s32 v5, $0x0;
	v31 =	vnsel vm5, $0x29, v2;
	[tilespmem:$0xD00] =	vst v0  }
0x1c9: {  	v34 =	vld [tilespmem:$0x9D0];
	vm7 =	veq.s32 v7, $0x0;
	v33 =	vnsel vm6, $0x29, v4;
	[tilespmem:$0xD80] =	vst v31  }
0x1ca: {  	v36 =	vld [tilespmem:$0x860];
	vm8 =	veq.s32 v9, $0x0;
	v35 =	vnsel vm7, $0x29, v6;
	[tilespmem:$0xD10] =	vst v33  }
0x1cb: {  	v38 =	vld [tilespmem:$0x960];
	vm9 =	veq.s32 v11, $0x0;
	v37 =	vnsel vm8, $0x29, v8;
	[tilespmem:$0xD90] =	vst v35  }
0x1cc: {  	v40 =	vld [tilespmem:$0x8E0];
	vm10 =	veq.s32 v13, $0x0;
	v39 =	vnsel vm9, $0x29, v10;
	[tilespmem:$0xD20] =	vst v37  }
0x1cd: {  	v42 =	vld [tilespmem:$0x9E0];
	vm11 =	veq.s32 v15, $0x0;
	v41 =	vnsel vm10, $0x29, v12;
	[tilespmem:$0xDA0] =	vst v39  }
0x1ce: {  	v44 =	vld [tilespmem:$0x870];
	vm12 =	veq.s32 v17, $0x0;
	v43 =	vnsel vm11, $0x29, v14;
	[tilespmem:$0xD30] =	vst v41  }
0x1cf: {  	v46 =	vld [tilespmem:$0x970];
	vm13 =	veq.s32 v19, $0x0;
	v45 =	vnsel vm12, $0x29, v16;
	[tilespmem:$0xDB0] =	vst v43  }
0x1d0: {  	v48 =	vld [tilespmem:$0x9F0];
	vm14 =	veq.s32 v30, $0x0;
	v47 =	vnsel vm13, $0x29, v18;
	[tilespmem:$0xD40] =	vst v45  }
0x1d1: {  	v50 =	vld [tilespmem:$0x8F0];
	vm15 =	veq.s32 v34, $0x0;
	v49 =	vnsel vm14, $0x29, v29;
	[tilespmem:$0xDC0] =	vst v47  }
0x1d2: {  	p2 =	seq.s32 s22, $0x240;
	s8 =	rddreg [dreg:$0x5];
	vm4 =	veq.s32 v38, $0x0;
	v51 =	vnsel vm15, $0x29, v32;
	[tilespmem:$0xD50] =	vst v49  }
0x1d3: {  	s21 =	sadd.s32 @!p2 s22, s8;
	v52 =	vnsel vm4, $0x29, v36;
	vm5 =	veq.s32 v42, $0x0;
	[tilespmem:$0xDD0] =	vst v51  }
0x1d4: {  	s8 =	sadd.s32 @!p2 $0xE0, s21;
	vm6 =	veq.s32 v46, $0x0;
	[tilespmem:$0xD60] =	vst v52;
	v53 =	vnsel vm5, $0x29, v40  }
0x1d5: {  	s12 =	sadd.s32 @!p2 $0x1C0, s25;
	s8 =	sand.u32 @!p2 $0x60, s8;
	vm7 =	veq.s32 v48, $0x0;
	v54 =	vnsel vm6, $0x29, v44;
	[tilespmem:$0xDE0] =	vst v53  }
0x1d6: {  	s15 =	simm.s32 @!p2 $0x800;
	s12 =	sand.u32 @!p2 $0xFFFFF00, s12;
	s8 =	sadd.s32 @!p2 s5, s8;
	v55 =	vnsel vm7, $0x29, v50;
	[tilespmem:$0xD70] =	vst v54  }
0x1d7: {  	s13 =	sadd.s32 @!p2 s12, s8;
	s8 =	simm.s32 @!p2 $0x100;
	s12 =	simm.s32 @!p2 $0x400;
	[tilespmem:$0xDF0] =	vst v55  }
0x1d8: {  	[tilespmem:s15], [sflag:$0x2] =	stream.strided.gather @!p2 [hbm4b:s13+s8], $0x200, s12, s8, $0x38;
	[tilespmem:$0x18F00] =	vst v63  }
0x1d9: {  	_ =	swait.ge [sflag:s19], $0x8000  }
0x1da: {  	[sflag:s19] =	ssyncset.done $0x0  }
0x1db: {  	s15 =	simm.s32 $0xD00;
	[sflag:s19] =	ssyncadd.s32 $0xFFFF8000  }
0x1dc: {  	[tilespmem:s16], [sflag:$0x8] =	stream.indirect.gather [spmem:s3], $0x80, s15, s9, $0xb8;
	[tilespmem:$0x18F00] =	vst v63  }
0x1dd: {  	s15 =	simm.s32 $0xD80  }
0x1de: {  	[tilespmem:s10], [sflag:$0x8] =	stream.indirect.gather [spmem:s3], $0x80, s15, s9, $0xb8;
	[tilespmem:$0x18F00] =	vst v63  }
0x1df: {  	_ =	swait.ge [sflag:s0], $0x4000  }
0x1e0: {  	[sflag:s0] =	ssyncset.done $0x0  }
0x1e1: {  	[sflag:s0] =	ssyncadd.s32 $0xFFFFC000  }
0x1e2: {  	_ =	swait.ge [sflag:s0], $0x4000  }
0x1e3: {  	[sflag:s0] =	ssyncset.done $0x0  }
0x1e4: {  	[sflag:s0] =	ssyncadd.s32 $0xFFFFC000  }
0x1e5: {  	[hbm4b:s26+s28] =	stream.linear.scatter [tilespmem:s16], [sflag:$0x5], $0x8000, $0x38;
	[tilespmem:$0x18F00] =	vst v63  }
0x1e6: {  	_ =	swait.ge [sflag:s14], $0x200  }
0x1e7: {  	[sflag:s14] =	ssyncset.done $0x0  }
0x1e8: {  	[sflag:s14] =	ssyncadd.s32 $0xFFFFFE00  }
0x1e9: {  	v56 =	vld [tilespmem:$0xA00]  }
0x1ea: {  	v57 =	vld [tilespmem:$0xB00]  }
0x1eb: {  	v58 =	vld [tilespmem:$0xA80]  }
0x1ec: {  	v59 =	vld [tilespmem:$0xB80]  }
0x1ed: {  	v60 =	vld [tilespmem:$0xA10]  }
0x1ee: {  	v61 =	vld [tilespmem:$0xB10]  }
0x1ef: {  	v62 =	vld [tilespmem:$0xA90]  }
0x1f0: {  	v63 =	vld [tilespmem:$0xB90]  }
0x1f1: {  	v21 =	vld [tilespmem:$0xA20]  }
0x1f2: {  	v22 =	vld [tilespmem:$0xB20]  }
0x1f3: {  	v23 =	vld [tilespmem:$0xAA0]  }
0x1f4: {  	v24 =	vld [tilespmem:$0xBA0]  }
0x1f5: {  	v25 =	vld [tilespmem:$0xA30]  }
0x1f6: {  	v26 =	vld [tilespmem:$0xB30]  }
0x1f7: {  	v27 =	vld [tilespmem:$0xAB0]  }
0x1f8: {  	v28 =	vld [tilespmem:$0xBB0]  }
0x1f9: {  	v29 =	vld [tilespmem:$0xA40]  }
0x1fa: {  	v30 =	vld [tilespmem:$0xB40]  }
0x1fb: {  	v31 =	vld [tilespmem:$0xAC0]  }
0x1fc: {  	v32 =	vld [tilespmem:$0xBC0]  }
0x1fd: {  	v33 =	vld [tilespmem:$0xA50];
	vm8 =	veq.s32 v57, $0x0  }
0x1fe: {  	v34 =	vld [tilespmem:$0xB50];
	vm9 =	veq.s32 v59, $0x0;
	v0 =	vnsel vm8, $0x29, v56  }
0x1ff: {  	v36 =	vld [tilespmem:$0xAD0];
	vm10 =	veq.s32 v61, $0x0;
	v35 =	vnsel vm9, $0x29, v58;
	[tilespmem:$0xE00] =	vst v0  }
0x200: {  	v38 =	vld [tilespmem:$0xBD0];
	vm11 =	veq.s32 v63, $0x0;
	v37 =	vnsel vm10, $0x29, v60;
	[tilespmem:$0xE80] =	vst v35  }
0x201: {  	v40 =	vld [tilespmem:$0xA60];
	vm12 =	veq.s32 v22, $0x0;
	v39 =	vnsel vm11, $0x29, v62;
	[tilespmem:$0xE10] =	vst v37  }
0x202: {  	v42 =	vld [tilespmem:$0xB60];
	vm13 =	veq.s32 v24, $0x0;
	v41 =	vnsel vm12, $0x29, v21;
	[tilespmem:$0xE90] =	vst v39  }
0x203: {  	v44 =	vld [tilespmem:$0xAE0];
	vm14 =	veq.s32 v26, $0x0;
	v43 =	vnsel vm13, $0x29, v23;
	[tilespmem:$0xE20] =	vst v41  }
0x204: {  	v46 =	vld [tilespmem:$0xBE0];
	vm15 =	veq.s32 v28, $0x0;
	v45 =	vnsel vm14, $0x29, v25;
	[tilespmem:$0xEA0] =	vst v43  }
0x205: {  	v48 =	vld [tilespmem:$0xA70];
	vm4 =	veq.s32 v30, $0x0;
	v47 =	vnsel vm15, $0x29, v27;
	[tilespmem:$0xE30] =	vst v45  }
0x206: {  	v50 =	vld [tilespmem:$0xB70];
	vm5 =	veq.s32 v32, $0x0;
	v49 =	vnsel vm4, $0x29, v29;
	[tilespmem:$0xEB0] =	vst v47  }
0x207: {  	v52 =	vld [tilespmem:$0xBF0];
	vm6 =	veq.s32 v34, $0x0;
	v51 =	vnsel vm5, $0x29, v31;
	[tilespmem:$0xE40] =	vst v49  }
0x208: {  	v54 =	vld [tilespmem:$0xAF0];
	vm7 =	veq.s32 v38, $0x0;
	v53 =	vnsel vm6, $0x29, v33;
	[tilespmem:$0xEC0] =	vst v51  }
0x209: {  	v55 =	vnsel vm7, $0x29, v36;
	vm8 =	veq.s32 v42, $0x0;
	[tilespmem:$0xE50] =	vst v53  }
0x20a: {  	vm9 =	veq.s32 v46, $0x0;
	[tilespmem:$0xED0] =	vst v55;
	v56 =	vnsel vm8, $0x29, v40  }
0x20b: {  	s13 =	sadd.s32 @!p2 $0x100, s21;
	vm10 =	veq.s32 v50, $0x0;
	v57 =	vnsel vm9, $0x29, v44;
	[tilespmem:$0xE60] =	vst v56  }
0x20c: {  	s13 =	sand.u32 @!p2 $0x60, s13;
	s15 =	sadd.s32 @!p2 $0x200, s25;
	vm11 =	veq.s32 v52, $0x0;
	v58 =	vnsel vm10, $0x29, v48;
	[tilespmem:$0xEE0] =	vst v57  }
0x20d: {  	s13 =	sadd.s32 @!p2 s5, s13;
	s15 =	sand.u32 @!p2 $0xFFFFF00, s15;
	v59 =	vnsel vm11, $0x29, v54;
	[tilespmem:$0xE70] =	vst v58  }
0x20e: {  	s13 =	sadd.s32 @!p2 s15, s13;
	s15 =	simm.s32 @!p2 $0xA00;
	[tilespmem:$0xEF0] =	vst v59  }
0x20f: {  	[tilespmem:s15], [sflag:$0x3] =	stream.strided.gather @!p2 [hbm4b:s13+s8], $0x200, s12, s8, $0x38;
	[tilespmem:$0x18F00] =	vst v63  }
0x210: {  	_ =	swait.ge [sflag:s20], $0x8000  }
0x211: {  	[sflag:s20] =	ssyncset.done $0x0  }
0x212: {  	s15 =	simm.s32 $0xE00;
	[sflag:s20] =	ssyncadd.s32 $0xFFFF8000  }
0x213: {  	[tilespmem:s31], [sflag:$0x9] =	stream.indirect.gather [spmem:s3], $0x80, s15, s9, $0xb8;
	[tilespmem:$0x18F00] =	vst v63  }
0x214: {  	s15 =	simm.s32 $0x14F00  }
0x215: {  	[tilespmem:s15], [sflag:$0x9] =	stream.indirect.gather [spmem:s3], $0x80, s17, s9, $0xb8;
	[tilespmem:$0x18F00] =	vst v63  }
0x216: {  	_ =	swait.ge [sflag:s18], $0x4000  }
0x217: {  	[sflag:s18] =	ssyncset.done $0x0  }
0x218: {  	[sflag:s18] =	ssyncadd.s32 $0xFFFFC000  }
0x219: {  	_ =	swait.ge [sflag:s18], $0x4000  }
0x21a: {  	[sflag:s18] =	ssyncset.done $0x0  }
0x21b: {  	[sflag:s18] =	ssyncadd.s32 $0xFFFFC000  }
0x21c: {  	[hbm4b:s24+s28] =	stream.linear.scatter [tilespmem:s31], [sflag:$0x6], $0x8000, $0x38;
	[tilespmem:$0x18F00] =	vst v63  }
0x21d: {  	_ =	swait.ge [sflag:s30], $0x200  }
0x21e: {  	[sflag:s30] =	ssyncset.done $0x0  }
0x21f: {  	[sflag:s30] =	ssyncadd.s32 $0xFFFFFE00  }
0x220: {  	v60 =	vld [tilespmem:$0x600]  }
0x221: {  	v61 =	vld [tilespmem:$0x700]  }
0x222: {  	v62 =	vld [tilespmem:$0x680]  }
0x223: {  	v63 =	vld [tilespmem:$0x780]  }
0x224: {  	v21 =	vld [tilespmem:$0x610]  }
0x225: {  	v22 =	vld [tilespmem:$0x710]  }
0x226: {  	v23 =	vld [tilespmem:$0x690]  }
0x227: {  	v24 =	vld [tilespmem:$0x790]  }
0x228: {  	v25 =	vld [tilespmem:$0x620]  }
0x229: {  	v26 =	vld [tilespmem:$0x720]  }
0x22a: {  	v27 =	vld [tilespmem:$0x6A0]  }
0x22b: {  	v28 =	vld [tilespmem:$0x7A0]  }
0x22c: {  	v29 =	vld [tilespmem:$0x630]  }
0x22d: {  	v30 =	vld [tilespmem:$0x730]  }
0x22e: {  	v31 =	vld [tilespmem:$0x6B0]  }
0x22f: {  	v32 =	vld [tilespmem:$0x7B0]  }
0x230: {  	v33 =	vld [tilespmem:$0x640]  }
0x231: {  	v34 =	vld [tilespmem:$0x740]  }
0x232: {  	v35 =	vld [tilespmem:$0x6C0]  }
0x233: {  	v36 =	vld [tilespmem:$0x7C0]  }
0x234: {  	v37 =	vld [tilespmem:$0x650];
	vm12 =	veq.s32 v61, $0x0  }
0x235: {  	v38 =	vld [tilespmem:$0x750];
	vm13 =	veq.s32 v63, $0x0;
	v0 =	vnsel vm12, $0x29, v60  }
0x236: {  	v40 =	vld [tilespmem:$0x6D0];
	vm14 =	veq.s32 v22, $0x0;
	v39 =	vnsel vm13, $0x29, v62;
	[tilespmem:$0xC00] =	vst v0  }
0x237: {  	v42 =	vld [tilespmem:$0x7D0];
	vm15 =	veq.s32 v24, $0x0;
	v41 =	vnsel vm14, $0x29, v21;
	[tilespmem:$0xC80] =	vst v39  }
0x238: {  	v44 =	vld [tilespmem:$0x660];
	vm4 =	veq.s32 v26, $0x0;
	v43 =	vnsel vm15, $0x29, v23;
	[tilespmem:$0xC10] =	vst v41  }
0x239: {  	v46 =	vld [tilespmem:$0x760];
	vm5 =	veq.s32 v28, $0x0;
	v45 =	vnsel vm4, $0x29, v25;
	[tilespmem:$0xC90] =	vst v43  }
0x23a: {  	v48 =	vld [tilespmem:$0x6E0];
	vm6 =	veq.s32 v30, $0x0;
	v47 =	vnsel vm5, $0x29, v27;
	[tilespmem:$0xC20] =	vst v45  }
0x23b: {  	v50 =	vld [tilespmem:$0x7E0];
	vm7 =	veq.s32 v32, $0x0;
	v49 =	vnsel vm6, $0x29, v29;
	[tilespmem:$0xCA0] =	vst v47  }
0x23c: {  	v52 =	vld [tilespmem:$0x670];
	vm8 =	veq.s32 v34, $0x0;
	v51 =	vnsel vm7, $0x29, v31;
	[tilespmem:$0xC30] =	vst v49  }
0x23d: {  	v54 =	vld [tilespmem:$0x770];
	vm9 =	veq.s32 v36, $0x0;
	v53 =	vnsel vm8, $0x29, v33;
	[tilespmem:$0xCB0] =	vst v51  }
0x23e: {  	v56 =	vld [tilespmem:$0x7F0];
	vm10 =	veq.s32 v38, $0x0;
	v55 =	vnsel vm9, $0x29, v35;
	[tilespmem:$0xC40] =	vst v53  }
0x23f: {  	v58 =	vld [tilespmem:$0x6F0];
	vm11 =	veq.s32 v42, $0x0;
	v57 =	vnsel vm10, $0x29, v37;
	[tilespmem:$0xCC0] =	vst v55  }
0x240: {  	v59 =	vnsel vm11, $0x29, v40;
	vm12 =	veq.s32 v46, $0x0;
	[tilespmem:$0xC50] =	vst v57  }
0x241: {  	vm13 =	veq.s32 v50, $0x0;
	[tilespmem:$0xCD0] =	vst v59;
	v60 =	vnsel vm12, $0x29, v44  }
0x242: {  	s13 =	sadd.s32 @!p2 $0x120, s21;
	vm14 =	veq.s32 v54, $0x0;
	v61 =	vnsel vm13, $0x29, v48;
	[tilespmem:$0xC60] =	vst v60  }
0x243: {  	s13 =	sand.u32 @!p2 $0x60, s13;
	s15 =	sadd.s32 @!p2 $0x240, s25;
	vm15 =	veq.s32 v56, $0x0;
	v62 =	vnsel vm14, $0x29, v52;
	[tilespmem:$0xCE0] =	vst v61  }
0x244: {  	s13 =	sadd.s32 @!p2 s5, s13;
	s15 =	sand.u32 @!p2 $0xFFFFF00, s15;
	v63 =	vnsel vm15, $0x29, v58;
	[tilespmem:$0xC70] =	vst v62  }
0x245: {  	s22 =	sadd.s32 $0x60, s22;
	s13 =	sadd.s32 @!p2 s15, s13;
	s15 =	simm.s32 @!p2 $0x600;
	[tilespmem:$0xCF0] =	vst v63  }
0x246: {  	[tilespmem:s15], [sflag:$0x1] =	stream.strided.gather @!p2 [hbm4b:s13+s8], $0x200, s12, s8, $0x38;
	[tilespmem:$0x18F00] =	vst v63  }
0x247: {  	p2 =	sne.s32 s22, $0x2A0;
	_ =	swait.ge [sflag:s29], $0x8000  }
.Ltmp2:
0x248: {  	[sflag:s29] =	ssyncset.done $0x0;
	(pc) =	sbr.rel @p2 .LBB2_6-.Ltmp2, $4  }
0x249: {  	s23 =	sadd.s32 $0x3000, s23;
	[sflag:s29] =	ssyncadd.s32 $0xFFFF8000  }
0x24a: {  	[tilespmem:s4], [sflag:$0x7] =	stream.indirect.gather [spmem:s3], $0x80, s1, s9, $0xb8;
	[tilespmem:$0x18F00] =	vst v63  }
0x24b: {  	s26 =	sadd.s32 $0x3000, s26;
	s25 =	sadd.s32 $0xC0, s25;
	s24 =	sadd.s32 $0x3000, s24  }
0x24c: {  	[tilespmem:s11], [sflag:$0x7] =	stream.indirect.gather [spmem:s3], $0x80, s6, s9, $0xb8;
	[tilespmem:$0x18F00] =	vst v63  }
0x24d: {  	_ =	swait.ge [sflag:s2], $0x4000  }
0x24e: {  	[sflag:s2] =	ssyncset.done $0x0  }
0x24f: {  	[sflag:s2] =	ssyncadd.s32 $0xFFFFC000  }
0x250: {  	_ =	swait.ge [sflag:s2], $0x4000  }
0x251: {  	[sflag:s2] =	ssyncset.done $0x0  }
0x252: {  	s8 =	rddreg [dreg:$0x12];
	[sflag:s2] =	ssyncadd.s32 $0xFFFFC000  }
0x253: {  	[hbm4b:s8+s28] =	stream.linear.scatter [tilespmem:s4], [sflag:$0x4], $0x8000, $0x38;
	[tilespmem:$0x18F00] =	vst v63  }
0x254: {  	_ =	swait.ge [sflag:s29], $0x8000  }
0x255: {  	[sflag:s29] =	ssyncset.done $0x0  }
0x256: {  	[sflag:s29] =	ssyncadd.s32 $0xFFFF8000  }
0x257: {  	_ =	swait.ge [sflag:s19], $0x8000  }
0x258: {  	[sflag:s19] =	ssyncset.done $0x0  }
0x259: {  	[sflag:s19] =	ssyncadd.s32 $0xFFFF8000  }
0x25a: {  	_ =	swait.ge [sflag:s20], $0x8000  }
0x25b: {  	s12 =	simm.s32 $0x100;
	s13 =	simm.s32 $0x400;
	s22 =	rddreg [dreg:$0x18]  }
0x25c: {  	s15 =	simm.s32 $0x600;
	s26 =	rddreg [dreg:$0x13];
	s22 =	sadd.s32 $0x1, s22  }
0x25d: {  	s21 =	simm.s32 $0x800;
	s23 =	simm.s32 $0xA00;
	p2 =	sne.s32 s22, s26  }
.Ltmp3:
0x25e: {  	s24 =	simm.s32 $0xD00;
	s17 =	simm.s32 $0xD80;
	(pc) =	sbr.rel @p2 .LBB2_1-.Ltmp3, $4  }
0x25f: {  	s25 =	simm.s32 $0xCF00;
	s10 =	simm.s32 $0xC00;
	s1 =	simm.s32 $0xC80  }
0x260: {  	s6 =	simm.s32 $0x4F00;
	s11 =	simm.s32 $0x8F00;
	s16 =	simm.s32 $0x10F00  }
0x261: {  	s31 =	simm.s32 $0xE80;
	s4 =	simm.s32 $0x0;
	[sflag:s20] =	ssyncset.done $0x0  }
0x262: {  	s28 =	simm.s32 $0xE00;
	[sflag:s20] =	ssyncadd.s32 $0xFFFF8000;
	s26 =	simm.s32 $0xF00  }
0x263: {  	_ =	sfence.sel $0x180000  }
0x264: {  	[bflag:$0x0] =	sbarrier.arrive $0xFFFF  }
0x265: {  	_ =	strace $0x90000047  }
0x266: {  	s0 =	stileid.u32;
	[bflag:$0x2] =	sbarrier.arrive $0xFFFF  }
0x267: {  	p0 =	sne.s32 s0, $0x0;
	s0 =	rddreg [dreg:$0x4]  }
0x268: {  	s0 =	sadd.s32 @!p0 $0x100000, s0  }
0x269: {  	[sflag:s0] =	ssyncadd.tile.s32 @!p0 $0x1;
	_ =	shalt  }
.Lfunc_end2:
_tile_overlayer_lowered:
.L_overlay_start_2:
0x26a: {  	(tag) =	ssettag $0x2  }
0x26b: {  	s0 =	rddreg [dreg:$0x0];
	s2 =	stileid.u32  }
0x26c: {  	s1 =	rddreg [dreg:$0x1];
	p0 =	sne.s32 s2, $0x0  }
0x26d: {  	s3 =	rddreg [dreg:$0x2];
	[bflag:$0x3] =	sbarrier.arrive $0xFFFF;
	s2 =	simm.s32 @!p0 $0x1C0A  }
0x26e: {  	[timem:s3], [sflag:s2] =	dma.local @!p0 [hbm:s0], s1  }
0x26f: {  	s0 =	simm.s32 @!p0 $0xA  }
0x270: {  	_ =	swait.ge @!p0 [sflag:s0], s1  }
0x271: {  	s1 =	ssub.s32 @!p0 $0x0, s1;
	[sflag:s0] =	ssyncset.done @!p0 $0x0  }
0x272: {  	[sflag:s0] =	ssyncadd.s32 @!p0 s1  }
0x273: {  	[bflag:$0x3] =	sbarrier.arrive $0xFFFF  }
0x274: {  	_ =	shalt  }

</sc_bundles>
